<compile_context>
chip_gen: v7x
topology: tpu7x:2x2x1
jax: 0.10.2.dev20260603
libtpu: 0.0.44.dev20260713+nightly
codegen_flags: <defaults>
</compile_context>

<pallas_src>
import functools

import jax
import jax.numpy as jnp
from jax import lax
from jax.experimental import pallas as pl
from jax.experimental.pallas import tpu as pltpu
from jax.experimental.pallas import tpu_sc as plsc

N = 10000
E = 160000
D = 1280
H = 64
G = 64

NC = 2
NS = 16
HH = H // NC
E_PER_TILE = E // (NC * NS)
E_PER_TILE_C = E // NS
N_PER_TILE = N // NS


ROWS_BIG = 640
ROWS_LAST = N - 15 * ROWS_BIG


def _row_partition(s, copy_fn):
    @pl.when(s < NS - 1)
    def _():
        copy_fn(s * ROWS_BIG, ROWS_BIG)

    @pl.when(s == NS - 1)
    def _():
        copy_fn(15 * ROWS_BIG, ROWS_LAST)


DW = 16
CHUNKA = E_PER_TILE // 2


def _deg_body(dst_hbm, zeros_hbm, ones_hbm, deg_hbm, dst_v, ones_v, part_v,
              deg_sh, sem):
    c = lax.axis_index("c")
    s = lax.axis_index("s")

    def zinit(off, nr):
        pltpu.sync_copy(zeros_hbm.at[pl.ds(off, nr)], part_v.at[pl.ds(0, nr)])
        pltpu.sync_copy(part_v.at[pl.ds(0, nr)], deg_sh.at[pl.ds(off, nr)])

    _row_partition(s, zinit)
    plsc.subcore_barrier()
    w = c * NS + s
    pltpu.sync_copy(dst_hbm.at[pl.ds(2 * w, 2)], dst_v)
    pltpu.sync_copy(ones_hbm, ones_v)
    pltpu.async_copy(ones_v, deg_sh.at[dst_v.at[0]], sem, add=True).wait()
    pltpu.async_copy(ones_v, deg_sh.at[dst_v.at[1]], sem, add=True).wait()
    plsc.subcore_barrier()

    def wback(off, nr):
        pltpu.sync_copy(deg_sh.at[pl.ds(off, nr)], part_v.at[pl.ds(0, nr)])
        pltpu.sync_copy(part_v.at[pl.ds(0, nr)],
                        deg_hbm.at[c].at[pl.ds(off, nr)])

    _row_partition(s, wback)


def _deg_call(dst, zeros_n, ones_e):
    mesh = plsc.VectorSubcoreMesh(core_axis_name="c", subcore_axis_name="s",
                                  num_cores=NC, num_subcores=NS)
    return pl.kernel(
        _deg_body,
        out_type=jax.ShapeDtypeStruct((NC, N, DW), jnp.float32),
        mesh=mesh,
        scratch_types=[
            pltpu.VMEM((2, CHUNKA), jnp.int32),
            pltpu.VMEM((CHUNKA, DW), jnp.float32),
            pltpu.VMEM((ROWS_BIG, DW), jnp.float32),
            pltpu.VMEM_SHARED((N, DW), jnp.float32),
            pltpu.SemaphoreType.DMA,
        ],
        compiler_params=pltpu.CompilerParams(use_tc_tiling_on_sc=False),
    )(dst, zeros_n, ones_e)


def _mm_body(nf_ref, w_ref, deg_ref, xs_ref, dinv_ref):
    x = jnp.dot(nf_ref[...], w_ref[...], preferred_element_type=jnp.float32)
    deg = deg_ref[0] + deg_ref[1] + 1.0
    dinv = lax.rsqrt(deg)
    xs = x * dinv
    dinv_ref[...] = dinv
    xs_ref[0] = xs[:, :HH]
    xs_ref[1] = xs[:, HH:]


CHUNK = 1000
NCHUNK = E_PER_TILE_C // CHUNK


def _agg_body(xs_hbm, src_hbm, dst_hbm, agg_hbm, sidx_v, didx_v,
              rows0, rows1, init_v, agg_sh, gsem0, gsem1, ssem0, ssem1):
    c = lax.axis_index("c")
    s = lax.axis_index("s")
    rows = [rows0, rows1]
    gsem = [gsem0, gsem1]
    ssem = [ssem0, ssem1]
    xs_c = xs_hbm.at[c]

    pltpu.sync_copy(src_hbm.at[pl.ds(s * NCHUNK, NCHUNK)], sidx_v)
    pltpu.sync_copy(dst_hbm.at[pl.ds(s * NCHUNK, NCHUNK)], didx_v)

    def xinit(off, nr):
        pltpu.sync_copy(xs_c.at[pl.ds(off, nr)], init_v.at[pl.ds(0, nr)])
        pltpu.sync_copy(init_v.at[pl.ds(0, nr)], agg_sh.at[pl.ds(off, nr)])

    _row_partition(s, xinit)

    g = [None, None]
    sc = [None, None]
    g[0] = pltpu.async_copy(xs_c.at[sidx_v.at[0]], rows[0], gsem[0])
    plsc.subcore_barrier()

    for j in range(NCHUNK):
        b = j & 1
        nb = (j + 1) & 1
        if j + 1 < NCHUNK:
            if j >= 1:
                sc[nb].wait()
            g[nb] = pltpu.async_copy(xs_c.at[sidx_v.at[j + 1]], rows[nb],
                                     gsem[nb])
        g[b].wait()
        sc[b] = pltpu.async_copy(rows[b], agg_sh.at[didx_v.at[j]], ssem[b],
                                 add=True)
    sc[(NCHUNK - 1) & 1].wait()
    sc[(NCHUNK - 2) & 1].wait()
    plsc.subcore_barrier()

    def wback(off, nr):
        pltpu.sync_copy(agg_sh.at[pl.ds(off, nr)], init_v.at[pl.ds(0, nr)])
        pltpu.sync_copy(init_v.at[pl.ds(0, nr)],
                        agg_hbm.at[c].at[pl.ds(off, nr)])

    _row_partition(s, wback)


def _agg_call(xs, src2, dst2):
    mesh = plsc.VectorSubcoreMesh(core_axis_name="c", subcore_axis_name="s",
                                  num_cores=NC, num_subcores=NS)
    return pl.kernel(
        _agg_body,
        out_type=jax.ShapeDtypeStruct((NC, N, HH), jnp.float32),
        mesh=mesh,
        scratch_types=[
            pltpu.VMEM((NCHUNK, CHUNK), jnp.int32),
            pltpu.VMEM((NCHUNK, CHUNK), jnp.int32),
            pltpu.VMEM((CHUNK, HH), jnp.float32),
            pltpu.VMEM((CHUNK, HH), jnp.float32),
            pltpu.VMEM((ROWS_BIG, HH), jnp.float32),
            pltpu.VMEM_SHARED((N, HH), jnp.float32),
            pltpu.SemaphoreType.DMA,
            pltpu.SemaphoreType.DMA,
            pltpu.SemaphoreType.DMA,
            pltpu.SemaphoreType.DMA,
        ],
        compiler_params=pltpu.CompilerParams(use_tc_tiling_on_sc=False),
    )(xs, src2, dst2)


def _pool_body(agg_ref, dinv_ref, b_ref, batch_ref, out_ref):
    agg = jnp.concatenate([agg_ref[0], agg_ref[1]], axis=1)
    dinv = dinv_ref[...]
    p = jnp.maximum(agg * dinv + b_ref[...], 0.0)
    ids = lax.broadcasted_iota(jnp.int32, (N, G), 1)
    onehot = (batch_ref[...] == ids).astype(jnp.float32)
    sums = lax.dot_general(onehot, p, (((0,), (0,)), ((), ())),
                           preferred_element_type=jnp.float32)
    counts = jnp.sum(onehot, axis=0)[:, None]
    out_ref[...] = sums / jnp.maximum(counts, 1.0)


def _pool_call(agg, dinv, b, batch):
    return pl.pallas_call(
        _pool_body,
        out_shape=jax.ShapeDtypeStruct((G, H), jnp.float32),
    )(agg, dinv, b, batch)


MM_BLK = 1000


@jax.jit
def kernel(node_feat, edge_index, batch, W, b):
    src = edge_index[0]
    dst = edge_index[1]
    zeros_n = jnp.zeros((N, DW), jnp.float32)
    ones_e = jnp.ones((CHUNKA, DW), jnp.float32)
    deg_wide = _deg_call(dst.reshape(2 * NC * NS, CHUNKA), zeros_n,
                         ones_e)
    deg_part = deg_wide[:, :, 0:1]
    xs, dinv = pl.pallas_call(
        _mm_body,
        grid=(N // MM_BLK,),
        in_specs=[
            pl.BlockSpec((MM_BLK, D), lambda i: (i, 0)),
            pl.BlockSpec((D, H), lambda i: (0, 0)),
            pl.BlockSpec((NC, MM_BLK, 1), lambda i: (0, i, 0)),
        ],
        out_specs=[
            pl.BlockSpec((NC, MM_BLK, HH), lambda i: (0, i, 0)),
            pl.BlockSpec((MM_BLK, 1), lambda i: (i, 0)),
        ],
        out_shape=[
            jax.ShapeDtypeStruct((NC, N, HH), jnp.float32),
            jax.ShapeDtypeStruct((N, 1), jnp.float32),
        ],
    )(node_feat, W, deg_part)
    agg = _agg_call(xs, src.reshape(NS * NCHUNK, CHUNK),
                    dst.reshape(NS * NCHUNK, CHUNK))
    pooled = _pool_call(agg, dinv, b.reshape(1, H), batch.reshape(N, 1))
    return pooled

# --- scband reference (transcript-rebuilt; emitter-appended) ---
"""Pipeline reference for scband-pgcn-72258529788421 (READ-ONLY COPY).

The authoritative reference and input builder live on the scoring server;
editing this copy changes nothing except your own understanding.
"""

import jax, jax.numpy as jnp
import numpy as np

N = 10000
E = 160000
D = 1280
H = 64
G = 64

def setup_inputs(seed: int = 0) -> dict:
    key = jax.random.key(seed)
    k1, k2, k3, k4 = jax.random.split(key, 4)
    node_feat = jax.random.normal(k1, (N, D), dtype=jnp.float32)
    edge_index = jax.random.randint(k2, (2, E), 0, N, dtype=jnp.int32)
    batch = jnp.sort(jax.random.randint(k3, (N,), 0, G, dtype=jnp.int32))
    # GCNConv parameters: linear weight (no bias in lin), bias added after aggregation
    W = jax.random.normal(k4, (D, H), dtype=jnp.float32) * 0.02
    b = jnp.zeros((H,), dtype=jnp.float32)
    return {"node_feat": node_feat, "edge_index": edge_index, "batch": batch, "W": W, "b": b}

def reference(node_feat, edge_index, batch, W, b):
    n = node_feat.shape[0]
    # GCNConv: linear transform first (in=1280 -> out=H)
    x = node_feat @ W
    src = edge_index[0]
    dst = edge_index[1]
    # add self-loops (PyG GCNConv default add_self_loops=True)
    loop = jnp.arange(n, dtype=src.dtype)
    src = jnp.concatenate([src, loop])
    dst = jnp.concatenate([dst, loop])
    # symmetric normalization: deg computed on dst with edge weight 1
    deg = jnp.zeros((n,), dtype=jnp.float32).at[dst].add(1.0)
    deg_inv_sqrt = jnp.where(deg > 0, jax.lax.rsqrt(jnp.maximum(deg, 1e-12)), 0.0)
    norm = deg_inv_sqrt[src] * deg_inv_sqrt[dst]
    # gather messages, scale, scatter-add to destination nodes
    msg = x[src] * norm[:, None]
    out = jnp.zeros((n, x.shape[1]), dtype=x.dtype).at[dst].add(msg)
    out = out + b
    # relu
    p = jax.nn.relu(out)
    # global_mean_pool over batch segment ids
    sums = jax.ops.segment_sum(p, batch, num_segments=G)
    counts = jax.ops.segment_sum(jnp.ones((n,), dtype=jnp.float32), batch, num_segments=G)
    gmp_p = sums / jnp.clip(counts, 1.0, None)[:, None]
    return gmp_p

if __name__ == "__main__":
    import jax
    _d = setup_inputs()
    print(jax.jit(kernel)(*tuple(_d.values())))

</pallas_src>

<mosaic_0001>
#map = affine_map<(d0, d1) -> (0, 0)>
#map1 = affine_map<(d0, d1) -> (0, 0, 0)>
module attributes {stable_mosaic.version = 14 : i64} {
  func.func @_deg_body(%arg0: i32, %arg1: i32, %arg2: memref<64x2500xi32, #tpu.memory_space<hbm>>, %arg3: memref<10000x16xf32, #tpu.memory_space<hbm>>, %arg4: memref<2500x16xf32, #tpu.memory_space<hbm>>, %arg5: memref<2x10000x16xf32, #tpu.memory_space<hbm>>, %arg6: memref<2x2500xi32, #tpu.memory_space<vmem>>, %arg7: memref<2500x16xf32, #tpu.memory_space<vmem>>, %arg8: memref<640x16xf32, #tpu.memory_space<vmem>>, %arg9: memref<10000x16xf32, #tpu.memory_space<vmem_shared>>, %arg10: memref<!tpu.dma_semaphore, #tpu.memory_space<semaphore_mem>>) attributes {dimension_semantics = [#tpu.dimension_semantics<core_parallel>, #tpu.dimension_semantics<subcore_parallel>], iteration_bounds = array<i64: 2, 16>, scalar_prefetch = 0 : i64, scratch_operands = 5 : i64, tpu.core_type = #tpu.core_type<sc_vector_subcore>, window_params = [{transform_indices = #map}, {transform_indices = #map}, {transform_indices = #map}, {transform_indices = #map1}]} {
    %lt3A = arith.constant 15 : i32
    %lt3A_0 = arith.cmpi slt, %arg1, %lt3A : i32
    %convert_element_type3A = arith.extui %lt3A_0 : i1 to i32
    %cond3A = arith.constant 0 : i32
    %cond3A_1 = arith.cmpi ne, %convert_element_type3A, %cond3A : i32
    scf.if %cond3A_1 {
      %mul3A_46 = arith.constant 640 : i32
      %mul3A_47 = arith.muli %arg1, %mul3A_46 : i32
      "tpu.region"() ({
        %run_scoped3A = tpu.sem_alloc : memref<!tpu.dma_semaphore, #tpu.memory_space<semaphore_mem>>
        %dma_start3A_48 = arith.constant 0 : i32
        %dma_start3A_49 = arith.constant 0 : i32
        %dma_start3A_50 = tpu.memref_slice %arg8[%dma_start3A_48, %dma_start3A_49] : memref<640x16xf32, #tpu.memory_space<vmem>> -> memref<640x16xf32, #tpu.memory_space<vmem>>
        %dma_start3A_51 = arith.constant 0 : i32
        %dma_start3A_52 = tpu.memref_slice %arg3[%mul3A_47, %dma_start3A_51] : memref<10000x16xf32, #tpu.memory_space<hbm>> -> memref<640x16xf32, #tpu.memory_space<hbm>>
        %dma_start3A_53 = arith.constant 0 : i32
        %dma_start3A_54 = arith.constant 0 : i32
        %dma_start3A_55 = tpu.memref_slice %arg8[%dma_start3A_53, %dma_start3A_54] : memref<640x16xf32, #tpu.memory_space<vmem>> -> memref<640x16xf32, #tpu.memory_space<vmem>>
        %dma_start3A_56 = arith.constant 0 : i32
        %dma_start3A_57 = tpu.memref_slice %arg3[%mul3A_47, %dma_start3A_56] : memref<10000x16xf32, #tpu.memory_space<hbm>> -> memref<640x16xf32, #tpu.memory_space<hbm>>
        tpu.enqueue_dma source(%dma_start3A_57 : memref<640x16xf32, #tpu.memory_space<hbm>>) target(%dma_start3A_55 : memref<640x16xf32, #tpu.memory_space<vmem>>) target_semaphore(%run_scoped3A : memref<!tpu.dma_semaphore, #tpu.memory_space<semaphore_mem>>)
        %dma_wait3A_58 = arith.constant 0 : i32
        %dma_wait3A_59 = arith.constant 0 : i32
        %dma_wait3A_60 = tpu.memref_slice %arg8[%dma_wait3A_58, %dma_wait3A_59] : memref<640x16xf32, #tpu.memory_space<vmem>> -> memref<640x16xf32, #tpu.memory_space<vmem>>
        %dma_wait3A_61 = arith.constant 0 : i32
        %dma_wait3A_62 = tpu.memref_slice %arg3[%mul3A_47, %dma_wait3A_61] : memref<10000x16xf32, #tpu.memory_space<hbm>> -> memref<640x16xf32, #tpu.memory_space<hbm>>
        %dma_wait3A_63 = arith.constant 0 : i32
        %dma_wait3A_64 = arith.constant 0 : i32
        %dma_wait3A_65 = tpu.memref_slice %arg8[%dma_wait3A_63, %dma_wait3A_64] : memref<640x16xf32, #tpu.memory_space<vmem>> -> memref<640x16xf32, #tpu.memory_space<vmem>>
        %dma_wait3A_66 = arith.constant 0 : i32
        %dma_wait3A_67 = tpu.memref_slice %arg3[%mul3A_47, %dma_wait3A_66] : memref<10000x16xf32, #tpu.memory_space<hbm>> -> memref<640x16xf32, #tpu.memory_space<hbm>>
        tpu.wait_dma2 semaphore(%run_scoped3A : memref<!tpu.dma_semaphore, #tpu.memory_space<semaphore_mem>>) src(%dma_wait3A_67 : memref<640x16xf32, #tpu.memory_space<hbm>>) dst(%dma_wait3A_65 : memref<640x16xf32, #tpu.memory_space<vmem>>)
        tpu.yield
      }) : () -> ()
      "tpu.region"() ({
        %run_scoped3A = tpu.sem_alloc : memref<!tpu.dma_semaphore, #tpu.memory_space<semaphore_mem>>
        %dma_start3A_48 = arith.constant 0 : i32
        %dma_start3A_49 = arith.constant 0 : i32
        %dma_start3A_50 = tpu.memref_slice %arg8[%dma_start3A_48, %dma_start3A_49] : memref<640x16xf32, #tpu.memory_space<vmem>> -> memref<640x16xf32, #tpu.memory_space<vmem>>
        %dma_start3A_51 = arith.constant 0 : i32
        %dma_start3A_52 = tpu.memref_slice %arg9[%mul3A_47, %dma_start3A_51] : memref<10000x16xf32, #tpu.memory_space<vmem_shared>> -> memref<640x16xf32, #tpu.memory_space<vmem_shared>>
        %dma_start3A_53 = arith.constant 0 : i32
        %dma_start3A_54 = tpu.memref_slice %arg9[%mul3A_47, %dma_start3A_53] : memref<10000x16xf32, #tpu.memory_space<vmem_shared>> -> memref<640x16xf32, #tpu.memory_space<vmem_shared>>
        %dma_start3A_55 = arith.constant 0 : i32
        %dma_start3A_56 = arith.constant 0 : i32
        %dma_start3A_57 = tpu.memref_slice %arg8[%dma_start3A_55, %dma_start3A_56] : memref<640x16xf32, #tpu.memory_space<vmem>> -> memref<640x16xf32, #tpu.memory_space<vmem>>
        tpu.enqueue_dma source(%dma_start3A_57 : memref<640x16xf32, #tpu.memory_space<vmem>>) target(%dma_start3A_54 : memref<640x16xf32, #tpu.memory_space<vmem_shared>>) target_semaphore(%run_scoped3A : memref<!tpu.dma_semaphore, #tpu.memory_space<semaphore_mem>>)
        %dma_wait3A_58 = arith.constant 0 : i32
        %dma_wait3A_59 = arith.constant 0 : i32
        %dma_wait3A_60 = tpu.memref_slice %arg8[%dma_wait3A_58, %dma_wait3A_59] : memref<640x16xf32, #tpu.memory_space<vmem>> -> memref<640x16xf32, #tpu.memory_space<vmem>>
        %dma_wait3A_61 = arith.constant 0 : i32
        %dma_wait3A_62 = tpu.memref_slice %arg9[%mul3A_47, %dma_wait3A_61] : memref<10000x16xf32, #tpu.memory_space<vmem_shared>> -> memref<640x16xf32, #tpu.memory_space<vmem_shared>>
        %dma_wait3A_63 = arith.constant 0 : i32
        %dma_wait3A_64 = tpu.memref_slice %arg9[%mul3A_47, %dma_wait3A_63] : memref<10000x16xf32, #tpu.memory_space<vmem_shared>> -> memref<640x16xf32, #tpu.memory_space<vmem_shared>>
        %dma_wait3A_65 = arith.constant 0 : i32
        %dma_wait3A_66 = arith.constant 0 : i32
        %dma_wait3A_67 = tpu.memref_slice %arg8[%dma_wait3A_65, %dma_wait3A_66] : memref<640x16xf32, #tpu.memory_space<vmem>> -> memref<640x16xf32, #tpu.memory_space<vmem>>
        tpu.wait_dma2 semaphore(%run_scoped3A : memref<!tpu.dma_semaphore, #tpu.memory_space<semaphore_mem>>) src(%dma_wait3A_67 : memref<640x16xf32, #tpu.memory_space<vmem>>) dst(%dma_wait3A_64 : memref<640x16xf32, #tpu.memory_space<vmem_shared>>)
        tpu.yield
      }) : () -> ()
    } else {
    }
    %eq3A = arith.constant 15 : i32
    %eq3A_2 = arith.cmpi eq, %arg1, %eq3A : i32
    %convert_element_type3A_3 = arith.extui %eq3A_2 : i1 to i32
    %cond3A_4 = arith.constant 0 : i32
    %cond3A_5 = arith.cmpi ne, %convert_element_type3A_3, %cond3A_4 : i32
    scf.if %cond3A_5 {
      "tpu.region"() ({
        %run_scoped3A = tpu.sem_alloc : memref<!tpu.dma_semaphore, #tpu.memory_space<semaphore_mem>>
        %dma_start3A_46 = arith.constant 0 : i32
        %dma_start3A_47 = arith.constant 0 : i32
        %dma_start3A_48 = tpu.memref_slice %arg8[%dma_start3A_46, %dma_start3A_47] : memref<640x16xf32, #tpu.memory_space<vmem>> -> memref<400x16xf32, #tpu.memory_space<vmem>>
        %dma_start3A_49 = arith.constant 9600 : i32
        %dma_start3A_50 = arith.constant 0 : i32
        %dma_start3A_51 = tpu.memref_slice %arg3[%dma_start3A_49, %dma_start3A_50] : memref<10000x16xf32, #tpu.memory_space<hbm>> -> memref<400x16xf32, #tpu.memory_space<hbm>>
        %dma_start3A_52 = arith.constant 0 : i32
        %dma_start3A_53 = arith.constant 0 : i32
        %dma_start3A_54 = tpu.memref_slice %arg8[%dma_start3A_52, %dma_start3A_53] : memref<640x16xf32, #tpu.memory_space<vmem>> -> memref<400x16xf32, #tpu.memory_space<vmem>>
        %dma_start3A_55 = arith.constant 9600 : i32
        %dma_start3A_56 = arith.constant 0 : i32
        %dma_start3A_57 = tpu.memref_slice %arg3[%dma_start3A_55, %dma_start3A_56] : memref<10000x16xf32, #tpu.memory_space<hbm>> -> memref<400x16xf32, #tpu.memory_space<hbm>>
        tpu.enqueue_dma source(%dma_start3A_57 : memref<400x16xf32, #tpu.memory_space<hbm>>) target(%dma_start3A_54 : memref<400x16xf32, #tpu.memory_space<vmem>>) target_semaphore(%run_scoped3A : memref<!tpu.dma_semaphore, #tpu.memory_space<semaphore_mem>>)
        %dma_wait3A_58 = arith.constant 0 : i32
        %dma_wait3A_59 = arith.constant 0 : i32
        %dma_wait3A_60 = tpu.memref_slice %arg8[%dma_wait3A_58, %dma_wait3A_59] : memref<640x16xf32, #tpu.memory_space<vmem>> -> memref<400x16xf32, #tpu.memory_space<vmem>>
        %dma_wait3A_61 = arith.constant 9600 : i32
        %dma_wait3A_62 = arith.constant 0 : i32
        %dma_wait3A_63 = tpu.memref_slice %arg3[%dma_wait3A_61, %dma_wait3A_62] : memref<10000x16xf32, #tpu.memory_space<hbm>> -> memref<400x16xf32, #tpu.memory_space<hbm>>
        %dma_wait3A_64 = arith.constant 0 : i32
        %dma_wait3A_65 = arith.constant 0 : i32
        %dma_wait3A_66 = tpu.memref_slice %arg8[%dma_wait3A_64, %dma_wait3A_65] : memref<640x16xf32, #tpu.memory_space<vmem>> -> memref<400x16xf32, #tpu.memory_space<vmem>>
        %dma_wait3A_67 = arith.constant 9600 : i32
        %dma_wait3A_68 = arith.constant 0 : i32
        %dma_wait3A_69 = tpu.memref_slice %arg3[%dma_wait3A_67, %dma_wait3A_68] : memref<10000x16xf32, #tpu.memory_space<hbm>> -> memref<400x16xf32, #tpu.memory_space<hbm>>
        tpu.wait_dma2 semaphore(%run_scoped3A : memref<!tpu.dma_semaphore, #tpu.memory_space<semaphore_mem>>) src(%dma_wait3A_69 : memref<400x16xf32, #tpu.memory_space<hbm>>) dst(%dma_wait3A_66 : memref<400x16xf32, #tpu.memory_space<vmem>>)
        tpu.yield
      }) : () -> ()
      "tpu.region"() ({
        %run_scoped3A = tpu.sem_alloc : memref<!tpu.dma_semaphore, #tpu.memory_space<semaphore_mem>>
        %dma_start3A_46 = arith.constant 0 : i32
        %dma_start3A_47 = arith.constant 0 : i32
        %dma_start3A_48 = tpu.memref_slice %arg8[%dma_start3A_46, %dma_start3A_47] : memref<640x16xf32, #tpu.memory_space<vmem>> -> memref<400x16xf32, #tpu.memory_space<vmem>>
        %dma_start3A_49 = arith.constant 9600 : i32
        %dma_start3A_50 = arith.constant 0 : i32
        %dma_start3A_51 = tpu.memref_slice %arg9[%dma_start3A_49, %dma_start3A_50] : memref<10000x16xf32, #tpu.memory_space<vmem_shared>> -> memref<400x16xf32, #tpu.memory_space<vmem_shared>>
        %dma_start3A_52 = arith.constant 9600 : i32
        %dma_start3A_53 = arith.constant 0 : i32
        %dma_start3A_54 = tpu.memref_slice %arg9[%dma_start3A_52, %dma_start3A_53] : memref<10000x16xf32, #tpu.memory_space<vmem_shared>> -> memref<400x16xf32, #tpu.memory_space<vmem_shared>>
        %dma_start3A_55 = arith.constant 0 : i32
        %dma_start3A_56 = arith.constant 0 : i32
        %dma_start3A_57 = tpu.memref_slice %arg8[%dma_start3A_55, %dma_start3A_56] : memref<640x16xf32, #tpu.memory_space<vmem>> -> memref<400x16xf32, #tpu.memory_space<vmem>>
        tpu.enqueue_dma source(%dma_start3A_57 : memref<400x16xf32, #tpu.memory_space<vmem>>) target(%dma_start3A_54 : memref<400x16xf32, #tpu.memory_space<vmem_shared>>) target_semaphore(%run_scoped3A : memref<!tpu.dma_semaphore, #tpu.memory_space<semaphore_mem>>)
        %dma_wait3A_58 = arith.constant 0 : i32
        %dma_wait3A_59 = arith.constant 0 : i32
        %dma_wait3A_60 = tpu.memref_slice %arg8[%dma_wait3A_58, %dma_wait3A_59] : memref<640x16xf32, #tpu.memory_space<vmem>> -> memref<400x16xf32, #tpu.memory_space<vmem>>
        %dma_wait3A_61 = arith.constant 9600 : i32
        %dma_wait3A_62 = arith.constant 0 : i32
        %dma_wait3A_63 = tpu.memref_slice %arg9[%dma_wait3A_61, %dma_wait3A_62] : memref<10000x16xf32, #tpu.memory_space<vmem_shared>> -> memref<400x16xf32, #tpu.memory_space<vmem_shared>>
        %dma_wait3A_64 = arith.constant 9600 : i32
        %dma_wait3A_65 = arith.constant 0 : i32
        %dma_wait3A_66 = tpu.memref_slice %arg9[%dma_wait3A_64, %dma_wait3A_65] : memref<10000x16xf32, #tpu.memory_space<vmem_shared>> -> memref<400x16xf32, #tpu.memory_space<vmem_shared>>
        %dma_wait3A_67 = arith.constant 0 : i32
        %dma_wait3A_68 = arith.constant 0 : i32
        %dma_wait3A_69 = tpu.memref_slice %arg8[%dma_wait3A_67, %dma_wait3A_68] : memref<640x16xf32, #tpu.memory_space<vmem>> -> memref<400x16xf32, #tpu.memory_space<vmem>>
        tpu.wait_dma2 semaphore(%run_scoped3A : memref<!tpu.dma_semaphore, #tpu.memory_space<semaphore_mem>>) src(%dma_wait3A_69 : memref<400x16xf32, #tpu.memory_space<vmem>>) dst(%dma_wait3A_66 : memref<400x16xf32, #tpu.memory_space<vmem_shared>>)
        tpu.yield
      }) : () -> ()
    } else {
    }
    %barrier3A = arith.constant 0 : index
    tpu.barrier barrier_id(%barrier3A)
    %mul3A = arith.constant 16 : i32
    %mul3A_6 = arith.muli %arg0, %mul3A : i32
    %add3A = arith.addi %mul3A_6, %arg1 : i32
    %mul3A_7 = arith.constant 2 : i32
    %mul3A_8 = arith.muli %mul3A_7, %add3A : i32
    "tpu.region"() ({
      %run_scoped3A = tpu.sem_alloc : memref<!tpu.dma_semaphore, #tpu.memory_space<semaphore_mem>>
      %dma_start3A_46 = arith.constant 0 : i32
      %dma_start3A_47 = tpu.memref_slice %arg2[%mul3A_8, %dma_start3A_46] : memref<64x2500xi32, #tpu.memory_space<hbm>> -> memref<2x2500xi32, #tpu.memory_space<hbm>>
      %dma_start3A_48 = arith.constant 0 : i32
      %dma_start3A_49 = tpu.memref_slice %arg2[%mul3A_8, %dma_start3A_48] : memref<64x2500xi32, #tpu.memory_space<hbm>> -> memref<2x2500xi32, #tpu.memory_space<hbm>>
      tpu.enqueue_dma source(%dma_start3A_49 : memref<2x2500xi32, #tpu.memory_space<hbm>>) target(%arg6 : memref<2x2500xi32, #tpu.memory_space<vmem>>) target_semaphore(%run_scoped3A : memref<!tpu.dma_semaphore, #tpu.memory_space<semaphore_mem>>)
      %dma_wait3A_50 = arith.constant 0 : i32
      %dma_wait3A_51 = tpu.memref_slice %arg2[%mul3A_8, %dma_wait3A_50] : memref<64x2500xi32, #tpu.memory_space<hbm>> -> memref<2x2500xi32, #tpu.memory_space<hbm>>
      %dma_wait3A_52 = arith.constant 0 : i32
      %dma_wait3A_53 = tpu.memref_slice %arg2[%mul3A_8, %dma_wait3A_52] : memref<64x2500xi32, #tpu.memory_space<hbm>> -> memref<2x2500xi32, #tpu.memory_space<hbm>>
      tpu.wait_dma2 semaphore(%run_scoped3A : memref<!tpu.dma_semaphore, #tpu.memory_space<semaphore_mem>>) src(%dma_wait3A_53 : memref<2x2500xi32, #tpu.memory_space<hbm>>) dst(%arg6 : memref<2x2500xi32, #tpu.memory_space<vmem>>)
      tpu.yield
    }) : () -> ()
    "tpu.region"() ({
      %run_scoped3A = tpu.sem_alloc : memref<!tpu.dma_semaphore, #tpu.memory_space<semaphore_mem>>
      tpu.enqueue_dma source(%arg4 : memref<2500x16xf32, #tpu.memory_space<hbm>>) target(%arg7 : memref<2500x16xf32, #tpu.memory_space<vmem>>) target_semaphore(%run_scoped3A : memref<!tpu.dma_semaphore, #tpu.memory_space<semaphore_mem>>)
      tpu.wait_dma2 semaphore(%run_scoped3A : memref<!tpu.dma_semaphore, #tpu.memory_space<semaphore_mem>>) src(%arg4 : memref<2500x16xf32, #tpu.memory_space<hbm>>) dst(%arg7 : memref<2500x16xf32, #tpu.memory_space<vmem>>)
      tpu.yield
    }) : () -> ()
    %dma_start3A = arith.constant 0 : i32
    %dma_start3A_9 = arith.constant 0 : i32
    %dma_start3A_10 = tpu.memref_slice %arg6[%dma_start3A, %dma_start3A_9] : memref<2x2500xi32, #tpu.memory_space<vmem>> -> memref<1x2500xi32, #tpu.memory_space<vmem>>
    %dma_start3A_11 = tpu.memref_squeeze %dma_start3A_10 : memref<1x2500xi32, #tpu.memory_space<vmem>> -> memref<2500xi32, #tpu.memory_space<vmem>>
    %dma_start3A_12 = arith.constant 0 : i32
    %dma_start3A_13 = arith.constant 0 : i32
    %dma_start3A_14 = tpu.memref_slice %arg9[%dma_start3A_12, %dma_start3A_13] : memref<10000x16xf32, #tpu.memory_space<vmem_shared>> -> memref<10000x16xf32, #tpu.memory_space<vmem_shared>>
    tpu.enqueue_indirect_dma source(%arg7 : memref<2500x16xf32, #tpu.memory_space<vmem>>) target(%dma_start3A_14 : memref<10000x16xf32, #tpu.memory_space<vmem_shared>>) offsets(%dma_start3A_11 : memref<2500xi32, #tpu.memory_space<vmem>>) semaphore(%arg10 : memref<!tpu.dma_semaphore, #tpu.memory_space<semaphore_mem>>) {add = true}
    %dma_wait3A = arith.constant 0 : i32
    %dma_wait3A_15 = arith.constant 0 : i32
    %dma_wait3A_16 = tpu.memref_slice %arg6[%dma_wait3A, %dma_wait3A_15] : memref<2x2500xi32, #tpu.memory_space<vmem>> -> memref<1x2500xi32, #tpu.memory_space<vmem>>
    %dma_wait3A_17 = tpu.memref_squeeze %dma_wait3A_16 : memref<1x2500xi32, #tpu.memory_space<vmem>> -> memref<2500xi32, #tpu.memory_space<vmem>>
    %dma_wait3A_18 = arith.constant 0 : i32
    %dma_wait3A_19 = arith.constant 0 : i32
    %dma_wait3A_20 = tpu.memref_slice %arg9[%dma_wait3A_18, %dma_wait3A_19] : memref<10000x16xf32, #tpu.memory_space<vmem_shared>> -> memref<10000x16xf32, #tpu.memory_space<vmem_shared>>
    tpu.wait_indirect_dma semaphore(%arg10 : memref<!tpu.dma_semaphore, #tpu.memory_space<semaphore_mem>>) src(%arg7 : memref<2500x16xf32, #tpu.memory_space<vmem>>) dst(%dma_wait3A_20 : memref<10000x16xf32, #tpu.memory_space<vmem_shared>>)
    %dma_start3A_21 = arith.constant 1 : i32
    %dma_start3A_22 = arith.constant 0 : i32
    %dma_start3A_23 = tpu.memref_slice %arg6[%dma_start3A_21, %dma_start3A_22] : memref<2x2500xi32, #tpu.memory_space<vmem>> -> memref<1x2500xi32, #tpu.memory_space<vmem>>
    %dma_start3A_24 = tpu.memref_squeeze %dma_start3A_23 : memref<1x2500xi32, #tpu.memory_space<vmem>> -> memref<2500xi32, #tpu.memory_space<vmem>>
    %dma_start3A_25 = arith.constant 0 : i32
    %dma_start3A_26 = arith.constant 0 : i32
    %dma_start3A_27 = tpu.memref_slice %arg9[%dma_start3A_25, %dma_start3A_26] : memref<10000x16xf32, #tpu.memory_space<vmem_shared>> -> memref<10000x16xf32, #tpu.memory_space<vmem_shared>>
    tpu.enqueue_indirect_dma source(%arg7 : memref<2500x16xf32, #tpu.memory_space<vmem>>) target(%dma_start3A_27 : memref<10000x16xf32, #tpu.memory_space<vmem_shared>>) offsets(%dma_start3A_24 : memref<2500xi32, #tpu.memory_space<vmem>>) semaphore(%arg10 : memref<!tpu.dma_semaphore, #tpu.memory_space<semaphore_mem>>) {add = true}
    %dma_wait3A_28 = arith.constant 1 : i32
    %dma_wait3A_29 = arith.constant 0 : i32
    %dma_wait3A_30 = tpu.memref_slice %arg6[%dma_wait3A_28, %dma_wait3A_29] : memref<2x2500xi32, #tpu.memory_space<vmem>> -> memref<1x2500xi32, #tpu.memory_space<vmem>>
    %dma_wait3A_31 = tpu.memref_squeeze %dma_wait3A_30 : memref<1x2500xi32, #tpu.memory_space<vmem>> -> memref<2500xi32, #tpu.memory_space<vmem>>
    %dma_wait3A_32 = arith.constant 0 : i32
    %dma_wait3A_33 = arith.constant 0 : i32
    %dma_wait3A_34 = tpu.memref_slice %arg9[%dma_wait3A_32, %dma_wait3A_33] : memref<10000x16xf32, #tpu.memory_space<vmem_shared>> -> memref<10000x16xf32, #tpu.memory_space<vmem_shared>>
    tpu.wait_indirect_dma semaphore(%arg10 : memref<!tpu.dma_semaphore, #tpu.memory_space<semaphore_mem>>) src(%arg7 : memref<2500x16xf32, #tpu.memory_space<vmem>>) dst(%dma_wait3A_34 : memref<10000x16xf32, #tpu.memory_space<vmem_shared>>)
    %barrier3A_35 = arith.constant 0 : index
    tpu.barrier barrier_id(%barrier3A_35)
    %lt3A_36 = arith.constant 15 : i32
    %lt3A_37 = arith.cmpi slt, %arg1, %lt3A_36 : i32
    %convert_element_type3A_38 = arith.extui %lt3A_37 : i1 to i32
    %cond3A_39 = arith.constant 0 : i32
    %cond3A_40 = arith.cmpi ne, %convert_element_type3A_38, %cond3A_39 : i32
    scf.if %cond3A_40 {
      %mul3A_46 = arith.constant 640 : i32
      %mul3A_47 = arith.muli %arg1, %mul3A_46 : i32
      "tpu.region"() ({
        %run_scoped3A = tpu.sem_alloc : memref<!tpu.dma_semaphore, #tpu.memory_space<semaphore_mem>>
        %dma_start3A_48 = arith.constant 0 : i32
        %dma_start3A_49 = arith.constant 0 : i32
        %dma_start3A_50 = tpu.memref_slice %arg8[%dma_start3A_48, %dma_start3A_49] : memref<640x16xf32, #tpu.memory_space<vmem>> -> memref<640x16xf32, #tpu.memory_space<vmem>>
        %dma_start3A_51 = arith.constant 0 : i32
        %dma_start3A_52 = tpu.memref_slice %arg9[%mul3A_47, %dma_start3A_51] : memref<10000x16xf32, #tpu.memory_space<vmem_shared>> -> memref<640x16xf32, #tpu.memory_space<vmem_shared>>
        %dma_start3A_53 = arith.constant 0 : i32
        %dma_start3A_54 = arith.constant 0 : i32
        %dma_start3A_55 = tpu.memref_slice %arg8[%dma_start3A_53, %dma_start3A_54] : memref<640x16xf32, #tpu.memory_space<vmem>> -> memref<640x16xf32, #tpu.memory_space<vmem>>
        %dma_start3A_56 = arith.constant 0 : i32
        %dma_start3A_57 = tpu.memref_slice %arg9[%mul3A_47, %dma_start3A_56] : memref<10000x16xf32, #tpu.memory_space<vmem_shared>> -> memref<640x16xf32, #tpu.memory_space<vmem_shared>>
        tpu.enqueue_dma source(%dma_start3A_57 : memref<640x16xf32, #tpu.memory_space<vmem_shared>>) target(%dma_start3A_55 : memref<640x16xf32, #tpu.memory_space<vmem>>) target_semaphore(%run_scoped3A : memref<!tpu.dma_semaphore, #tpu.memory_space<semaphore_mem>>)
        %dma_wait3A_58 = arith.constant 0 : i32
        %dma_wait3A_59 = arith.constant 0 : i32
        %dma_wait3A_60 = tpu.memref_slice %arg8[%dma_wait3A_58, %dma_wait3A_59] : memref<640x16xf32, #tpu.memory_space<vmem>> -> memref<640x16xf32, #tpu.memory_space<vmem>>
        %dma_wait3A_61 = arith.constant 0 : i32
        %dma_wait3A_62 = tpu.memref_slice %arg9[%mul3A_47, %dma_wait3A_61] : memref<10000x16xf32, #tpu.memory_space<vmem_shared>> -> memref<640x16xf32, #tpu.memory_space<vmem_shared>>
        %dma_wait3A_63 = arith.constant 0 : i32
        %dma_wait3A_64 = arith.constant 0 : i32
        %dma_wait3A_65 = tpu.memref_slice %arg8[%dma_wait3A_63, %dma_wait3A_64] : memref<640x16xf32, #tpu.memory_space<vmem>> -> memref<640x16xf32, #tpu.memory_space<vmem>>
        %dma_wait3A_66 = arith.constant 0 : i32
        %dma_wait3A_67 = tpu.memref_slice %arg9[%mul3A_47, %dma_wait3A_66] : memref<10000x16xf32, #tpu.memory_space<vmem_shared>> -> memref<640x16xf32, #tpu.memory_space<vmem_shared>>
        tpu.wait_dma2 semaphore(%run_scoped3A : memref<!tpu.dma_semaphore, #tpu.memory_space<semaphore_mem>>) src(%dma_wait3A_67 : memref<640x16xf32, #tpu.memory_space<vmem_shared>>) dst(%dma_wait3A_65 : memref<640x16xf32, #tpu.memory_space<vmem>>)
        tpu.yield
      }) : () -> ()
      "tpu.region"() ({
        %run_scoped3A = tpu.sem_alloc : memref<!tpu.dma_semaphore, #tpu.memory_space<semaphore_mem>>
        %dma_start3A_48 = arith.constant 0 : i32
        %dma_start3A_49 = arith.constant 0 : i32
        %dma_start3A_50 = tpu.memref_slice %arg8[%dma_start3A_48, %dma_start3A_49] : memref<640x16xf32, #tpu.memory_space<vmem>> -> memref<640x16xf32, #tpu.memory_space<vmem>>
        %dma_start3A_51 = arith.constant 0 : i32
        %dma_start3A_52 = arith.constant 0 : i32
        %dma_start3A_53 = tpu.memref_slice %arg5[%arg0, %dma_start3A_51, %dma_start3A_52] : memref<2x10000x16xf32, #tpu.memory_space<hbm>> -> memref<1x10000x16xf32, #tpu.memory_space<hbm>>
        %dma_start3A_54 = tpu.memref_squeeze %dma_start3A_53 : memref<1x10000x16xf32, #tpu.memory_space<hbm>> -> memref<10000x16xf32, #tpu.memory_space<hbm>>
        %dma_start3A_55 = arith.constant 0 : i32
        %dma_start3A_56 = tpu.memref_slice %dma_start3A_54[%mul3A_47, %dma_start3A_55] : memref<10000x16xf32, #tpu.memory_space<hbm>> -> memref<640x16xf32, #tpu.memory_space<hbm>>
        %dma_start3A_57 = arith.constant 0 : i32
        %dma_start3A_58 = arith.constant 0 : i32
        %dma_start3A_59 = tpu.memref_slice %arg5[%arg0, %dma_start3A_57, %dma_start3A_58] : memref<2x10000x16xf32, #tpu.memory_space<hbm>> -> memref<1x10000x16xf32, #tpu.memory_space<hbm>>
        %dma_start3A_60 = tpu.memref_squeeze %dma_start3A_59 : memref<1x10000x16xf32, #tpu.memory_space<hbm>> -> memref<10000x16xf32, #tpu.memory_space<hbm>>
        %dma_start3A_61 = arith.constant 0 : i32
        %dma_start3A_62 = tpu.memref_slice %dma_start3A_60[%mul3A_47, %dma_start3A_61] : memref<10000x16xf32, #tpu.memory_space<hbm>> -> memref<640x16xf32, #tpu.memory_space<hbm>>
        %dma_start3A_63 = arith.constant 0 : i32
        %dma_start3A_64 = arith.constant 0 : i32
        %dma_start3A_65 = tpu.memref_slice %arg8[%dma_start3A_63, %dma_start3A_64] : memref<640x16xf32, #tpu.memory_space<vmem>> -> memref<640x16xf32, #tpu.memory_space<vmem>>
        tpu.enqueue_dma source(%dma_start3A_65 : memref<640x16xf32, #tpu.memory_space<vmem>>) target(%dma_start3A_62 : memref<640x16xf32, #tpu.memory_space<hbm>>) target_semaphore(%run_scoped3A : memref<!tpu.dma_semaphore, #tpu.memory_space<semaphore_mem>>)
        %dma_wait3A_66 = arith.constant 0 : i32
        %dma_wait3A_67 = arith.constant 0 : i32
        %dma_wait3A_68 = tpu.memref_slice %arg8[%dma_wait3A_66, %dma_wait3A_67] : memref<640x16xf32, #tpu.memory_space<vmem>> -> memref<640x16xf32, #tpu.memory_space<vmem>>
        %dma_wait3A_69 = arith.constant 0 : i32
        %dma_wait3A_70 = arith.constant 0 : i32
        %dma_wait3A_71 = tpu.memref_slice %arg5[%arg0, %dma_wait3A_69, %dma_wait3A_70] : memref<2x10000x16xf32, #tpu.memory_space<hbm>> -> memref<1x10000x16xf32, #tpu.memory_space<hbm>>
        %dma_wait3A_72 = tpu.memref_squeeze %dma_wait3A_71 : memref<1x10000x16xf32, #tpu.memory_space<hbm>> -> memref<10000x16xf32, #tpu.memory_space<hbm>>
        %dma_wait3A_73 = arith.constant 0 : i32
        %dma_wait3A_74 = tpu.memref_slice %dma_wait3A_72[%mul3A_47, %dma_wait3A_73] : memref<10000x16xf32, #tpu.memory_space<hbm>> -> memref<640x16xf32, #tpu.memory_space<hbm>>
        %dma_wait3A_75 = arith.constant 0 : i32
        %dma_wait3A_76 = arith.constant 0 : i32
        %dma_wait3A_77 = tpu.memref_slice %arg5[%arg0, %dma_wait3A_75, %dma_wait3A_76] : memref<2x10000x16xf32, #tpu.memory_space<hbm>> -> memref<1x10000x16xf32, #tpu.memory_space<hbm>>
        %dma_wait3A_78 = tpu.memref_squeeze %dma_wait3A_77 : memref<1x10000x16xf32, #tpu.memory_space<hbm>> -> memref<10000x16xf32, #tpu.memory_space<hbm>>
        %dma_wait3A_79 = arith.constant 0 : i32
        %dma_wait3A_80 = tpu.memref_slice %dma_wait3A_78[%mul3A_47, %dma_wait3A_79] : memref<10000x16xf32, #tpu.memory_space<hbm>> -> memref<640x16xf32, #tpu.memory_space<hbm>>
        %dma_wait3A_81 = arith.constant 0 : i32
        %dma_wait3A_82 = arith.constant 0 : i32
        %dma_wait3A_83 = tpu.memref_slice %arg8[%dma_wait3A_81, %dma_wait3A_82] : memref<640x16xf32, #tpu.memory_space<vmem>> -> memref<640x16xf32, #tpu.memory_space<vmem>>
        tpu.wait_dma2 semaphore(%run_scoped3A : memref<!tpu.dma_semaphore, #tpu.memory_space<semaphore_mem>>) src(%dma_wait3A_83 : memref<640x16xf32, #tpu.memory_space<vmem>>) dst(%dma_wait3A_80 : memref<640x16xf32, #tpu.memory_space<hbm>>)
        tpu.yield
      }) : () -> ()
    } else {
    }
    %eq3A_41 = arith.constant 15 : i32
    %eq3A_42 = arith.cmpi eq, %arg1, %eq3A_41 : i32
    %convert_element_type3A_43 = arith.extui %eq3A_42 : i1 to i32
    %cond3A_44 = arith.constant 0 : i32
    %cond3A_45 = arith.cmpi ne, %convert_element_type3A_43, %cond3A_44 : i32
    scf.if %cond3A_45 {
      "tpu.region"() ({
        %run_scoped3A = tpu.sem_alloc : memref<!tpu.dma_semaphore, #tpu.memory_space<semaphore_mem>>
        %dma_start3A_46 = arith.constant 0 : i32
        %dma_start3A_47 = arith.constant 0 : i32
        %dma_start3A_48 = tpu.memref_slice %arg8[%dma_start3A_46, %dma_start3A_47] : memref<640x16xf32, #tpu.memory_space<vmem>> -> memref<400x16xf32, #tpu.memory_space<vmem>>
        %dma_start3A_49 = arith.constant 9600 : i32
        %dma_start3A_50 = arith.constant 0 : i32
        %dma_start3A_51 = tpu.memref_slice %arg9[%dma_start3A_49, %dma_start3A_50] : memref<10000x16xf32, #tpu.memory_space<vmem_shared>> -> memref<400x16xf32, #tpu.memory_space<vmem_shared>>
        %dma_start3A_52 = arith.constant 0 : i32
        %dma_start3A_53 = arith.constant 0 : i32
        %dma_start3A_54 = tpu.memref_slice %arg8[%dma_start3A_52, %dma_start3A_53] : memref<640x16xf32, #tpu.memory_space<vmem>> -> memref<400x16xf32, #tpu.memory_space<vmem>>
        %dma_start3A_55 = arith.constant 9600 : i32
        %dma_start3A_56 = arith.constant 0 : i32
        %dma_start3A_57 = tpu.memref_slice %arg9[%dma_start3A_55, %dma_start3A_56] : memref<10000x16xf32, #tpu.memory_space<vmem_shared>> -> memref<400x16xf32, #tpu.memory_space<vmem_shared>>
        tpu.enqueue_dma source(%dma_start3A_57 : memref<400x16xf32, #tpu.memory_space<vmem_shared>>) target(%dma_start3A_54 : memref<400x16xf32, #tpu.memory_space<vmem>>) target_semaphore(%run_scoped3A : memref<!tpu.dma_semaphore, #tpu.memory_space<semaphore_mem>>)
        %dma_wait3A_58 = arith.constant 0 : i32
        %dma_wait3A_59 = arith.constant 0 : i32
        %dma_wait3A_60 = tpu.memref_slice %arg8[%dma_wait3A_58, %dma_wait3A_59] : memref<640x16xf32, #tpu.memory_space<vmem>> -> memref<400x16xf32, #tpu.memory_space<vmem>>
        %dma_wait3A_61 = arith.constant 9600 : i32
        %dma_wait3A_62 = arith.constant 0 : i32
        %dma_wait3A_63 = tpu.memref_slice %arg9[%dma_wait3A_61, %dma_wait3A_62] : memref<10000x16xf32, #tpu.memory_space<vmem_shared>> -> memref<400x16xf32, #tpu.memory_space<vmem_shared>>
        %dma_wait3A_64 = arith.constant 0 : i32
        %dma_wait3A_65 = arith.constant 0 : i32
        %dma_wait3A_66 = tpu.memref_slice %arg8[%dma_wait3A_64, %dma_wait3A_65] : memref<640x16xf32, #tpu.memory_space<vmem>> -> memref<400x16xf32, #tpu.memory_space<vmem>>
        %dma_wait3A_67 = arith.constant 9600 : i32
        %dma_wait3A_68 = arith.constant 0 : i32
        %dma_wait3A_69 = tpu.memref_slice %arg9[%dma_wait3A_67, %dma_wait3A_68] : memref<10000x16xf32, #tpu.memory_space<vmem_shared>> -> memref<400x16xf32, #tpu.memory_space<vmem_shared>>
        tpu.wait_dma2 semaphore(%run_scoped3A : memref<!tpu.dma_semaphore, #tpu.memory_space<semaphore_mem>>) src(%dma_wait3A_69 : memref<400x16xf32, #tpu.memory_space<vmem_shared>>) dst(%dma_wait3A_66 : memref<400x16xf32, #tpu.memory_space<vmem>>)
        tpu.yield
      }) : () -> ()
      "tpu.region"() ({
        %run_scoped3A = tpu.sem_alloc : memref<!tpu.dma_semaphore, #tpu.memory_space<semaphore_mem>>
        %dma_start3A_46 = arith.constant 0 : i32
        %dma_start3A_47 = arith.constant 0 : i32
        %dma_start3A_48 = tpu.memref_slice %arg8[%dma_start3A_46, %dma_start3A_47] : memref<640x16xf32, #tpu.memory_space<vmem>> -> memref<400x16xf32, #tpu.memory_space<vmem>>
        %dma_start3A_49 = arith.constant 0 : i32
        %dma_start3A_50 = arith.constant 0 : i32
        %dma_start3A_51 = tpu.memref_slice %arg5[%arg0, %dma_start3A_49, %dma_start3A_50] : memref<2x10000x16xf32, #tpu.memory_space<hbm>> -> memref<1x10000x16xf32, #tpu.memory_space<hbm>>
        %dma_start3A_52 = tpu.memref_squeeze %dma_start3A_51 : memref<1x10000x16xf32, #tpu.memory_space<hbm>> -> memref<10000x16xf32, #tpu.memory_space<hbm>>
        %dma_start3A_53 = arith.constant 9600 : i32
        %dma_start3A_54 = arith.constant 0 : i32
        %dma_start3A_55 = tpu.memref_slice %dma_start3A_52[%dma_start3A_53, %dma_start3A_54] : memref<10000x16xf32, #tpu.memory_space<hbm>> -> memref<400x16xf32, #tpu.memory_space<hbm>>
        %dma_start3A_56 = arith.constant 0 : i32
        %dma_start3A_57 = arith.constant 0 : i32
        %dma_start3A_58 = tpu.memref_slice %arg5[%arg0, %dma_start3A_56, %dma_start3A_57] : memref<2x10000x16xf32, #tpu.memory_space<hbm>> -> memref<1x10000x16xf32, #tpu.memory_space<hbm>>
        %dma_start3A_59 = tpu.memref_squeeze %dma_start3A_58 : memref<1x10000x16xf32, #tpu.memory_space<hbm>> -> memref<10000x16xf32, #tpu.memory_space<hbm>>
        %dma_start3A_60 = arith.constant 9600 : i32
        %dma_start3A_61 = arith.constant 0 : i32
        %dma_start3A_62 = tpu.memref_slice %dma_start3A_59[%dma_start3A_60, %dma_start3A_61] : memref<10000x16xf32, #tpu.memory_space<hbm>> -> memref<400x16xf32, #tpu.memory_space<hbm>>
        %dma_start3A_63 = arith.constant 0 : i32
        %dma_start3A_64 = arith.constant 0 : i32
        %dma_start3A_65 = tpu.memref_slice %arg8[%dma_start3A_63, %dma_start3A_64] : memref<640x16xf32, #tpu.memory_space<vmem>> -> memref<400x16xf32, #tpu.memory_space<vmem>>
        tpu.enqueue_dma source(%dma_start3A_65 : memref<400x16xf32, #tpu.memory_space<vmem>>) target(%dma_start3A_62 : memref<400x16xf32, #tpu.memory_space<hbm>>) target_semaphore(%run_scoped3A : memref<!tpu.dma_semaphore, #tpu.memory_space<semaphore_mem>>)
        %dma_wait3A_66 = arith.constant 0 : i32
        %dma_wait3A_67 = arith.constant 0 : i32
        %dma_wait3A_68 = tpu.memref_slice %arg8[%dma_wait3A_66, %dma_wait3A_67] : memref<640x16xf32, #tpu.memory_space<vmem>> -> memref<400x16xf32, #tpu.memory_space<vmem>>
        %dma_wait3A_69 = arith.constant 0 : i32
        %dma_wait3A_70 = arith.constant 0 : i32
        %dma_wait3A_71 = tpu.memref_slice %arg5[%arg0, %dma_wait3A_69, %dma_wait3A_70] : memref<2x10000x16xf32, #tpu.memory_space<hbm>> -> memref<1x10000x16xf32, #tpu.memory_space<hbm>>
        %dma_wait3A_72 = tpu.memref_squeeze %dma_wait3A_71 : memref<1x10000x16xf32, #tpu.memory_space<hbm>> -> memref<10000x16xf32, #tpu.memory_space<hbm>>
        %dma_wait3A_73 = arith.constant 9600 : i32
        %dma_wait3A_74 = arith.constant 0 : i32
        %dma_wait3A_75 = tpu.memref_slice %dma_wait3A_72[%dma_wait3A_73, %dma_wait3A_74] : memref<10000x16xf32, #tpu.memory_space<hbm>> -> memref<400x16xf32, #tpu.memory_space<hbm>>
        %dma_wait3A_76 = arith.constant 0 : i32
        %dma_wait3A_77 = arith.constant 0 : i32
        %dma_wait3A_78 = tpu.memref_slice %arg5[%arg0, %dma_wait3A_76, %dma_wait3A_77] : memref<2x10000x16xf32, #tpu.memory_space<hbm>> -> memref<1x10000x16xf32, #tpu.memory_space<hbm>>
        %dma_wait3A_79 = tpu.memref_squeeze %dma_wait3A_78 : memref<1x10000x16xf32, #tpu.memory_space<hbm>> -> memref<10000x16xf32, #tpu.memory_space<hbm>>
        %dma_wait3A_80 = arith.constant 9600 : i32
        %dma_wait3A_81 = arith.constant 0 : i32
        %dma_wait3A_82 = tpu.memref_slice %dma_wait3A_79[%dma_wait3A_80, %dma_wait3A_81] : memref<10000x16xf32, #tpu.memory_space<hbm>> -> memref<400x16xf32, #tpu.memory_space<hbm>>
        %dma_wait3A_83 = arith.constant 0 : i32
        %dma_wait3A_84 = arith.constant 0 : i32
        %dma_wait3A_85 = tpu.memref_slice %arg8[%dma_wait3A_83, %dma_wait3A_84] : memref<640x16xf32, #tpu.memory_space<vmem>> -> memref<400x16xf32, #tpu.memory_space<vmem>>
        tpu.wait_dma2 semaphore(%run_scoped3A : memref<!tpu.dma_semaphore, #tpu.memory_space<semaphore_mem>>) src(%dma_wait3A_85 : memref<400x16xf32, #tpu.memory_space<vmem>>) dst(%dma_wait3A_82 : memref<400x16xf32, #tpu.memory_space<hbm>>)
        tpu.yield
      }) : () -> ()
    } else {
    }
    return
  }
}

#map = affine_map<(d0, d1) -> (0, 0, 0)>
#map1 = affine_map<(d0, d1) -> (0, 0)>
module attributes {stable_mosaic.version = 14 : i64} {
  func.func @_agg_body(%arg0: i32, %arg1: i32, %arg2: memref<2x10000x32xf32, #tpu.memory_space<hbm>>, %arg3: memref<160x1000xi32, #tpu.memory_space<hbm>>, %arg4: memref<160x1000xi32, #tpu.memory_space<hbm>>, %arg5: memref<2x10000x32xf32, #tpu.memory_space<hbm>>, %arg6: memref<10x1000xi32, #tpu.memory_space<vmem>>, %arg7: memref<10x1000xi32, #tpu.memory_space<vmem>>, %arg8: memref<1000x32xf32, #tpu.memory_space<vmem>>, %arg9: memref<1000x32xf32, #tpu.memory_space<vmem>>, %arg10: memref<640x32xf32, #tpu.memory_space<vmem>>, %arg11: memref<10000x32xf32, #tpu.memory_space<vmem_shared>>, %arg12: memref<!tpu.dma_semaphore, #tpu.memory_space<semaphore_mem>>, %arg13: memref<!tpu.dma_semaphore, #tpu.memory_space<semaphore_mem>>, %arg14: memref<!tpu.dma_semaphore, #tpu.memory_space<semaphore_mem>>, %arg15: memref<!tpu.dma_semaphore, #tpu.memory_space<semaphore_mem>>) attributes {dimension_semantics = [#tpu.dimension_semantics<core_parallel>, #tpu.dimension_semantics<subcore_parallel>], iteration_bounds = array<i64: 2, 16>, scalar_prefetch = 0 : i64, scratch_operands = 10 : i64, tpu.core_type = #tpu.core_type<sc_vector_subcore>, window_params = [{transform_indices = #map}, {transform_indices = #map1}, {transform_indices = #map1}, {transform_indices = #map}]} {
    %mul3A = arith.constant 10 : i32
    %mul3A_0 = arith.muli %arg1, %mul3A : i32
    "tpu.region"() ({
      %run_scoped3A = tpu.sem_alloc : memref<!tpu.dma_semaphore, #tpu.memory_space<semaphore_mem>>
      %dma_start3A_378 = arith.constant 0 : i32
      %dma_start3A_379 = tpu.memref_slice %arg3[%mul3A_0, %dma_start3A_378] : memref<160x1000xi32, #tpu.memory_space<hbm>> -> memref<10x1000xi32, #tpu.memory_space<hbm>>
      %dma_start3A_380 = arith.constant 0 : i32
      %dma_start3A_381 = tpu.memref_slice %arg3[%mul3A_0, %dma_start3A_380] : memref<160x1000xi32, #tpu.memory_space<hbm>> -> memref<10x1000xi32, #tpu.memory_space<hbm>>
      tpu.enqueue_dma source(%dma_start3A_381 : memref<10x1000xi32, #tpu.memory_space<hbm>>) target(%arg6 : memref<10x1000xi32, #tpu.memory_space<vmem>>) target_semaphore(%run_scoped3A : memref<!tpu.dma_semaphore, #tpu.memory_space<semaphore_mem>>)
      %dma_wait3A_382 = arith.constant 0 : i32
      %dma_wait3A_383 = tpu.memref_slice %arg3[%mul3A_0, %dma_wait3A_382] : memref<160x1000xi32, #tpu.memory_space<hbm>> -> memref<10x1000xi32, #tpu.memory_space<hbm>>
      %dma_wait3A_384 = arith.constant 0 : i32
      %dma_wait3A_385 = tpu.memref_slice %arg3[%mul3A_0, %dma_wait3A_384] : memref<160x1000xi32, #tpu.memory_space<hbm>> -> memref<10x1000xi32, #tpu.memory_space<hbm>>
      tpu.wait_dma2 semaphore(%run_scoped3A : memref<!tpu.dma_semaphore, #tpu.memory_space<semaphore_mem>>) src(%dma_wait3A_385 : memref<10x1000xi32, #tpu.memory_space<hbm>>) dst(%arg6 : memref<10x1000xi32, #tpu.memory_space<vmem>>)
      tpu.yield
    }) : () -> ()
    %mul3A_1 = arith.constant 10 : i32
    %mul3A_2 = arith.muli %arg1, %mul3A_1 : i32
    "tpu.region"() ({
      %run_scoped3A = tpu.sem_alloc : memref<!tpu.dma_semaphore, #tpu.memory_space<semaphore_mem>>
      %dma_start3A_378 = arith.constant 0 : i32
      %dma_start3A_379 = tpu.memref_slice %arg4[%mul3A_2, %dma_start3A_378] : memref<160x1000xi32, #tpu.memory_space<hbm>> -> memref<10x1000xi32, #tpu.memory_space<hbm>>
      %dma_start3A_380 = arith.constant 0 : i32
      %dma_start3A_381 = tpu.memref_slice %arg4[%mul3A_2, %dma_start3A_380] : memref<160x1000xi32, #tpu.memory_space<hbm>> -> memref<10x1000xi32, #tpu.memory_space<hbm>>
      tpu.enqueue_dma source(%dma_start3A_381 : memref<10x1000xi32, #tpu.memory_space<hbm>>) target(%arg7 : memref<10x1000xi32, #tpu.memory_space<vmem>>) target_semaphore(%run_scoped3A : memref<!tpu.dma_semaphore, #tpu.memory_space<semaphore_mem>>)
      %dma_wait3A_382 = arith.constant 0 : i32
      %dma_wait3A_383 = tpu.memref_slice %arg4[%mul3A_2, %dma_wait3A_382] : memref<160x1000xi32, #tpu.memory_space<hbm>> -> memref<10x1000xi32, #tpu.memory_space<hbm>>
      %dma_wait3A_384 = arith.constant 0 : i32
      %dma_wait3A_385 = tpu.memref_slice %arg4[%mul3A_2, %dma_wait3A_384] : memref<160x1000xi32, #tpu.memory_space<hbm>> -> memref<10x1000xi32, #tpu.memory_space<hbm>>
      tpu.wait_dma2 semaphore(%run_scoped3A : memref<!tpu.dma_semaphore, #tpu.memory_space<semaphore_mem>>) src(%dma_wait3A_385 : memref<10x1000xi32, #tpu.memory_space<hbm>>) dst(%arg7 : memref<10x1000xi32, #tpu.memory_space<vmem>>)
      tpu.yield
    }) : () -> ()
    %lt3A = arith.constant 15 : i32
    %lt3A_3 = arith.cmpi slt, %arg1, %lt3A : i32
    %convert_element_type3A = arith.extui %lt3A_3 : i1 to i32
    %cond3A = arith.constant 0 : i32
    %cond3A_4 = arith.cmpi ne, %convert_element_type3A, %cond3A : i32
    scf.if %cond3A_4 {
      %mul3A_378 = arith.constant 640 : i32
      %mul3A_379 = arith.muli %arg1, %mul3A_378 : i32
      "tpu.region"() ({
        %run_scoped3A = tpu.sem_alloc : memref<!tpu.dma_semaphore, #tpu.memory_space<semaphore_mem>>
        %dma_start3A_380 = arith.constant 0 : i32
        %dma_start3A_381 = arith.constant 0 : i32
        %dma_start3A_382 = tpu.memref_slice %arg10[%dma_start3A_380, %dma_start3A_381] : memref<640x32xf32, #tpu.memory_space<vmem>> -> memref<640x32xf32, #tpu.memory_space<vmem>>
        %dma_start3A_383 = arith.constant 0 : i32
        %dma_start3A_384 = arith.constant 0 : i32
        %dma_start3A_385 = tpu.memref_slice %arg2[%arg0, %dma_start3A_383, %dma_start3A_384] : memref<2x10000x32xf32, #tpu.memory_space<hbm>> -> memref<1x10000x32xf32, #tpu.memory_space<hbm>>
        %dma_start3A_386 = tpu.memref_squeeze %dma_start3A_385 : memref<1x10000x32xf32, #tpu.memory_space<hbm>> -> memref<10000x32xf32, #tpu.memory_space<hbm>>
        %dma_start3A_387 = arith.constant 0 : i32
        %dma_start3A_388 = tpu.memref_slice %dma_start3A_386[%mul3A_379, %dma_start3A_387] : memref<10000x32xf32, #tpu.memory_space<hbm>> -> memref<640x32xf32, #tpu.memory_space<hbm>>
        %dma_start3A_389 = arith.constant 0 : i32
        %dma_start3A_390 = arith.constant 0 : i32
        %dma_start3A_391 = tpu.memref_slice %arg10[%dma_start3A_389, %dma_start3A_390] : memref<640x32xf32, #tpu.memory_space<vmem>> -> memref<640x32xf32, #tpu.memory_space<vmem>>
        %dma_start3A_392 = arith.constant 0 : i32
        %dma_start3A_393 = arith.constant 0 : i32
        %dma_start3A_394 = tpu.memref_slice %arg2[%arg0, %dma_start3A_392, %dma_start3A_393] : memref<2x10000x32xf32, #tpu.memory_space<hbm>> -> memref<1x10000x32xf32, #tpu.memory_space<hbm>>
        %dma_start3A_395 = tpu.memref_squeeze %dma_start3A_394 : memref<1x10000x32xf32, #tpu.memory_space<hbm>> -> memref<10000x32xf32, #tpu.memory_space<hbm>>
        %dma_start3A_396 = arith.constant 0 : i32
        %dma_start3A_397 = tpu.memref_slice %dma_start3A_395[%mul3A_379, %dma_start3A_396] : memref<10000x32xf32, #tpu.memory_space<hbm>> -> memref<640x32xf32, #tpu.memory_space<hbm>>
        tpu.enqueue_dma source(%dma_start3A_397 : memref<640x32xf32, #tpu.memory_space<hbm>>) target(%dma_start3A_391 : memref<640x32xf32, #tpu.memory_space<vmem>>) target_semaphore(%run_scoped3A : memref<!tpu.dma_semaphore, #tpu.memory_space<semaphore_mem>>)
        %dma_wait3A_398 = arith.constant 0 : i32
        %dma_wait3A_399 = arith.constant 0 : i32
        %dma_wait3A_400 = tpu.memref_slice %arg10[%dma_wait3A_398, %dma_wait3A_399] : memref<640x32xf32, #tpu.memory_space<vmem>> -> memref<640x32xf32, #tpu.memory_space<vmem>>
        %dma_wait3A_401 = arith.constant 0 : i32
        %dma_wait3A_402 = arith.constant 0 : i32
        %dma_wait3A_403 = tpu.memref_slice %arg2[%arg0, %dma_wait3A_401, %dma_wait3A_402] : memref<2x10000x32xf32, #tpu.memory_space<hbm>> -> memref<1x10000x32xf32, #tpu.memory_space<hbm>>
        %dma_wait3A_404 = tpu.memref_squeeze %dma_wait3A_403 : memref<1x10000x32xf32, #tpu.memory_space<hbm>> -> memref<10000x32xf32, #tpu.memory_space<hbm>>
        %dma_wait3A_405 = arith.constant 0 : i32
        %dma_wait3A_406 = tpu.memref_slice %dma_wait3A_404[%mul3A_379, %dma_wait3A_405] : memref<10000x32xf32, #tpu.memory_space<hbm>> -> memref<640x32xf32, #tpu.memory_space<hbm>>
        %dma_wait3A_407 = arith.constant 0 : i32
        %dma_wait3A_408 = arith.constant 0 : i32
        %dma_wait3A_409 = tpu.memref_slice %arg10[%dma_wait3A_407, %dma_wait3A_408] : memref<640x32xf32, #tpu.memory_space<vmem>> -> memref<640x32xf32, #tpu.memory_space<vmem>>
        %dma_wait3A_410 = arith.constant 0 : i32
        %dma_wait3A_411 = arith.constant 0 : i32
        %dma_wait3A_412 = tpu.memref_slice %arg2[%arg0, %dma_wait3A_410, %dma_wait3A_411] : memref<2x10000x32xf32, #tpu.memory_space<hbm>> -> memref<1x10000x32xf32, #tpu.memory_space<hbm>>
        %dma_wait3A_413 = tpu.memref_squeeze %dma_wait3A_412 : memref<1x10000x32xf32, #tpu.memory_space<hbm>> -> memref<10000x32xf32, #tpu.memory_space<hbm>>
        %dma_wait3A_414 = arith.constant 0 : i32
        %dma_wait3A_415 = tpu.memref_slice %dma_wait3A_413[%mul3A_379, %dma_wait3A_414] : memref<10000x32xf32, #tpu.memory_space<hbm>> -> memref<640x32xf32, #tpu.memory_space<hbm>>
        tpu.wait_dma2 semaphore(%run_scoped3A : memref<!tpu.dma_semaphore, #tpu.memory_space<semaphore_mem>>) src(%dma_wait3A_415 : memref<640x32xf32, #tpu.memory_space<hbm>>) dst(%dma_wait3A_409 : memref<640x32xf32, #tpu.memory_space<vmem>>)
        tpu.yield
      }) : () -> ()
      "tpu.region"() ({
        %run_scoped3A = tpu.sem_alloc : memref<!tpu.dma_semaphore, #tpu.memory_space<semaphore_mem>>
        %dma_start3A_380 = arith.constant 0 : i32
        %dma_start3A_381 = arith.constant 0 : i32
        %dma_start3A_382 = tpu.memref_slice %arg10[%dma_start3A_380, %dma_start3A_381] : memref<640x32xf32, #tpu.memory_space<vmem>> -> memref<640x32xf32, #tpu.memory_space<vmem>>
        %dma_start3A_383 = arith.constant 0 : i32
        %dma_start3A_384 = tpu.memref_slice %arg11[%mul3A_379, %dma_start3A_383] : memref<10000x32xf32, #tpu.memory_space<vmem_shared>> -> memref<640x32xf32, #tpu.memory_space<vmem_shared>>
        %dma_start3A_385 = arith.constant 0 : i32
        %dma_start3A_386 = tpu.memref_slice %arg11[%mul3A_379, %dma_start3A_385] : memref<10000x32xf32, #tpu.memory_space<vmem_shared>> -> memref<640x32xf32, #tpu.memory_space<vmem_shared>>
        %dma_start3A_387 = arith.constant 0 : i32
        %dma_start3A_388 = arith.constant 0 : i32
        %dma_start3A_389 = tpu.memref_slice %arg10[%dma_start3A_387, %dma_start3A_388] : memref<640x32xf32, #tpu.memory_space<vmem>> -> memref<640x32xf32, #tpu.memory_space<vmem>>
        tpu.enqueue_dma source(%dma_start3A_389 : memref<640x32xf32, #tpu.memory_space<vmem>>) target(%dma_start3A_386 : memref<640x32xf32, #tpu.memory_space<vmem_shared>>) target_semaphore(%run_scoped3A : memref<!tpu.dma_semaphore, #tpu.memory_space<semaphore_mem>>)
        %dma_wait3A_390 = arith.constant 0 : i32
        %dma_wait3A_391 = arith.constant 0 : i32
        %dma_wait3A_392 = tpu.memref_slice %arg10[%dma_wait3A_390, %dma_wait3A_391] : memref<640x32xf32, #tpu.memory_space<vmem>> -> memref<640x32xf32, #tpu.memory_space<vmem>>
        %dma_wait3A_393 = arith.constant 0 : i32
        %dma_wait3A_394 = tpu.memref_slice %arg11[%mul3A_379, %dma_wait3A_393] : memref<10000x32xf32, #tpu.memory_space<vmem_shared>> -> memref<640x32xf32, #tpu.memory_space<vmem_shared>>
        %dma_wait3A_395 = arith.constant 0 : i32
        %dma_wait3A_396 = tpu.memref_slice %arg11[%mul3A_379, %dma_wait3A_395] : memref<10000x32xf32, #tpu.memory_space<vmem_shared>> -> memref<640x32xf32, #tpu.memory_space<vmem_shared>>
        %dma_wait3A_397 = arith.constant 0 : i32
        %dma_wait3A_398 = arith.constant 0 : i32
        %dma_wait3A_399 = tpu.memref_slice %arg10[%dma_wait3A_397, %dma_wait3A_398] : memref<640x32xf32, #tpu.memory_space<vmem>> -> memref<640x32xf32, #tpu.memory_space<vmem>>
        tpu.wait_dma2 semaphore(%run_scoped3A : memref<!tpu.dma_semaphore, #tpu.memory_space<semaphore_mem>>) src(%dma_wait3A_399 : memref<640x32xf32, #tpu.memory_space<vmem>>) dst(%dma_wait3A_396 : memref<640x32xf32, #tpu.memory_space<vmem_shared>>)
        tpu.yield
      }) : () -> ()
    } else {
    }
    %eq3A = arith.constant 15 : i32
    %eq3A_5 = arith.cmpi eq, %arg1, %eq3A : i32
    %convert_element_type3A_6 = arith.extui %eq3A_5 : i1 to i32
    %cond3A_7 = arith.constant 0 : i32
    %cond3A_8 = arith.cmpi ne, %convert_element_type3A_6, %cond3A_7 : i32
    scf.if %cond3A_8 {
      "tpu.region"() ({
        %run_scoped3A = tpu.sem_alloc : memref<!tpu.dma_semaphore, #tpu.memory_space<semaphore_mem>>
        %dma_start3A_378 = arith.constant 0 : i32
        %dma_start3A_379 = arith.constant 0 : i32
        %dma_start3A_380 = tpu.memref_slice %arg10[%dma_start3A_378, %dma_start3A_379] : memref<640x32xf32, #tpu.memory_space<vmem>> -> memref<400x32xf32, #tpu.memory_space<vmem>>
        %dma_start3A_381 = arith.constant 0 : i32
        %dma_start3A_382 = arith.constant 0 : i32
        %dma_start3A_383 = tpu.memref_slice %arg2[%arg0, %dma_start3A_381, %dma_start3A_382] : memref<2x10000x32xf32, #tpu.memory_space<hbm>> -> memref<1x10000x32xf32, #tpu.memory_space<hbm>>
        %dma_start3A_384 = tpu.memref_squeeze %dma_start3A_383 : memref<1x10000x32xf32, #tpu.memory_space<hbm>> -> memref<10000x32xf32, #tpu.memory_space<hbm>>
        %dma_start3A_385 = arith.constant 9600 : i32
        %dma_start3A_386 = arith.constant 0 : i32
        %dma_start3A_387 = tpu.memref_slice %dma_start3A_384[%dma_start3A_385, %dma_start3A_386] : memref<10000x32xf32, #tpu.memory_space<hbm>> -> memref<400x32xf32, #tpu.memory_space<hbm>>
        %dma_start3A_388 = arith.constant 0 : i32
        %dma_start3A_389 = arith.constant 0 : i32
        %dma_start3A_390 = tpu.memref_slice %arg10[%dma_start3A_388, %dma_start3A_389] : memref<640x32xf32, #tpu.memory_space<vmem>> -> memref<400x32xf32, #tpu.memory_space<vmem>>
        %dma_start3A_391 = arith.constant 0 : i32
        %dma_start3A_392 = arith.constant 0 : i32
        %dma_start3A_393 = tpu.memref_slice %arg2[%arg0, %dma_start3A_391, %dma_start3A_392] : memref<2x10000x32xf32, #tpu.memory_space<hbm>> -> memref<1x10000x32xf32, #tpu.memory_space<hbm>>
        %dma_start3A_394 = tpu.memref_squeeze %dma_start3A_393 : memref<1x10000x32xf32, #tpu.memory_space<hbm>> -> memref<10000x32xf32, #tpu.memory_space<hbm>>
        %dma_start3A_395 = arith.constant 9600 : i32
        %dma_start3A_396 = arith.constant 0 : i32
        %dma_start3A_397 = tpu.memref_slice %dma_start3A_394[%dma_start3A_395, %dma_start3A_396] : memref<10000x32xf32, #tpu.memory_space<hbm>> -> memref<400x32xf32, #tpu.memory_space<hbm>>
        tpu.enqueue_dma source(%dma_start3A_397 : memref<400x32xf32, #tpu.memory_space<hbm>>) target(%dma_start3A_390 : memref<400x32xf32, #tpu.memory_space<vmem>>) target_semaphore(%run_scoped3A : memref<!tpu.dma_semaphore, #tpu.memory_space<semaphore_mem>>)
        %dma_wait3A_398 = arith.constant 0 : i32
        %dma_wait3A_399 = arith.constant 0 : i32
        %dma_wait3A_400 = tpu.memref_slice %arg10[%dma_wait3A_398, %dma_wait3A_399] : memref<640x32xf32, #tpu.memory_space<vmem>> -> memref<400x32xf32, #tpu.memory_space<vmem>>
        %dma_wait3A_401 = arith.constant 0 : i32
        %dma_wait3A_402 = arith.constant 0 : i32
        %dma_wait3A_403 = tpu.memref_slice %arg2[%arg0, %dma_wait3A_401, %dma_wait3A_402] : memref<2x10000x32xf32, #tpu.memory_space<hbm>> -> memref<1x10000x32xf32, #tpu.memory_space<hbm>>
        %dma_wait3A_404 = tpu.memref_squeeze %dma_wait3A_403 : memref<1x10000x32xf32, #tpu.memory_space<hbm>> -> memref<10000x32xf32, #tpu.memory_space<hbm>>
        %dma_wait3A_405 = arith.constant 9600 : i32
        %dma_wait3A_406 = arith.constant 0 : i32
        %dma_wait3A_407 = tpu.memref_slice %dma_wait3A_404[%dma_wait3A_405, %dma_wait3A_406] : memref<10000x32xf32, #tpu.memory_space<hbm>> -> memref<400x32xf32, #tpu.memory_space<hbm>>
        %dma_wait3A_408 = arith.constant 0 : i32
        %dma_wait3A_409 = arith.constant 0 : i32
        %dma_wait3A_410 = tpu.memref_slice %arg10[%dma_wait3A_408, %dma_wait3A_409] : memref<640x32xf32, #tpu.memory_space<vmem>> -> memref<400x32xf32, #tpu.memory_space<vmem>>
        %dma_wait3A_411 = arith.constant 0 : i32
        %dma_wait3A_412 = arith.constant 0 : i32
        %dma_wait3A_413 = tpu.memref_slice %arg2[%arg0, %dma_wait3A_411, %dma_wait3A_412] : memref<2x10000x32xf32, #tpu.memory_space<hbm>> -> memref<1x10000x32xf32, #tpu.memory_space<hbm>>
        %dma_wait3A_414 = tpu.memref_squeeze %dma_wait3A_413 : memref<1x10000x32xf32, #tpu.memory_space<hbm>> -> memref<10000x32xf32, #tpu.memory_space<hbm>>
        %dma_wait3A_415 = arith.constant 9600 : i32
        %dma_wait3A_416 = arith.constant 0 : i32
        %dma_wait3A_417 = tpu.memref_slice %dma_wait3A_414[%dma_wait3A_415, %dma_wait3A_416] : memref<10000x32xf32, #tpu.memory_space<hbm>> -> memref<400x32xf32, #tpu.memory_space<hbm>>
        tpu.wait_dma2 semaphore(%run_scoped3A : memref<!tpu.dma_semaphore, #tpu.memory_space<semaphore_mem>>) src(%dma_wait3A_417 : memref<400x32xf32, #tpu.memory_space<hbm>>) dst(%dma_wait3A_410 : memref<400x32xf32, #tpu.memory_space<vmem>>)
        tpu.yield
      }) : () -> ()
      "tpu.region"() ({
        %run_scoped3A = tpu.sem_alloc : memref<!tpu.dma_semaphore, #tpu.memory_space<semaphore_mem>>
        %dma_start3A_378 = arith.constant 0 : i32
        %dma_start3A_379 = arith.constant 0 : i32
        %dma_start3A_380 = tpu.memref_slice %arg10[%dma_start3A_378, %dma_start3A_379] : memref<640x32xf32, #tpu.memory_space<vmem>> -> memref<400x32xf32, #tpu.memory_space<vmem>>
        %dma_start3A_381 = arith.constant 9600 : i32
        %dma_start3A_382 = arith.constant 0 : i32
        %dma_start3A_383 = tpu.memref_slice %arg11[%dma_start3A_381, %dma_start3A_382] : memref<10000x32xf32, #tpu.memory_space<vmem_shared>> -> memref<400x32xf32, #tpu.memory_space<vmem_shared>>
        %dma_start3A_384 = arith.constant 9600 : i32
        %dma_start3A_385 = arith.constant 0 : i32
        %dma_start3A_386 = tpu.memref_slice %arg11[%dma_start3A_384, %dma_start3A_385] : memref<10000x32xf32, #tpu.memory_space<vmem_shared>> -> memref<400x32xf32, #tpu.memory_space<vmem_shared>>
        %dma_start3A_387 = arith.constant 0 : i32
        %dma_start3A_388 = arith.constant 0 : i32
        %dma_start3A_389 = tpu.memref_slice %arg10[%dma_start3A_387, %dma_start3A_388] : memref<640x32xf32, #tpu.memory_space<vmem>> -> memref<400x32xf32, #tpu.memory_space<vmem>>
        tpu.enqueue_dma source(%dma_start3A_389 : memref<400x32xf32, #tpu.memory_space<vmem>>) target(%dma_start3A_386 : memref<400x32xf32, #tpu.memory_space<vmem_shared>>) target_semaphore(%run_scoped3A : memref<!tpu.dma_semaphore, #tpu.memory_space<semaphore_mem>>)
        %dma_wait3A_390 = arith.constant 0 : i32
        %dma_wait3A_391 = arith.constant 0 : i32
        %dma_wait3A_392 = tpu.memref_slice %arg10[%dma_wait3A_390, %dma_wait3A_391] : memref<640x32xf32, #tpu.memory_space<vmem>> -> memref<400x32xf32, #tpu.memory_space<vmem>>
        %dma_wait3A_393 = arith.constant 9600 : i32
        %dma_wait3A_394 = arith.constant 0 : i32
        %dma_wait3A_395 = tpu.memref_slice %arg11[%dma_wait3A_393, %dma_wait3A_394] : memref<10000x32xf32, #tpu.memory_space<vmem_shared>> -> memref<400x32xf32, #tpu.memory_space<vmem_shared>>
        %dma_wait3A_396 = arith.constant 9600 : i32
        %dma_wait3A_397 = arith.constant 0 : i32
        %dma_wait3A_398 = tpu.memref_slice %arg11[%dma_wait3A_396, %dma_wait3A_397] : memref<10000x32xf32, #tpu.memory_space<vmem_shared>> -> memref<400x32xf32, #tpu.memory_space<vmem_shared>>
        %dma_wait3A_399 = arith.constant 0 : i32
        %dma_wait3A_400 = arith.constant 0 : i32
        %dma_wait3A_401 = tpu.memref_slice %arg10[%dma_wait3A_399, %dma_wait3A_400] : memref<640x32xf32, #tpu.memory_space<vmem>> -> memref<400x32xf32, #tpu.memory_space<vmem>>
        tpu.wait_dma2 semaphore(%run_scoped3A : memref<!tpu.dma_semaphore, #tpu.memory_space<semaphore_mem>>) src(%dma_wait3A_401 : memref<400x32xf32, #tpu.memory_space<vmem>>) dst(%dma_wait3A_398 : memref<400x32xf32, #tpu.memory_space<vmem_shared>>)
        tpu.yield
      }) : () -> ()
    } else {
    }
    %dma_start3A = arith.constant 0 : i32
    %dma_start3A_9 = arith.constant 0 : i32
    %dma_start3A_10 = tpu.memref_slice %arg6[%dma_start3A, %dma_start3A_9] : memref<10x1000xi32, #tpu.memory_space<vmem>> -> memref<1x1000xi32, #tpu.memory_space<vmem>>
    %dma_start3A_11 = tpu.memref_squeeze %dma_start3A_10 : memref<1x1000xi32, #tpu.memory_space<vmem>> -> memref<1000xi32, #tpu.memory_space<vmem>>
    %dma_start3A_12 = arith.constant 0 : i32
    %dma_start3A_13 = arith.constant 0 : i32
    %dma_start3A_14 = tpu.memref_slice %arg2[%arg0, %dma_start3A_12, %dma_start3A_13] : memref<2x10000x32xf32, #tpu.memory_space<hbm>> -> memref<1x10000x32xf32, #tpu.memory_space<hbm>>
    %dma_start3A_15 = tpu.memref_squeeze %dma_start3A_14 : memref<1x10000x32xf32, #tpu.memory_space<hbm>> -> memref<10000x32xf32, #tpu.memory_space<hbm>>
    %dma_start3A_16 = arith.constant 0 : i32
    %dma_start3A_17 = arith.constant 0 : i32
    %dma_start3A_18 = tpu.memref_slice %dma_start3A_15[%dma_start3A_16, %dma_start3A_17] : memref<10000x32xf32, #tpu.memory_space<hbm>> -> memref<10000x32xf32, #tpu.memory_space<hbm>>
    tpu.enqueue_indirect_dma source(%dma_start3A_18 : memref<10000x32xf32, #tpu.memory_space<hbm>>) target(%arg8 : memref<1000x32xf32, #tpu.memory_space<vmem>>) offsets(%dma_start3A_11 : memref<1000xi32, #tpu.memory_space<vmem>>) semaphore(%arg12 : memref<!tpu.dma_semaphore, #tpu.memory_space<semaphore_mem>>)
    %barrier3A = arith.constant 0 : index
    tpu.barrier barrier_id(%barrier3A)
    %dma_start3A_19 = arith.constant 1 : i32
    %dma_start3A_20 = arith.constant 0 : i32
    %dma_start3A_21 = tpu.memref_slice %arg6[%dma_start3A_19, %dma_start3A_20] : memref<10x1000xi32, #tpu.memory_space<vmem>> -> memref<1x1000xi32, #tpu.memory_space<vmem>>
    %dma_start3A_22 = tpu.memref_squeeze %dma_start3A_21 : memref<1x1000xi32, #tpu.memory_space<vmem>> -> memref<1000xi32, #tpu.memory_space<vmem>>
    %dma_start3A_23 = arith.constant 0 : i32
    %dma_start3A_24 = arith.constant 0 : i32
    %dma_start3A_25 = tpu.memref_slice %arg2[%arg0, %dma_start3A_23, %dma_start3A_24] : memref<2x10000x32xf32, #tpu.memory_space<hbm>> -> memref<1x10000x32xf32, #tpu.memory_space<hbm>>
    %dma_start3A_26 = tpu.memref_squeeze %dma_start3A_25 : memref<1x10000x32xf32, #tpu.memory_space<hbm>> -> memref<10000x32xf32, #tpu.memory_space<hbm>>
    %dma_start3A_27 = arith.constant 0 : i32
    %dma_start3A_28 = arith.constant 0 : i32
    %dma_start3A_29 = tpu.memref_slice %dma_start3A_26[%dma_start3A_27, %dma_start3A_28] : memref<10000x32xf32, #tpu.memory_space<hbm>> -> memref<10000x32xf32, #tpu.memory_space<hbm>>
    tpu.enqueue_indirect_dma source(%dma_start3A_29 : memref<10000x32xf32, #tpu.memory_space<hbm>>) target(%arg9 : memref<1000x32xf32, #tpu.memory_space<vmem>>) offsets(%dma_start3A_22 : memref<1000xi32, #tpu.memory_space<vmem>>) semaphore(%arg13 : memref<!tpu.dma_semaphore, #tpu.memory_space<semaphore_mem>>)
    %dma_wait3A = arith.constant 0 : i32
    %dma_wait3A_30 = arith.constant 0 : i32
    %dma_wait3A_31 = tpu.memref_slice %arg6[%dma_wait3A, %dma_wait3A_30] : memref<10x1000xi32, #tpu.memory_space<vmem>> -> memref<1x1000xi32, #tpu.memory_space<vmem>>
    %dma_wait3A_32 = tpu.memref_squeeze %dma_wait3A_31 : memref<1x1000xi32, #tpu.memory_space<vmem>> -> memref<1000xi32, #tpu.memory_space<vmem>>
    %dma_wait3A_33 = arith.constant 0 : i32
    %dma_wait3A_34 = arith.constant 0 : i32
    %dma_wait3A_35 = tpu.memref_slice %arg2[%arg0, %dma_wait3A_33, %dma_wait3A_34] : memref<2x10000x32xf32, #tpu.memory_space<hbm>> -> memref<1x10000x32xf32, #tpu.memory_space<hbm>>
    %dma_wait3A_36 = tpu.memref_squeeze %dma_wait3A_35 : memref<1x10000x32xf32, #tpu.memory_space<hbm>> -> memref<10000x32xf32, #tpu.memory_space<hbm>>
    %dma_wait3A_37 = arith.constant 0 : i32
    %dma_wait3A_38 = arith.constant 0 : i32
    %dma_wait3A_39 = tpu.memref_slice %dma_wait3A_36[%dma_wait3A_37, %dma_wait3A_38] : memref<10000x32xf32, #tpu.memory_space<hbm>> -> memref<10000x32xf32, #tpu.memory_space<hbm>>
    tpu.wait_indirect_dma semaphore(%arg12 : memref<!tpu.dma_semaphore, #tpu.memory_space<semaphore_mem>>) src(%dma_wait3A_39 : memref<10000x32xf32, #tpu.memory_space<hbm>>) dst(%arg8 : memref<1000x32xf32, #tpu.memory_space<vmem>>)
    %dma_start3A_40 = arith.constant 0 : i32
    %dma_start3A_41 = arith.constant 0 : i32
    %dma_start3A_42 = tpu.memref_slice %arg7[%dma_start3A_40, %dma_start3A_41] : memref<10x1000xi32, #tpu.memory_space<vmem>> -> memref<1x1000xi32, #tpu.memory_space<vmem>>
    %dma_start3A_43 = tpu.memref_squeeze %dma_start3A_42 : memref<1x1000xi32, #tpu.memory_space<vmem>> -> memref<1000xi32, #tpu.memory_space<vmem>>
    %dma_start3A_44 = arith.constant 0 : i32
    %dma_start3A_45 = arith.constant 0 : i32
    %dma_start3A_46 = tpu.memref_slice %arg11[%dma_start3A_44, %dma_start3A_45] : memref<10000x32xf32, #tpu.memory_space<vmem_shared>> -> memref<10000x32xf32, #tpu.memory_space<vmem_shared>>
    tpu.enqueue_indirect_dma source(%arg8 : memref<1000x32xf32, #tpu.memory_space<vmem>>) target(%dma_start3A_46 : memref<10000x32xf32, #tpu.memory_space<vmem_shared>>) offsets(%dma_start3A_43 : memref<1000xi32, #tpu.memory_space<vmem>>) semaphore(%arg14 : memref<!tpu.dma_semaphore, #tpu.memory_space<semaphore_mem>>) {add = true}
    %dma_wait3A_47 = arith.constant 0 : i32
    %dma_wait3A_48 = arith.constant 0 : i32
    %dma_wait3A_49 = tpu.memref_slice %arg7[%dma_wait3A_47, %dma_wait3A_48] : memref<10x1000xi32, #tpu.memory_space<vmem>> -> memref<1x1000xi32, #tpu.memory_space<vmem>>
    %dma_wait3A_50 = tpu.memref_squeeze %dma_wait3A_49 : memref<1x1000xi32, #tpu.memory_space<vmem>> -> memref<1000xi32, #tpu.memory_space<vmem>>
    %dma_wait3A_51 = arith.constant 0 : i32
    %dma_wait3A_52 = arith.constant 0 : i32
    %dma_wait3A_53 = tpu.memref_slice %arg11[%dma_wait3A_51, %dma_wait3A_52] : memref<10000x32xf32, #tpu.memory_space<vmem_shared>> -> memref<10000x32xf32, #tpu.memory_space<vmem_shared>>
    tpu.wait_indirect_dma semaphore(%arg14 : memref<!tpu.dma_semaphore, #tpu.memory_space<semaphore_mem>>) src(%arg8 : memref<1000x32xf32, #tpu.memory_space<vmem>>) dst(%dma_wait3A_53 : memref<10000x32xf32, #tpu.memory_space<vmem_shared>>)
    %dma_start3A_54 = arith.constant 2 : i32
    %dma_start3A_55 = arith.constant 0 : i32
    %dma_start3A_56 = tpu.memref_slice %arg6[%dma_start3A_54, %dma_start3A_55] : memref<10x1000xi32, #tpu.memory_space<vmem>> -> memref<1x1000xi32, #tpu.memory_space<vmem>>
    %dma_start3A_57 = tpu.memref_squeeze %dma_start3A_56 : memref<1x1000xi32, #tpu.memory_space<vmem>> -> memref<1000xi32, #tpu.memory_space<vmem>>
    %dma_start3A_58 = arith.constant 0 : i32
    %dma_start3A_59 = arith.constant 0 : i32
    %dma_start3A_60 = tpu.memref_slice %arg2[%arg0, %dma_start3A_58, %dma_start3A_59] : memref<2x10000x32xf32, #tpu.memory_space<hbm>> -> memref<1x10000x32xf32, #tpu.memory_space<hbm>>
    %dma_start3A_61 = tpu.memref_squeeze %dma_start3A_60 : memref<1x10000x32xf32, #tpu.memory_space<hbm>> -> memref<10000x32xf32, #tpu.memory_space<hbm>>
    %dma_start3A_62 = arith.constant 0 : i32
    %dma_start3A_63 = arith.constant 0 : i32
    %dma_start3A_64 = tpu.memref_slice %dma_start3A_61[%dma_start3A_62, %dma_start3A_63] : memref<10000x32xf32, #tpu.memory_space<hbm>> -> memref<10000x32xf32, #tpu.memory_space<hbm>>
    tpu.enqueue_indirect_dma source(%dma_start3A_64 : memref<10000x32xf32, #tpu.memory_space<hbm>>) target(%arg8 : memref<1000x32xf32, #tpu.memory_space<vmem>>) offsets(%dma_start3A_57 : memref<1000xi32, #tpu.memory_space<vmem>>) semaphore(%arg12 : memref<!tpu.dma_semaphore, #tpu.memory_space<semaphore_mem>>)
    %dma_wait3A_65 = arith.constant 1 : i32
    %dma_wait3A_66 = arith.constant 0 : i32
    %dma_wait3A_67 = tpu.memref_slice %arg6[%dma_wait3A_65, %dma_wait3A_66] : memref<10x1000xi32, #tpu.memory_space<vmem>> -> memref<1x1000xi32, #tpu.memory_space<vmem>>
    %dma_wait3A_68 = tpu.memref_squeeze %dma_wait3A_67 : memref<1x1000xi32, #tpu.memory_space<vmem>> -> memref<1000xi32, #tpu.memory_space<vmem>>
    %dma_wait3A_69 = arith.constant 0 : i32
    %dma_wait3A_70 = arith.constant 0 : i32
    %dma_wait3A_71 = tpu.memref_slice %arg2[%arg0, %dma_wait3A_69, %dma_wait3A_70] : memref<2x10000x32xf32, #tpu.memory_space<hbm>> -> memref<1x10000x32xf32, #tpu.memory_space<hbm>>
    %dma_wait3A_72 = tpu.memref_squeeze %dma_wait3A_71 : memref<1x10000x32xf32, #tpu.memory_space<hbm>> -> memref<10000x32xf32, #tpu.memory_space<hbm>>
    %dma_wait3A_73 = arith.constant 0 : i32
    %dma_wait3A_74 = arith.constant 0 : i32
    %dma_wait3A_75 = tpu.memref_slice %dma_wait3A_72[%dma_wait3A_73, %dma_wait3A_74] : memref<10000x32xf32, #tpu.memory_space<hbm>> -> memref<10000x32xf32, #tpu.memory_space<hbm>>
    tpu.wait_indirect_dma semaphore(%arg13 : memref<!tpu.dma_semaphore, #tpu.memory_space<semaphore_mem>>) src(%dma_wait3A_75 : memref<10000x32xf32, #tpu.memory_space<hbm>>) dst(%arg9 : memref<1000x32xf32, #tpu.memory_space<vmem>>)
    %dma_start3A_76 = arith.constant 1 : i32
    %dma_start3A_77 = arith.constant 0 : i32
    %dma_start3A_78 = tpu.memref_slice %arg7[%dma_start3A_76, %dma_start3A_77] : memref<10x1000xi32, #tpu.memory_space<vmem>> -> memref<1x1000xi32, #tpu.memory_space<vmem>>
    %dma_start3A_79 = tpu.memref_squeeze %dma_start3A_78 : memref<1x1000xi32, #tpu.memory_space<vmem>> -> memref<1000xi32, #tpu.memory_space<vmem>>
    %dma_start3A_80 = arith.constant 0 : i32
    %dma_start3A_81 = arith.constant 0 : i32
    %dma_start3A_82 = tpu.memref_slice %arg11[%dma_start3A_80, %dma_start3A_81] : memref<10000x32xf32, #tpu.memory_space<vmem_shared>> -> memref<10000x32xf32, #tpu.memory_space<vmem_shared>>
    tpu.enqueue_indirect_dma source(%arg9 : memref<1000x32xf32, #tpu.memory_space<vmem>>) target(%dma_start3A_82 : memref<10000x32xf32, #tpu.memory_space<vmem_shared>>) offsets(%dma_start3A_79 : memref<1000xi32, #tpu.memory_space<vmem>>) semaphore(%arg15 : memref<!tpu.dma_semaphore, #tpu.memory_space<semaphore_mem>>) {add = true}
    %dma_wait3A_83 = arith.constant 1 : i32
    %dma_wait3A_84 = arith.constant 0 : i32
    %dma_wait3A_85 = tpu.memref_slice %arg7[%dma_wait3A_83, %dma_wait3A_84] : memref<10x1000xi32, #tpu.memory_space<vmem>> -> memref<1x1000xi32, #tpu.memory_space<vmem>>
    %dma_wait3A_86 = tpu.memref_squeeze %dma_wait3A_85 : memref<1x1000xi32, #tpu.memory_space<vmem>> -> memref<1000xi32, #tpu.memory_space<vmem>>
    %dma_wait3A_87 = arith.constant 0 : i32
    %dma_wait3A_88 = arith.constant 0 : i32
    %dma_wait3A_89 = tpu.memref_slice %arg11[%dma_wait3A_87, %dma_wait3A_88] : memref<10000x32xf32, #tpu.memory_space<vmem_shared>> -> memref<10000x32xf32, #tpu.memory_space<vmem_shared>>
    tpu.wait_indirect_dma semaphore(%arg15 : memref<!tpu.dma_semaphore, #tpu.memory_space<semaphore_mem>>) src(%arg9 : memref<1000x32xf32, #tpu.memory_space<vmem>>) dst(%dma_wait3A_89 : memref<10000x32xf32, #tpu.memory_space<vmem_shared>>)
    %dma_start3A_90 = arith.constant 3 : i32
    %dma_start3A_91 = arith.constant 0 : i32
    %dma_start3A_92 = tpu.memref_slice %arg6[%dma_start3A_90, %dma_start3A_91] : memref<10x1000xi32, #tpu.memory_space<vmem>> -> memref<1x1000xi32, #tpu.memory_space<vmem>>
    %dma_start3A_93 = tpu.memref_squeeze %dma_start3A_92 : memref<1x1000xi32, #tpu.memory_space<vmem>> -> memref<1000xi32, #tpu.memory_space<vmem>>
    %dma_start3A_94 = arith.constant 0 : i32
    %dma_start3A_95 = arith.constant 0 : i32
    %dma_start3A_96 = tpu.memref_slice %arg2[%arg0, %dma_start3A_94, %dma_start3A_95] : memref<2x10000x32xf32, #tpu.memory_space<hbm>> -> memref<1x10000x32xf32, #tpu.memory_space<hbm>>
    %dma_start3A_97 = tpu.memref_squeeze %dma_start3A_96 : memref<1x10000x32xf32, #tpu.memory_space<hbm>> -> memref<10000x32xf32, #tpu.memory_space<hbm>>
    %dma_start3A_98 = arith.constant 0 : i32
    %dma_start3A_99 = arith.constant 0 : i32
    %dma_start3A_100 = tpu.memref_slice %dma_start3A_97[%dma_start3A_98, %dma_start3A_99] : memref<10000x32xf32, #tpu.memory_space<hbm>> -> memref<10000x32xf32, #tpu.memory_space<hbm>>
    tpu.enqueue_indirect_dma source(%dma_start3A_100 : memref<10000x32xf32, #tpu.memory_space<hbm>>) target(%arg9 : memref<1000x32xf32, #tpu.memory_space<vmem>>) offsets(%dma_start3A_93 : memref<1000xi32, #tpu.memory_space<vmem>>) semaphore(%arg13 : memref<!tpu.dma_semaphore, #tpu.memory_space<semaphore_mem>>)
    %dma_wait3A_101 = arith.constant 2 : i32
    %dma_wait3A_102 = arith.constant 0 : i32
    %dma_wait3A_103 = tpu.memref_slice %arg6[%dma_wait3A_101, %dma_wait3A_102] : memref<10x1000xi32, #tpu.memory_space<vmem>> -> memref<1x1000xi32, #tpu.memory_space<vmem>>
    %dma_wait3A_104 = tpu.memref_squeeze %dma_wait3A_103 : memref<1x1000xi32, #tpu.memory_space<vmem>> -> memref<1000xi32, #tpu.memory_space<vmem>>
    %dma_wait3A_105 = arith.constant 0 : i32
    %dma_wait3A_106 = arith.constant 0 : i32
    %dma_wait3A_107 = tpu.memref_slice %arg2[%arg0, %dma_wait3A_105, %dma_wait3A_106] : memref<2x10000x32xf32, #tpu.memory_space<hbm>> -> memref<1x10000x32xf32, #tpu.memory_space<hbm>>
    %dma_wait3A_108 = tpu.memref_squeeze %dma_wait3A_107 : memref<1x10000x32xf32, #tpu.memory_space<hbm>> -> memref<10000x32xf32, #tpu.memory_space<hbm>>
    %dma_wait3A_109 = arith.constant 0 : i32
    %dma_wait3A_110 = arith.constant 0 : i32
    %dma_wait3A_111 = tpu.memref_slice %dma_wait3A_108[%dma_wait3A_109, %dma_wait3A_110] : memref<10000x32xf32, #tpu.memory_space<hbm>> -> memref<10000x32xf32, #tpu.memory_space<hbm>>
    tpu.wait_indirect_dma semaphore(%arg12 : memref<!tpu.dma_semaphore, #tpu.memory_space<semaphore_mem>>) src(%dma_wait3A_111 : memref<10000x32xf32, #tpu.memory_space<hbm>>) dst(%arg8 : memref<1000x32xf32, #tpu.memory_space<vmem>>)
    %dma_start3A_112 = arith.constant 2 : i32
    %dma_start3A_113 = arith.constant 0 : i32
    %dma_start3A_114 = tpu.memref_slice %arg7[%dma_start3A_112, %dma_start3A_113] : memref<10x1000xi32, #tpu.memory_space<vmem>> -> memref<1x1000xi32, #tpu.memory_space<vmem>>
    %dma_start3A_115 = tpu.memref_squeeze %dma_start3A_114 : memref<1x1000xi32, #tpu.memory_space<vmem>> -> memref<1000xi32, #tpu.memory_space<vmem>>
    %dma_start3A_116 = arith.constant 0 : i32
    %dma_start3A_117 = arith.constant 0 : i32
    %dma_start3A_118 = tpu.memref_slice %arg11[%dma_start3A_116, %dma_start3A_117] : memref<10000x32xf32, #tpu.memory_space<vmem_shared>> -> memref<10000x32xf32, #tpu.memory_space<vmem_shared>>
    tpu.enqueue_indirect_dma source(%arg8 : memref<1000x32xf32, #tpu.memory_space<vmem>>) target(%dma_start3A_118 : memref<10000x32xf32, #tpu.memory_space<vmem_shared>>) offsets(%dma_start3A_115 : memref<1000xi32, #tpu.memory_space<vmem>>) semaphore(%arg14 : memref<!tpu.dma_semaphore, #tpu.memory_space<semaphore_mem>>) {add = true}
    %dma_wait3A_119 = arith.constant 2 : i32
    %dma_wait3A_120 = arith.constant 0 : i32
    %dma_wait3A_121 = tpu.memref_slice %arg7[%dma_wait3A_119, %dma_wait3A_120] : memref<10x1000xi32, #tpu.memory_space<vmem>> -> memref<1x1000xi32, #tpu.memory_space<vmem>>
    %dma_wait3A_122 = tpu.memref_squeeze %dma_wait3A_121 : memref<1x1000xi32, #tpu.memory_space<vmem>> -> memref<1000xi32, #tpu.memory_space<vmem>>
    %dma_wait3A_123 = arith.constant 0 : i32
    %dma_wait3A_124 = arith.constant 0 : i32
    %dma_wait3A_125 = tpu.memref_slice %arg11[%dma_wait3A_123, %dma_wait3A_124] : memref<10000x32xf32, #tpu.memory_space<vmem_shared>> -> memref<10000x32xf32, #tpu.memory_space<vmem_shared>>
    tpu.wait_indirect_dma semaphore(%arg14 : memref<!tpu.dma_semaphore, #tpu.memory_space<semaphore_mem>>) src(%arg8 : memref<1000x32xf32, #tpu.memory_space<vmem>>) dst(%dma_wait3A_125 : memref<10000x32xf32, #tpu.memory_space<vmem_shared>>)
    %dma_start3A_126 = arith.constant 4 : i32
    %dma_start3A_127 = arith.constant 0 : i32
    %dma_start3A_128 = tpu.memref_slice %arg6[%dma_start3A_126, %dma_start3A_127] : memref<10x1000xi32, #tpu.memory_space<vmem>> -> memref<1x1000xi32, #tpu.memory_space<vmem>>
    %dma_start3A_129 = tpu.memref_squeeze %dma_start3A_128 : memref<1x1000xi32, #tpu.memory_space<vmem>> -> memref<1000xi32, #tpu.memory_space<vmem>>
    %dma_start3A_130 = arith.constant 0 : i32
    %dma_start3A_131 = arith.constant 0 : i32
    %dma_start3A_132 = tpu.memref_slice %arg2[%arg0, %dma_start3A_130, %dma_start3A_131] : memref<2x10000x32xf32, #tpu.memory_space<hbm>> -> memref<1x10000x32xf32, #tpu.memory_space<hbm>>
    %dma_start3A_133 = tpu.memref_squeeze %dma_start3A_132 : memref<1x10000x32xf32, #tpu.memory_space<hbm>> -> memref<10000x32xf32, #tpu.memory_space<hbm>>
    %dma_start3A_134 = arith.constant 0 : i32
    %dma_start3A_135 = arith.constant 0 : i32
    %dma_start3A_136 = tpu.memref_slice %dma_start3A_133[%dma_start3A_134, %dma_start3A_135] : memref<10000x32xf32, #tpu.memory_space<hbm>> -> memref<10000x32xf32, #tpu.memory_space<hbm>>
    tpu.enqueue_indirect_dma source(%dma_start3A_136 : memref<10000x32xf32, #tpu.memory_space<hbm>>) target(%arg8 : memref<1000x32xf32, #tpu.memory_space<vmem>>) offsets(%dma_start3A_129 : memref<1000xi32, #tpu.memory_space<vmem>>) semaphore(%arg12 : memref<!tpu.dma_semaphore, #tpu.memory_space<semaphore_mem>>)
    %dma_wait3A_137 = arith.constant 3 : i32
    %dma_wait3A_138 = arith.constant 0 : i32
    %dma_wait3A_139 = tpu.memref_slice %arg6[%dma_wait3A_137, %dma_wait3A_138] : memref<10x1000xi32, #tpu.memory_space<vmem>> -> memref<1x1000xi32, #tpu.memory_space<vmem>>
    %dma_wait3A_140 = tpu.memref_squeeze %dma_wait3A_139 : memref<1x1000xi32, #tpu.memory_space<vmem>> -> memref<1000xi32, #tpu.memory_space<vmem>>
    %dma_wait3A_141 = arith.constant 0 : i32
    %dma_wait3A_142 = arith.constant 0 : i32
    %dma_wait3A_143 = tpu.memref_slice %arg2[%arg0, %dma_wait3A_141, %dma_wait3A_142] : memref<2x10000x32xf32, #tpu.memory_space<hbm>> -> memref<1x10000x32xf32, #tpu.memory_space<hbm>>
    %dma_wait3A_144 = tpu.memref_squeeze %dma_wait3A_143 : memref<1x10000x32xf32, #tpu.memory_space<hbm>> -> memref<10000x32xf32, #tpu.memory_space<hbm>>
    %dma_wait3A_145 = arith.constant 0 : i32
    %dma_wait3A_146 = arith.constant 0 : i32
    %dma_wait3A_147 = tpu.memref_slice %dma_wait3A_144[%dma_wait3A_145, %dma_wait3A_146] : memref<10000x32xf32, #tpu.memory_space<hbm>> -> memref<10000x32xf32, #tpu.memory_space<hbm>>
    tpu.wait_indirect_dma semaphore(%arg13 : memref<!tpu.dma_semaphore, #tpu.memory_space<semaphore_mem>>) src(%dma_wait3A_147 : memref<10000x32xf32, #tpu.memory_space<hbm>>) dst(%arg9 : memref<1000x32xf32, #tpu.memory_space<vmem>>)
    %dma_start3A_148 = arith.constant 3 : i32
    %dma_start3A_149 = arith.constant 0 : i32
    %dma_start3A_150 = tpu.memref_slice %arg7[%dma_start3A_148, %dma_start3A_149] : memref<10x1000xi32, #tpu.memory_space<vmem>> -> memref<1x1000xi32, #tpu.memory_space<vmem>>
    %dma_start3A_151 = tpu.memref_squeeze %dma_start3A_150 : memref<1x1000xi32, #tpu.memory_space<vmem>> -> memref<1000xi32, #tpu.memory_space<vmem>>
    %dma_start3A_152 = arith.constant 0 : i32
    %dma_start3A_153 = arith.constant 0 : i32
    %dma_start3A_154 = tpu.memref_slice %arg11[%dma_start3A_152, %dma_start3A_153] : memref<10000x32xf32, #tpu.memory_space<vmem_shared>> -> memref<10000x32xf32, #tpu.memory_space<vmem_shared>>
    tpu.enqueue_indirect_dma source(%arg9 : memref<1000x32xf32, #tpu.memory_space<vmem>>) target(%dma_start3A_154 : memref<10000x32xf32, #tpu.memory_space<vmem_shared>>) offsets(%dma_start3A_151 : memref<1000xi32, #tpu.memory_space<vmem>>) semaphore(%arg15 : memref<!tpu.dma_semaphore, #tpu.memory_space<semaphore_mem>>) {add = true}
    %dma_wait3A_155 = arith.constant 3 : i32
    %dma_wait3A_156 = arith.constant 0 : i32
    %dma_wait3A_157 = tpu.memref_slice %arg7[%dma_wait3A_155, %dma_wait3A_156] : memref<10x1000xi32, #tpu.memory_space<vmem>> -> memref<1x1000xi32, #tpu.memory_space<vmem>>
    %dma_wait3A_158 = tpu.memref_squeeze %dma_wait3A_157 : memref<1x1000xi32, #tpu.memory_space<vmem>> -> memref<1000xi32, #tpu.memory_space<vmem>>
    %dma_wait3A_159 = arith.constant 0 : i32
    %dma_wait3A_160 = arith.constant 0 : i32
    %dma_wait3A_161 = tpu.memref_slice %arg11[%dma_wait3A_159, %dma_wait3A_160] : memref<10000x32xf32, #tpu.memory_space<vmem_shared>> -> memref<10000x32xf32, #tpu.memory_space<vmem_shared>>
    tpu.wait_indirect_dma semaphore(%arg15 : memref<!tpu.dma_semaphore, #tpu.memory_space<semaphore_mem>>) src(%arg9 : memref<1000x32xf32, #tpu.memory_space<vmem>>) dst(%dma_wait3A_161 : memref<10000x32xf32, #tpu.memory_space<vmem_shared>>)
    %dma_start3A_162 = arith.constant 5 : i32
    %dma_start3A_163 = arith.constant 0 : i32
    %dma_start3A_164 = tpu.memref_slice %arg6[%dma_start3A_162, %dma_start3A_163] : memref<10x1000xi32, #tpu.memory_space<vmem>> -> memref<1x1000xi32, #tpu.memory_space<vmem>>
    %dma_start3A_165 = tpu.memref_squeeze %dma_start3A_164 : memref<1x1000xi32, #tpu.memory_space<vmem>> -> memref<1000xi32, #tpu.memory_space<vmem>>
    %dma_start3A_166 = arith.constant 0 : i32
    %dma_start3A_167 = arith.constant 0 : i32
    %dma_start3A_168 = tpu.memref_slice %arg2[%arg0, %dma_start3A_166, %dma_start3A_167] : memref<2x10000x32xf32, #tpu.memory_space<hbm>> -> memref<1x10000x32xf32, #tpu.memory_space<hbm>>
    %dma_start3A_169 = tpu.memref_squeeze %dma_start3A_168 : memref<1x10000x32xf32, #tpu.memory_space<hbm>> -> memref<10000x32xf32, #tpu.memory_space<hbm>>
    %dma_start3A_170 = arith.constant 0 : i32
    %dma_start3A_171 = arith.constant 0 : i32
    %dma_start3A_172 = tpu.memref_slice %dma_start3A_169[%dma_start3A_170, %dma_start3A_171] : memref<10000x32xf32, #tpu.memory_space<hbm>> -> memref<10000x32xf32, #tpu.memory_space<hbm>>
    tpu.enqueue_indirect_dma source(%dma_start3A_172 : memref<10000x32xf32, #tpu.memory_space<hbm>>) target(%arg9 : memref<1000x32xf32, #tpu.memory_space<vmem>>) offsets(%dma_start3A_165 : memref<1000xi32, #tpu.memory_space<vmem>>) semaphore(%arg13 : memref<!tpu.dma_semaphore, #tpu.memory_space<semaphore_mem>>)
    %dma_wait3A_173 = arith.constant 4 : i32
    %dma_wait3A_174 = arith.constant 0 : i32
    %dma_wait3A_175 = tpu.memref_slice %arg6[%dma_wait3A_173, %dma_wait3A_174] : memref<10x1000xi32, #tpu.memory_space<vmem>> -> memref<1x1000xi32, #tpu.memory_space<vmem>>
    %dma_wait3A_176 = tpu.memref_squeeze %dma_wait3A_175 : memref<1x1000xi32, #tpu.memory_space<vmem>> -> memref<1000xi32, #tpu.memory_space<vmem>>
    %dma_wait3A_177 = arith.constant 0 : i32
    %dma_wait3A_178 = arith.constant 0 : i32
    %dma_wait3A_179 = tpu.memref_slice %arg2[%arg0, %dma_wait3A_177, %dma_wait3A_178] : memref<2x10000x32xf32, #tpu.memory_space<hbm>> -> memref<1x10000x32xf32, #tpu.memory_space<hbm>>
    %dma_wait3A_180 = tpu.memref_squeeze %dma_wait3A_179 : memref<1x10000x32xf32, #tpu.memory_space<hbm>> -> memref<10000x32xf32, #tpu.memory_space<hbm>>
    %dma_wait3A_181 = arith.constant 0 : i32
    %dma_wait3A_182 = arith.constant 0 : i32
    %dma_wait3A_183 = tpu.memref_slice %dma_wait3A_180[%dma_wait3A_181, %dma_wait3A_182] : memref<10000x32xf32, #tpu.memory_space<hbm>> -> memref<10000x32xf32, #tpu.memory_space<hbm>>
    tpu.wait_indirect_dma semaphore(%arg12 : memref<!tpu.dma_semaphore, #tpu.memory_space<semaphore_mem>>) src(%dma_wait3A_183 : memref<10000x32xf32, #tpu.memory_space<hbm>>) dst(%arg8 : memref<1000x32xf32, #tpu.memory_space<vmem>>)
    %dma_start3A_184 = arith.constant 4 : i32
    %dma_start3A_185 = arith.constant 0 : i32
    %dma_start3A_186 = tpu.memref_slice %arg7[%dma_start3A_184, %dma_start3A_185] : memref<10x1000xi32, #tpu.memory_space<vmem>> -> memref<1x1000xi32, #tpu.memory_space<vmem>>
    %dma_start3A_187 = tpu.memref_squeeze %dma_start3A_186 : memref<1x1000xi32, #tpu.memory_space<vmem>> -> memref<1000xi32, #tpu.memory_space<vmem>>
    %dma_start3A_188 = arith.constant 0 : i32
    %dma_start3A_189 = arith.constant 0 : i32
    %dma_start3A_190 = tpu.memref_slice %arg11[%dma_start3A_188, %dma_start3A_189] : memref<10000x32xf32, #tpu.memory_space<vmem_shared>> -> memref<10000x32xf32, #tpu.memory_space<vmem_shared>>
    tpu.enqueue_indirect_dma source(%arg8 : memref<1000x32xf32, #tpu.memory_space<vmem>>) target(%dma_start3A_190 : memref<10000x32xf32, #tpu.memory_space<vmem_shared>>) offsets(%dma_start3A_187 : memref<1000xi32, #tpu.memory_space<vmem>>) semaphore(%arg14 : memref<!tpu.dma_semaphore, #tpu.memory_space<semaphore_mem>>) {add = true}
    %dma_wait3A_191 = arith.constant 4 : i32
    %dma_wait3A_192 = arith.constant 0 : i32
    %dma_wait3A_193 = tpu.memref_slice %arg7[%dma_wait3A_191, %dma_wait3A_192] : memref<10x1000xi32, #tpu.memory_space<vmem>> -> memref<1x1000xi32, #tpu.memory_space<vmem>>
    %dma_wait3A_194 = tpu.memref_squeeze %dma_wait3A_193 : memref<1x1000xi32, #tpu.memory_space<vmem>> -> memref<1000xi32, #tpu.memory_space<vmem>>
    %dma_wait3A_195 = arith.constant 0 : i32
    %dma_wait3A_196 = arith.constant 0 : i32
    %dma_wait3A_197 = tpu.memref_slice %arg11[%dma_wait3A_195, %dma_wait3A_196] : memref<10000x32xf32, #tpu.memory_space<vmem_shared>> -> memref<10000x32xf32, #tpu.memory_space<vmem_shared>>
    tpu.wait_indirect_dma semaphore(%arg14 : memref<!tpu.dma_semaphore, #tpu.memory_space<semaphore_mem>>) src(%arg8 : memref<1000x32xf32, #tpu.memory_space<vmem>>) dst(%dma_wait3A_197 : memref<10000x32xf32, #tpu.memory_space<vmem_shared>>)
    %dma_start3A_198 = arith.constant 6 : i32
    %dma_start3A_199 = arith.constant 0 : i32
    %dma_start3A_200 = tpu.memref_slice %arg6[%dma_start3A_198, %dma_start3A_199] : memref<10x1000xi32, #tpu.memory_space<vmem>> -> memref<1x1000xi32, #tpu.memory_space<vmem>>
    %dma_start3A_201 = tpu.memref_squeeze %dma_start3A_200 : memref<1x1000xi32, #tpu.memory_space<vmem>> -> memref<1000xi32, #tpu.memory_space<vmem>>
    %dma_start3A_202 = arith.constant 0 : i32
    %dma_start3A_203 = arith.constant 0 : i32
    %dma_start3A_204 = tpu.memref_slice %arg2[%arg0, %dma_start3A_202, %dma_start3A_203] : memref<2x10000x32xf32, #tpu.memory_space<hbm>> -> memref<1x10000x32xf32, #tpu.memory_space<hbm>>
    %dma_start3A_205 = tpu.memref_squeeze %dma_start3A_204 : memref<1x10000x32xf32, #tpu.memory_space<hbm>> -> memref<10000x32xf32, #tpu.memory_space<hbm>>
    %dma_start3A_206 = arith.constant 0 : i32
    %dma_start3A_207 = arith.constant 0 : i32
    %dma_start3A_208 = tpu.memref_slice %dma_start3A_205[%dma_start3A_206, %dma_start3A_207] : memref<10000x32xf32, #tpu.memory_space<hbm>> -> memref<10000x32xf32, #tpu.memory_space<hbm>>
    tpu.enqueue_indirect_dma source(%dma_start3A_208 : memref<10000x32xf32, #tpu.memory_space<hbm>>) target(%arg8 : memref<1000x32xf32, #tpu.memory_space<vmem>>) offsets(%dma_start3A_201 : memref<1000xi32, #tpu.memory_space<vmem>>) semaphore(%arg12 : memref<!tpu.dma_semaphore, #tpu.memory_space<semaphore_mem>>)
    %dma_wait3A_209 = arith.constant 5 : i32
    %dma_wait3A_210 = arith.constant 0 : i32
    %dma_wait3A_211 = tpu.memref_slice %arg6[%dma_wait3A_209, %dma_wait3A_210] : memref<10x1000xi32, #tpu.memory_space<vmem>> -> memref<1x1000xi32, #tpu.memory_space<vmem>>
    %dma_wait3A_212 = tpu.memref_squeeze %dma_wait3A_211 : memref<1x1000xi32, #tpu.memory_space<vmem>> -> memref<1000xi32, #tpu.memory_space<vmem>>
    %dma_wait3A_213 = arith.constant 0 : i32
    %dma_wait3A_214 = arith.constant 0 : i32
    %dma_wait3A_215 = tpu.memref_slice %arg2[%arg0, %dma_wait3A_213, %dma_wait3A_214] : memref<2x10000x32xf32, #tpu.memory_space<hbm>> -> memref<1x10000x32xf32, #tpu.memory_space<hbm>>
    %dma_wait3A_216 = tpu.memref_squeeze %dma_wait3A_215 : memref<1x10000x32xf32, #tpu.memory_space<hbm>> -> memref<10000x32xf32, #tpu.memory_space<hbm>>
    %dma_wait3A_217 = arith.constant 0 : i32
    %dma_wait3A_218 = arith.constant 0 : i32
    %dma_wait3A_219 = tpu.memref_slice %dma_wait3A_216[%dma_wait3A_217, %dma_wait3A_218] : memref<10000x32xf32, #tpu.memory_space<hbm>> -> memref<10000x32xf32, #tpu.memory_space<hbm>>
    tpu.wait_indirect_dma semaphore(%arg13 : memref<!tpu.dma_semaphore, #tpu.memory_space<semaphore_mem>>) src(%dma_wait3A_219 : memref<10000x32xf32, #tpu.memory_space<hbm>>) dst(%arg9 : memref<1000x32xf32, #tpu.memory_space<vmem>>)
    %dma_start3A_220 = arith.constant 5 : i32
    %dma_start3A_221 = arith.constant 0 : i32
    %dma_start3A_222 = tpu.memref_slice %arg7[%dma_start3A_220, %dma_start3A_221] : memref<10x1000xi32, #tpu.memory_space<vmem>> -> memref<1x1000xi32, #tpu.memory_space<vmem>>
    %dma_start3A_223 = tpu.memref_squeeze %dma_start3A_222 : memref<1x1000xi32, #tpu.memory_space<vmem>> -> memref<1000xi32, #tpu.memory_space<vmem>>
    %dma_start3A_224 = arith.constant 0 : i32
    %dma_start3A_225 = arith.constant 0 : i32
    %dma_start3A_226 = tpu.memref_slice %arg11[%dma_start3A_224, %dma_start3A_225] : memref<10000x32xf32, #tpu.memory_space<vmem_shared>> -> memref<10000x32xf32, #tpu.memory_space<vmem_shared>>
    tpu.enqueue_indirect_dma source(%arg9 : memref<1000x32xf32, #tpu.memory_space<vmem>>) target(%dma_start3A_226 : memref<10000x32xf32, #tpu.memory_space<vmem_shared>>) offsets(%dma_start3A_223 : memref<1000xi32, #tpu.memory_space<vmem>>) semaphore(%arg15 : memref<!tpu.dma_semaphore, #tpu.memory_space<semaphore_mem>>) {add = true}
    %dma_wait3A_227 = arith.constant 5 : i32
    %dma_wait3A_228 = arith.constant 0 : i32
    %dma_wait3A_229 = tpu.memref_slice %arg7[%dma_wait3A_227, %dma_wait3A_228] : memref<10x1000xi32, #tpu.memory_space<vmem>> -> memref<1x1000xi32, #tpu.memory_space<vmem>>
    %dma_wait3A_230 = tpu.memref_squeeze %dma_wait3A_229 : memref<1x1000xi32, #tpu.memory_space<vmem>> -> memref<1000xi32, #tpu.memory_space<vmem>>
    %dma_wait3A_231 = arith.constant 0 : i32
    %dma_wait3A_232 = arith.constant 0 : i32
    %dma_wait3A_233 = tpu.memref_slice %arg11[%dma_wait3A_231, %dma_wait3A_232] : memref<10000x32xf32, #tpu.memory_space<vmem_shared>> -> memref<10000x32xf32, #tpu.memory_space<vmem_shared>>
    tpu.wait_indirect_dma semaphore(%arg15 : memref<!tpu.dma_semaphore, #tpu.memory_space<semaphore_mem>>) src(%arg9 : memref<1000x32xf32, #tpu.memory_space<vmem>>) dst(%dma_wait3A_233 : memref<10000x32xf32, #tpu.memory_space<vmem_shared>>)
    %dma_start3A_234 = arith.constant 7 : i32
    %dma_start3A_235 = arith.constant 0 : i32
    %dma_start3A_236 = tpu.memref_slice %arg6[%dma_start3A_234, %dma_start3A_235] : memref<10x1000xi32, #tpu.memory_space<vmem>> -> memref<1x1000xi32, #tpu.memory_space<vmem>>
    %dma_start3A_237 = tpu.memref_squeeze %dma_start3A_236 : memref<1x1000xi32, #tpu.memory_space<vmem>> -> memref<1000xi32, #tpu.memory_space<vmem>>
    %dma_start3A_238 = arith.constant 0 : i32
    %dma_start3A_239 = arith.constant 0 : i32
    %dma_start3A_240 = tpu.memref_slice %arg2[%arg0, %dma_start3A_238, %dma_start3A_239] : memref<2x10000x32xf32, #tpu.memory_space<hbm>> -> memref<1x10000x32xf32, #tpu.memory_space<hbm>>
    %dma_start3A_241 = tpu.memref_squeeze %dma_start3A_240 : memref<1x10000x32xf32, #tpu.memory_space<hbm>> -> memref<10000x32xf32, #tpu.memory_space<hbm>>
    %dma_start3A_242 = arith.constant 0 : i32
    %dma_start3A_243 = arith.constant 0 : i32
    %dma_start3A_244 = tpu.memref_slice %dma_start3A_241[%dma_start3A_242, %dma_start3A_243] : memref<10000x32xf32, #tpu.memory_space<hbm>> -> memref<10000x32xf32, #tpu.memory_space<hbm>>
    tpu.enqueue_indirect_dma source(%dma_start3A_244 : memref<10000x32xf32, #tpu.memory_space<hbm>>) target(%arg9 : memref<1000x32xf32, #tpu.memory_space<vmem>>) offsets(%dma_start3A_237 : memref<1000xi32, #tpu.memory_space<vmem>>) semaphore(%arg13 : memref<!tpu.dma_semaphore, #tpu.memory_space<semaphore_mem>>)
    %dma_wait3A_245 = arith.constant 6 : i32
    %dma_wait3A_246 = arith.constant 0 : i32
    %dma_wait3A_247 = tpu.memref_slice %arg6[%dma_wait3A_245, %dma_wait3A_246] : memref<10x1000xi32, #tpu.memory_space<vmem>> -> memref<1x1000xi32, #tpu.memory_space<vmem>>
    %dma_wait3A_248 = tpu.memref_squeeze %dma_wait3A_247 : memref<1x1000xi32, #tpu.memory_space<vmem>> -> memref<1000xi32, #tpu.memory_space<vmem>>
    %dma_wait3A_249 = arith.constant 0 : i32
    %dma_wait3A_250 = arith.constant 0 : i32
    %dma_wait3A_251 = tpu.memref_slice %arg2[%arg0, %dma_wait3A_249, %dma_wait3A_250] : memref<2x10000x32xf32, #tpu.memory_space<hbm>> -> memref<1x10000x32xf32, #tpu.memory_space<hbm>>
    %dma_wait3A_252 = tpu.memref_squeeze %dma_wait3A_251 : memref<1x10000x32xf32, #tpu.memory_space<hbm>> -> memref<10000x32xf32, #tpu.memory_space<hbm>>
    %dma_wait3A_253 = arith.constant 0 : i32
    %dma_wait3A_254 = arith.constant 0 : i32
    %dma_wait3A_255 = tpu.memref_slice %dma_wait3A_252[%dma_wait3A_253, %dma_wait3A_254] : memref<10000x32xf32, #tpu.memory_space<hbm>> -> memref<10000x32xf32, #tpu.memory_space<hbm>>
    tpu.wait_indirect_dma semaphore(%arg12 : memref<!tpu.dma_semaphore, #tpu.memory_space<semaphore_mem>>) src(%dma_wait3A_255 : memref<10000x32xf32, #tpu.memory_space<hbm>>) dst(%arg8 : memref<1000x32xf32, #tpu.memory_space<vmem>>)
    %dma_start3A_256 = arith.constant 6 : i32
    %dma_start3A_257 = arith.constant 0 : i32
    %dma_start3A_258 = tpu.memref_slice %arg7[%dma_start3A_256, %dma_start3A_257] : memref<10x1000xi32, #tpu.memory_space<vmem>> -> memref<1x1000xi32, #tpu.memory_space<vmem>>
    %dma_start3A_259 = tpu.memref_squeeze %dma_start3A_258 : memref<1x1000xi32, #tpu.memory_space<vmem>> -> memref<1000xi32, #tpu.memory_space<vmem>>
    %dma_start3A_260 = arith.constant 0 : i32
    %dma_start3A_261 = arith.constant 0 : i32
    %dma_start3A_262 = tpu.memref_slice %arg11[%dma_start3A_260, %dma_start3A_261] : memref<10000x32xf32, #tpu.memory_space<vmem_shared>> -> memref<10000x32xf32, #tpu.memory_space<vmem_shared>>
    tpu.enqueue_indirect_dma source(%arg8 : memref<1000x32xf32, #tpu.memory_space<vmem>>) target(%dma_start3A_262 : memref<10000x32xf32, #tpu.memory_space<vmem_shared>>) offsets(%dma_start3A_259 : memref<1000xi32, #tpu.memory_space<vmem>>) semaphore(%arg14 : memref<!tpu.dma_semaphore, #tpu.memory_space<semaphore_mem>>) {add = true}
    %dma_wait3A_263 = arith.constant 6 : i32
    %dma_wait3A_264 = arith.constant 0 : i32
    %dma_wait3A_265 = tpu.memref_slice %arg7[%dma_wait3A_263, %dma_wait3A_264] : memref<10x1000xi32, #tpu.memory_space<vmem>> -> memref<1x1000xi32, #tpu.memory_space<vmem>>
    %dma_wait3A_266 = tpu.memref_squeeze %dma_wait3A_265 : memref<1x1000xi32, #tpu.memory_space<vmem>> -> memref<1000xi32, #tpu.memory_space<vmem>>
    %dma_wait3A_267 = arith.constant 0 : i32
    %dma_wait3A_268 = arith.constant 0 : i32
    %dma_wait3A_269 = tpu.memref_slice %arg11[%dma_wait3A_267, %dma_wait3A_268] : memref<10000x32xf32, #tpu.memory_space<vmem_shared>> -> memref<10000x32xf32, #tpu.memory_space<vmem_shared>>
    tpu.wait_indirect_dma semaphore(%arg14 : memref<!tpu.dma_semaphore, #tpu.memory_space<semaphore_mem>>) src(%arg8 : memref<1000x32xf32, #tpu.memory_space<vmem>>) dst(%dma_wait3A_269 : memref<10000x32xf32, #tpu.memory_space<vmem_shared>>)
    %dma_start3A_270 = arith.constant 8 : i32
    %dma_start3A_271 = arith.constant 0 : i32
    %dma_start3A_272 = tpu.memref_slice %arg6[%dma_start3A_270, %dma_start3A_271] : memref<10x1000xi32, #tpu.memory_space<vmem>> -> memref<1x1000xi32, #tpu.memory_space<vmem>>
    %dma_start3A_273 = tpu.memref_squeeze %dma_start3A_272 : memref<1x1000xi32, #tpu.memory_space<vmem>> -> memref<1000xi32, #tpu.memory_space<vmem>>
    %dma_start3A_274 = arith.constant 0 : i32
    %dma_start3A_275 = arith.constant 0 : i32
    %dma_start3A_276 = tpu.memref_slice %arg2[%arg0, %dma_start3A_274, %dma_start3A_275] : memref<2x10000x32xf32, #tpu.memory_space<hbm>> -> memref<1x10000x32xf32, #tpu.memory_space<hbm>>
    %dma_start3A_277 = tpu.memref_squeeze %dma_start3A_276 : memref<1x10000x32xf32, #tpu.memory_space<hbm>> -> memref<10000x32xf32, #tpu.memory_space<hbm>>
    %dma_start3A_278 = arith.constant 0 : i32
    %dma_start3A_279 = arith.constant 0 : i32
    %dma_start3A_280 = tpu.memref_slice %dma_start3A_277[%dma_start3A_278, %dma_start3A_279] : memref<10000x32xf32, #tpu.memory_space<hbm>> -> memref<10000x32xf32, #tpu.memory_space<hbm>>
    tpu.enqueue_indirect_dma source(%dma_start3A_280 : memref<10000x32xf32, #tpu.memory_space<hbm>>) target(%arg8 : memref<1000x32xf32, #tpu.memory_space<vmem>>) offsets(%dma_start3A_273 : memref<1000xi32, #tpu.memory_space<vmem>>) semaphore(%arg12 : memref<!tpu.dma_semaphore, #tpu.memory_space<semaphore_mem>>)
    %dma_wait3A_281 = arith.constant 7 : i32
    %dma_wait3A_282 = arith.constant 0 : i32
    %dma_wait3A_283 = tpu.memref_slice %arg6[%dma_wait3A_281, %dma_wait3A_282] : memref<10x1000xi32, #tpu.memory_space<vmem>> -> memref<1x1000xi32, #tpu.memory_space<vmem>>
    %dma_wait3A_284 = tpu.memref_squeeze %dma_wait3A_283 : memref<1x1000xi32, #tpu.memory_space<vmem>> -> memref<1000xi32, #tpu.memory_space<vmem>>
    %dma_wait3A_285 = arith.constant 0 : i32
    %dma_wait3A_286 = arith.constant 0 : i32
    %dma_wait3A_287 = tpu.memref_slice %arg2[%arg0, %dma_wait3A_285, %dma_wait3A_286] : memref<2x10000x32xf32, #tpu.memory_space<hbm>> -> memref<1x10000x32xf32, #tpu.memory_space<hbm>>
    %dma_wait3A_288 = tpu.memref_squeeze %dma_wait3A_287 : memref<1x10000x32xf32, #tpu.memory_space<hbm>> -> memref<10000x32xf32, #tpu.memory_space<hbm>>
    %dma_wait3A_289 = arith.constant 0 : i32
    %dma_wait3A_290 = arith.constant 0 : i32
    %dma_wait3A_291 = tpu.memref_slice %dma_wait3A_288[%dma_wait3A_289, %dma_wait3A_290] : memref<10000x32xf32, #tpu.memory_space<hbm>> -> memref<10000x32xf32, #tpu.memory_space<hbm>>
    tpu.wait_indirect_dma semaphore(%arg13 : memref<!tpu.dma_semaphore, #tpu.memory_space<semaphore_mem>>) src(%dma_wait3A_291 : memref<10000x32xf32, #tpu.memory_space<hbm>>) dst(%arg9 : memref<1000x32xf32, #tpu.memory_space<vmem>>)
    %dma_start3A_292 = arith.constant 7 : i32
    %dma_start3A_293 = arith.constant 0 : i32
    %dma_start3A_294 = tpu.memref_slice %arg7[%dma_start3A_292, %dma_start3A_293] : memref<10x1000xi32, #tpu.memory_space<vmem>> -> memref<1x1000xi32, #tpu.memory_space<vmem>>
    %dma_start3A_295 = tpu.memref_squeeze %dma_start3A_294 : memref<1x1000xi32, #tpu.memory_space<vmem>> -> memref<1000xi32, #tpu.memory_space<vmem>>
    %dma_start3A_296 = arith.constant 0 : i32
    %dma_start3A_297 = arith.constant 0 : i32
    %dma_start3A_298 = tpu.memref_slice %arg11[%dma_start3A_296, %dma_start3A_297] : memref<10000x32xf32, #tpu.memory_space<vmem_shared>> -> memref<10000x32xf32, #tpu.memory_space<vmem_shared>>
    tpu.enqueue_indirect_dma source(%arg9 : memref<1000x32xf32, #tpu.memory_space<vmem>>) target(%dma_start3A_298 : memref<10000x32xf32, #tpu.memory_space<vmem_shared>>) offsets(%dma_start3A_295 : memref<1000xi32, #tpu.memory_space<vmem>>) semaphore(%arg15 : memref<!tpu.dma_semaphore, #tpu.memory_space<semaphore_mem>>) {add = true}
    %dma_wait3A_299 = arith.constant 7 : i32
    %dma_wait3A_300 = arith.constant 0 : i32
    %dma_wait3A_301 = tpu.memref_slice %arg7[%dma_wait3A_299, %dma_wait3A_300] : memref<10x1000xi32, #tpu.memory_space<vmem>> -> memref<1x1000xi32, #tpu.memory_space<vmem>>
    %dma_wait3A_302 = tpu.memref_squeeze %dma_wait3A_301 : memref<1x1000xi32, #tpu.memory_space<vmem>> -> memref<1000xi32, #tpu.memory_space<vmem>>
    %dma_wait3A_303 = arith.constant 0 : i32
    %dma_wait3A_304 = arith.constant 0 : i32
    %dma_wait3A_305 = tpu.memref_slice %arg11[%dma_wait3A_303, %dma_wait3A_304] : memref<10000x32xf32, #tpu.memory_space<vmem_shared>> -> memref<10000x32xf32, #tpu.memory_space<vmem_shared>>
    tpu.wait_indirect_dma semaphore(%arg15 : memref<!tpu.dma_semaphore, #tpu.memory_space<semaphore_mem>>) src(%arg9 : memref<1000x32xf32, #tpu.memory_space<vmem>>) dst(%dma_wait3A_305 : memref<10000x32xf32, #tpu.memory_space<vmem_shared>>)
    %dma_start3A_306 = arith.constant 9 : i32
    %dma_start3A_307 = arith.constant 0 : i32
    %dma_start3A_308 = tpu.memref_slice %arg6[%dma_start3A_306, %dma_start3A_307] : memref<10x1000xi32, #tpu.memory_space<vmem>> -> memref<1x1000xi32, #tpu.memory_space<vmem>>
    %dma_start3A_309 = tpu.memref_squeeze %dma_start3A_308 : memref<1x1000xi32, #tpu.memory_space<vmem>> -> memref<1000xi32, #tpu.memory_space<vmem>>
    %dma_start3A_310 = arith.constant 0 : i32
    %dma_start3A_311 = arith.constant 0 : i32
    %dma_start3A_312 = tpu.memref_slice %arg2[%arg0, %dma_start3A_310, %dma_start3A_311] : memref<2x10000x32xf32, #tpu.memory_space<hbm>> -> memref<1x10000x32xf32, #tpu.memory_space<hbm>>
    %dma_start3A_313 = tpu.memref_squeeze %dma_start3A_312 : memref<1x10000x32xf32, #tpu.memory_space<hbm>> -> memref<10000x32xf32, #tpu.memory_space<hbm>>
    %dma_start3A_314 = arith.constant 0 : i32
    %dma_start3A_315 = arith.constant 0 : i32
    %dma_start3A_316 = tpu.memref_slice %dma_start3A_313[%dma_start3A_314, %dma_start3A_315] : memref<10000x32xf32, #tpu.memory_space<hbm>> -> memref<10000x32xf32, #tpu.memory_space<hbm>>
    tpu.enqueue_indirect_dma source(%dma_start3A_316 : memref<10000x32xf32, #tpu.memory_space<hbm>>) target(%arg9 : memref<1000x32xf32, #tpu.memory_space<vmem>>) offsets(%dma_start3A_309 : memref<1000xi32, #tpu.memory_space<vmem>>) semaphore(%arg13 : memref<!tpu.dma_semaphore, #tpu.memory_space<semaphore_mem>>)
    %dma_wait3A_317 = arith.constant 8 : i32
    %dma_wait3A_318 = arith.constant 0 : i32
    %dma_wait3A_319 = tpu.memref_slice %arg6[%dma_wait3A_317, %dma_wait3A_318] : memref<10x1000xi32, #tpu.memory_space<vmem>> -> memref<1x1000xi32, #tpu.memory_space<vmem>>
    %dma_wait3A_320 = tpu.memref_squeeze %dma_wait3A_319 : memref<1x1000xi32, #tpu.memory_space<vmem>> -> memref<1000xi32, #tpu.memory_space<vmem>>
    %dma_wait3A_321 = arith.constant 0 : i32
    %dma_wait3A_322 = arith.constant 0 : i32
    %dma_wait3A_323 = tpu.memref_slice %arg2[%arg0, %dma_wait3A_321, %dma_wait3A_322] : memref<2x10000x32xf32, #tpu.memory_space<hbm>> -> memref<1x10000x32xf32, #tpu.memory_space<hbm>>
    %dma_wait3A_324 = tpu.memref_squeeze %dma_wait3A_323 : memref<1x10000x32xf32, #tpu.memory_space<hbm>> -> memref<10000x32xf32, #tpu.memory_space<hbm>>
    %dma_wait3A_325 = arith.constant 0 : i32
    %dma_wait3A_326 = arith.constant 0 : i32
    %dma_wait3A_327 = tpu.memref_slice %dma_wait3A_324[%dma_wait3A_325, %dma_wait3A_326] : memref<10000x32xf32, #tpu.memory_space<hbm>> -> memref<10000x32xf32, #tpu.memory_space<hbm>>
    tpu.wait_indirect_dma semaphore(%arg12 : memref<!tpu.dma_semaphore, #tpu.memory_space<semaphore_mem>>) src(%dma_wait3A_327 : memref<10000x32xf32, #tpu.memory_space<hbm>>) dst(%arg8 : memref<1000x32xf32, #tpu.memory_space<vmem>>)
    %dma_start3A_328 = arith.constant 8 : i32
    %dma_start3A_329 = arith.constant 0 : i32
    %dma_start3A_330 = tpu.memref_slice %arg7[%dma_start3A_328, %dma_start3A_329] : memref<10x1000xi32, #tpu.memory_space<vmem>> -> memref<1x1000xi32, #tpu.memory_space<vmem>>
    %dma_start3A_331 = tpu.memref_squeeze %dma_start3A_330 : memref<1x1000xi32, #tpu.memory_space<vmem>> -> memref<1000xi32, #tpu.memory_space<vmem>>
    %dma_start3A_332 = arith.constant 0 : i32
    %dma_start3A_333 = arith.constant 0 : i32
    %dma_start3A_334 = tpu.memref_slice %arg11[%dma_start3A_332, %dma_start3A_333] : memref<10000x32xf32, #tpu.memory_space<vmem_shared>> -> memref<10000x32xf32, #tpu.memory_space<vmem_shared>>
    tpu.enqueue_indirect_dma source(%arg8 : memref<1000x32xf32, #tpu.memory_space<vmem>>) target(%dma_start3A_334 : memref<10000x32xf32, #tpu.memory_space<vmem_shared>>) offsets(%dma_start3A_331 : memref<1000xi32, #tpu.memory_space<vmem>>) semaphore(%arg14 : memref<!tpu.dma_semaphore, #tpu.memory_space<semaphore_mem>>) {add = true}
    %dma_wait3A_335 = arith.constant 9 : i32
    %dma_wait3A_336 = arith.constant 0 : i32
    %dma_wait3A_337 = tpu.memref_slice %arg6[%dma_wait3A_335, %dma_wait3A_336] : memref<10x1000xi32, #tpu.memory_space<vmem>> -> memref<1x1000xi32, #tpu.memory_space<vmem>>
    %dma_wait3A_338 = tpu.memref_squeeze %dma_wait3A_337 : memref<1x1000xi32, #tpu.memory_space<vmem>> -> memref<1000xi32, #tpu.memory_space<vmem>>
    %dma_wait3A_339 = arith.constant 0 : i32
    %dma_wait3A_340 = arith.constant 0 : i32
    %dma_wait3A_341 = tpu.memref_slice %arg2[%arg0, %dma_wait3A_339, %dma_wait3A_340] : memref<2x10000x32xf32, #tpu.memory_space<hbm>> -> memref<1x10000x32xf32, #tpu.memory_space<hbm>>
    %dma_wait3A_342 = tpu.memref_squeeze %dma_wait3A_341 : memref<1x10000x32xf32, #tpu.memory_space<hbm>> -> memref<10000x32xf32, #tpu.memory_space<hbm>>
    %dma_wait3A_343 = arith.constant 0 : i32
    %dma_wait3A_344 = arith.constant 0 : i32
    %dma_wait3A_345 = tpu.memref_slice %dma_wait3A_342[%dma_wait3A_343, %dma_wait3A_344] : memref<10000x32xf32, #tpu.memory_space<hbm>> -> memref<10000x32xf32, #tpu.memory_space<hbm>>
    tpu.wait_indirect_dma semaphore(%arg13 : memref<!tpu.dma_semaphore, #tpu.memory_space<semaphore_mem>>) src(%dma_wait3A_345 : memref<10000x32xf32, #tpu.memory_space<hbm>>) dst(%arg9 : memref<1000x32xf32, #tpu.memory_space<vmem>>)
    %dma_start3A_346 = arith.constant 9 : i32
    %dma_start3A_347 = arith.constant 0 : i32
    %dma_start3A_348 = tpu.memref_slice %arg7[%dma_start3A_346, %dma_start3A_347] : memref<10x1000xi32, #tpu.memory_space<vmem>> -> memref<1x1000xi32, #tpu.memory_space<vmem>>
    %dma_start3A_349 = tpu.memref_squeeze %dma_start3A_348 : memref<1x1000xi32, #tpu.memory_space<vmem>> -> memref<1000xi32, #tpu.memory_space<vmem>>
    %dma_start3A_350 = arith.constant 0 : i32
    %dma_start3A_351 = arith.constant 0 : i32
    %dma_start3A_352 = tpu.memref_slice %arg11[%dma_start3A_350, %dma_start3A_351] : memref<10000x32xf32, #tpu.memory_space<vmem_shared>> -> memref<10000x32xf32, #tpu.memory_space<vmem_shared>>
    tpu.enqueue_indirect_dma source(%arg9 : memref<1000x32xf32, #tpu.memory_space<vmem>>) target(%dma_start3A_352 : memref<10000x32xf32, #tpu.memory_space<vmem_shared>>) offsets(%dma_start3A_349 : memref<1000xi32, #tpu.memory_space<vmem>>) semaphore(%arg15 : memref<!tpu.dma_semaphore, #tpu.memory_space<semaphore_mem>>) {add = true}
    %dma_wait3A_353 = arith.constant 9 : i32
    %dma_wait3A_354 = arith.constant 0 : i32
    %dma_wait3A_355 = tpu.memref_slice %arg7[%dma_wait3A_353, %dma_wait3A_354] : memref<10x1000xi32, #tpu.memory_space<vmem>> -> memref<1x1000xi32, #tpu.memory_space<vmem>>
    %dma_wait3A_356 = tpu.memref_squeeze %dma_wait3A_355 : memref<1x1000xi32, #tpu.memory_space<vmem>> -> memref<1000xi32, #tpu.memory_space<vmem>>
    %dma_wait3A_357 = arith.constant 0 : i32
    %dma_wait3A_358 = arith.constant 0 : i32
    %dma_wait3A_359 = tpu.memref_slice %arg11[%dma_wait3A_357, %dma_wait3A_358] : memref<10000x32xf32, #tpu.memory_space<vmem_shared>> -> memref<10000x32xf32, #tpu.memory_space<vmem_shared>>
    tpu.wait_indirect_dma semaphore(%arg15 : memref<!tpu.dma_semaphore, #tpu.memory_space<semaphore_mem>>) src(%arg9 : memref<1000x32xf32, #tpu.memory_space<vmem>>) dst(%dma_wait3A_359 : memref<10000x32xf32, #tpu.memory_space<vmem_shared>>)
    %dma_wait3A_360 = arith.constant 8 : i32
    %dma_wait3A_361 = arith.constant 0 : i32
    %dma_wait3A_362 = tpu.memref_slice %arg7[%dma_wait3A_360, %dma_wait3A_361] : memref<10x1000xi32, #tpu.memory_space<vmem>> -> memref<1x1000xi32, #tpu.memory_space<vmem>>
    %dma_wait3A_363 = tpu.memref_squeeze %dma_wait3A_362 : memref<1x1000xi32, #tpu.memory_space<vmem>> -> memref<1000xi32, #tpu.memory_space<vmem>>
    %dma_wait3A_364 = arith.constant 0 : i32
    %dma_wait3A_365 = arith.constant 0 : i32
    %dma_wait3A_366 = tpu.memref_slice %arg11[%dma_wait3A_364, %dma_wait3A_365] : memref<10000x32xf32, #tpu.memory_space<vmem_shared>> -> memref<10000x32xf32, #tpu.memory_space<vmem_shared>>
    tpu.wait_indirect_dma semaphore(%arg14 : memref<!tpu.dma_semaphore, #tpu.memory_space<semaphore_mem>>) src(%arg8 : memref<1000x32xf32, #tpu.memory_space<vmem>>) dst(%dma_wait3A_366 : memref<10000x32xf32, #tpu.memory_space<vmem_shared>>)
    %barrier3A_367 = arith.constant 0 : index
    tpu.barrier barrier_id(%barrier3A_367)
    %lt3A_368 = arith.constant 15 : i32
    %lt3A_369 = arith.cmpi slt, %arg1, %lt3A_368 : i32
    %convert_element_type3A_370 = arith.extui %lt3A_369 : i1 to i32
    %cond3A_371 = arith.constant 0 : i32
    %cond3A_372 = arith.cmpi ne, %convert_element_type3A_370, %cond3A_371 : i32
    scf.if %cond3A_372 {
      %mul3A_378 = arith.constant 640 : i32
      %mul3A_379 = arith.muli %arg1, %mul3A_378 : i32
      "tpu.region"() ({
        %run_scoped3A = tpu.sem_alloc : memref<!tpu.dma_semaphore, #tpu.memory_space<semaphore_mem>>
        %dma_start3A_380 = arith.constant 0 : i32
        %dma_start3A_381 = arith.constant 0 : i32
        %dma_start3A_382 = tpu.memref_slice %arg10[%dma_start3A_380, %dma_start3A_381] : memref<640x32xf32, #tpu.memory_space<vmem>> -> memref<640x32xf32, #tpu.memory_space<vmem>>
        %dma_start3A_383 = arith.constant 0 : i32
        %dma_start3A_384 = tpu.memref_slice %arg11[%mul3A_379, %dma_start3A_383] : memref<10000x32xf32, #tpu.memory_space<vmem_shared>> -> memref<640x32xf32, #tpu.memory_space<vmem_shared>>
        %dma_start3A_385 = arith.constant 0 : i32
        %dma_start3A_386 = arith.constant 0 : i32
        %dma_start3A_387 = tpu.memref_slice %arg10[%dma_start3A_385, %dma_start3A_386] : memref<640x32xf32, #tpu.memory_space<vmem>> -> memref<640x32xf32, #tpu.memory_space<vmem>>
        %dma_start3A_388 = arith.constant 0 : i32
        %dma_start3A_389 = tpu.memref_slice %arg11[%mul3A_379, %dma_start3A_388] : memref<10000x32xf32, #tpu.memory_space<vmem_shared>> -> memref<640x32xf32, #tpu.memory_space<vmem_shared>>
        tpu.enqueue_dma source(%dma_start3A_389 : memref<640x32xf32, #tpu.memory_space<vmem_shared>>) target(%dma_start3A_387 : memref<640x32xf32, #tpu.memory_space<vmem>>) target_semaphore(%run_scoped3A : memref<!tpu.dma_semaphore, #tpu.memory_space<semaphore_mem>>)
        %dma_wait3A_390 = arith.constant 0 : i32
        %dma_wait3A_391 = arith.constant 0 : i32
        %dma_wait3A_392 = tpu.memref_slice %arg10[%dma_wait3A_390, %dma_wait3A_391] : memref<640x32xf32, #tpu.memory_space<vmem>> -> memref<640x32xf32, #tpu.memory_space<vmem>>
        %dma_wait3A_393 = arith.constant 0 : i32
        %dma_wait3A_394 = tpu.memref_slice %arg11[%mul3A_379, %dma_wait3A_393] : memref<10000x32xf32, #tpu.memory_space<vmem_shared>> -> memref<640x32xf32, #tpu.memory_space<vmem_shared>>
        %dma_wait3A_395 = arith.constant 0 : i32
        %dma_wait3A_396 = arith.constant 0 : i32
        %dma_wait3A_397 = tpu.memref_slice %arg10[%dma_wait3A_395, %dma_wait3A_396] : memref<640x32xf32, #tpu.memory_space<vmem>> -> memref<640x32xf32, #tpu.memory_space<vmem>>
        %dma_wait3A_398 = arith.constant 0 : i32
        %dma_wait3A_399 = tpu.memref_slice %arg11[%mul3A_379, %dma_wait3A_398] : memref<10000x32xf32, #tpu.memory_space<vmem_shared>> -> memref<640x32xf32, #tpu.memory_space<vmem_shared>>
        tpu.wait_dma2 semaphore(%run_scoped3A : memref<!tpu.dma_semaphore, #tpu.memory_space<semaphore_mem>>) src(%dma_wait3A_399 : memref<640x32xf32, #tpu.memory_space<vmem_shared>>) dst(%dma_wait3A_397 : memref<640x32xf32, #tpu.memory_space<vmem>>)
        tpu.yield
      }) : () -> ()
      "tpu.region"() ({
        %run_scoped3A = tpu.sem_alloc : memref<!tpu.dma_semaphore, #tpu.memory_space<semaphore_mem>>
        %dma_start3A_380 = arith.constant 0 : i32
        %dma_start3A_381 = arith.constant 0 : i32
        %dma_start3A_382 = tpu.memref_slice %arg10[%dma_start3A_380, %dma_start3A_381] : memref<640x32xf32, #tpu.memory_space<vmem>> -> memref<640x32xf32, #tpu.memory_space<vmem>>
        %dma_start3A_383 = arith.constant 0 : i32
        %dma_start3A_384 = arith.constant 0 : i32
        %dma_start3A_385 = tpu.memref_slice %arg5[%arg0, %dma_start3A_383, %dma_start3A_384] : memref<2x10000x32xf32, #tpu.memory_space<hbm>> -> memref<1x10000x32xf32, #tpu.memory_space<hbm>>
        %dma_start3A_386 = tpu.memref_squeeze %dma_start3A_385 : memref<1x10000x32xf32, #tpu.memory_space<hbm>> -> memref<10000x32xf32, #tpu.memory_space<hbm>>
        %dma_start3A_387 = arith.constant 0 : i32
        %dma_start3A_388 = tpu.memref_slice %dma_start3A_386[%mul3A_379, %dma_start3A_387] : memref<10000x32xf32, #tpu.memory_space<hbm>> -> memref<640x32xf32, #tpu.memory_space<hbm>>
        %dma_start3A_389 = arith.constant 0 : i32
        %dma_start3A_390 = arith.constant 0 : i32
        %dma_start3A_391 = tpu.memref_slice %arg5[%arg0, %dma_start3A_389, %dma_start3A_390] : memref<2x10000x32xf32, #tpu.memory_space<hbm>> -> memref<1x10000x32xf32, #tpu.memory_space<hbm>>
        %dma_start3A_392 = tpu.memref_squeeze %dma_start3A_391 : memref<1x10000x32xf32, #tpu.memory_space<hbm>> -> memref<10000x32xf32, #tpu.memory_space<hbm>>
        %dma_start3A_393 = arith.constant 0 : i32
        %dma_start3A_394 = tpu.memref_slice %dma_start3A_392[%mul3A_379, %dma_start3A_393] : memref<10000x32xf32, #tpu.memory_space<hbm>> -> memref<640x32xf32, #tpu.memory_space<hbm>>
        %dma_start3A_395 = arith.constant 0 : i32
        %dma_start3A_396 = arith.constant 0 : i32
        %dma_start3A_397 = tpu.memref_slice %arg10[%dma_start3A_395, %dma_start3A_396] : memref<640x32xf32, #tpu.memory_space<vmem>> -> memref<640x32xf32, #tpu.memory_space<vmem>>
        tpu.enqueue_dma source(%dma_start3A_397 : memref<640x32xf32, #tpu.memory_space<vmem>>) target(%dma_start3A_394 : memref<640x32xf32, #tpu.memory_space<hbm>>) target_semaphore(%run_scoped3A : memref<!tpu.dma_semaphore, #tpu.memory_space<semaphore_mem>>)
        %dma_wait3A_398 = arith.constant 0 : i32
        %dma_wait3A_399 = arith.constant 0 : i32
        %dma_wait3A_400 = tpu.memref_slice %arg10[%dma_wait3A_398, %dma_wait3A_399] : memref<640x32xf32, #tpu.memory_space<vmem>> -> memref<640x32xf32, #tpu.memory_space<vmem>>
        %dma_wait3A_401 = arith.constant 0 : i32
        %dma_wait3A_402 = arith.constant 0 : i32
        %dma_wait3A_403 = tpu.memref_slice %arg5[%arg0, %dma_wait3A_401, %dma_wait3A_402] : memref<2x10000x32xf32, #tpu.memory_space<hbm>> -> memref<1x10000x32xf32, #tpu.memory_space<hbm>>
        %dma_wait3A_404 = tpu.memref_squeeze %dma_wait3A_403 : memref<1x10000x32xf32, #tpu.memory_space<hbm>> -> memref<10000x32xf32, #tpu.memory_space<hbm>>
        %dma_wait3A_405 = arith.constant 0 : i32
        %dma_wait3A_406 = tpu.memref_slice %dma_wait3A_404[%mul3A_379, %dma_wait3A_405] : memref<10000x32xf32, #tpu.memory_space<hbm>> -> memref<640x32xf32, #tpu.memory_space<hbm>>
        %dma_wait3A_407 = arith.constant 0 : i32
        %dma_wait3A_408 = arith.constant 0 : i32
        %dma_wait3A_409 = tpu.memref_slice %arg5[%arg0, %dma_wait3A_407, %dma_wait3A_408] : memref<2x10000x32xf32, #tpu.memory_space<hbm>> -> memref<1x10000x32xf32, #tpu.memory_space<hbm>>
        %dma_wait3A_410 = tpu.memref_squeeze %dma_wait3A_409 : memref<1x10000x32xf32, #tpu.memory_space<hbm>> -> memref<10000x32xf32, #tpu.memory_space<hbm>>
        %dma_wait3A_411 = arith.constant 0 : i32
        %dma_wait3A_412 = tpu.memref_slice %dma_wait3A_410[%mul3A_379, %dma_wait3A_411] : memref<10000x32xf32, #tpu.memory_space<hbm>> -> memref<640x32xf32, #tpu.memory_space<hbm>>
        %dma_wait3A_413 = arith.constant 0 : i32
        %dma_wait3A_414 = arith.constant 0 : i32
        %dma_wait3A_415 = tpu.memref_slice %arg10[%dma_wait3A_413, %dma_wait3A_414] : memref<640x32xf32, #tpu.memory_space<vmem>> -> memref<640x32xf32, #tpu.memory_space<vmem>>
        tpu.wait_dma2 semaphore(%run_scoped3A : memref<!tpu.dma_semaphore, #tpu.memory_space<semaphore_mem>>) src(%dma_wait3A_415 : memref<640x32xf32, #tpu.memory_space<vmem>>) dst(%dma_wait3A_412 : memref<640x32xf32, #tpu.memory_space<hbm>>)
        tpu.yield
      }) : () -> ()
    } else {
    }
    %eq3A_373 = arith.constant 15 : i32
    %eq3A_374 = arith.cmpi eq, %arg1, %eq3A_373 : i32
    %convert_element_type3A_375 = arith.extui %eq3A_374 : i1 to i32
    %cond3A_376 = arith.constant 0 : i32
    %cond3A_377 = arith.cmpi ne, %convert_element_type3A_375, %cond3A_376 : i32
    scf.if %cond3A_377 {
      "tpu.region"() ({
        %run_scoped3A = tpu.sem_alloc : memref<!tpu.dma_semaphore, #tpu.memory_space<semaphore_mem>>
        %dma_start3A_378 = arith.constant 0 : i32
        %dma_start3A_379 = arith.constant 0 : i32
        %dma_start3A_380 = tpu.memref_slice %arg10[%dma_start3A_378, %dma_start3A_379] : memref<640x32xf32, #tpu.memory_space<vmem>> -> memref<400x32xf32, #tpu.memory_space<vmem>>
        %dma_start3A_381 = arith.constant 9600 : i32
        %dma_start3A_382 = arith.constant 0 : i32
        %dma_start3A_383 = tpu.memref_slice %arg11[%dma_start3A_381, %dma_start3A_382] : memref<10000x32xf32, #tpu.memory_space<vmem_shared>> -> memref<400x32xf32, #tpu.memory_space<vmem_shared>>
        %dma_start3A_384 = arith.constant 0 : i32
        %dma_start3A_385 = arith.constant 0 : i32
        %dma_start3A_386 = tpu.memref_slice %arg10[%dma_start3A_384, %dma_start3A_385] : memref<640x32xf32, #tpu.memory_space<vmem>> -> memref<400x32xf32, #tpu.memory_space<vmem>>
        %dma_start3A_387 = arith.constant 9600 : i32
        %dma_start3A_388 = arith.constant 0 : i32
        %dma_start3A_389 = tpu.memref_slice %arg11[%dma_start3A_387, %dma_start3A_388] : memref<10000x32xf32, #tpu.memory_space<vmem_shared>> -> memref<400x32xf32, #tpu.memory_space<vmem_shared>>
        tpu.enqueue_dma source(%dma_start3A_389 : memref<400x32xf32, #tpu.memory_space<vmem_shared>>) target(%dma_start3A_386 : memref<400x32xf32, #tpu.memory_space<vmem>>) target_semaphore(%run_scoped3A : memref<!tpu.dma_semaphore, #tpu.memory_space<semaphore_mem>>)
        %dma_wait3A_390 = arith.constant 0 : i32
        %dma_wait3A_391 = arith.constant 0 : i32
        %dma_wait3A_392 = tpu.memref_slice %arg10[%dma_wait3A_390, %dma_wait3A_391] : memref<640x32xf32, #tpu.memory_space<vmem>> -> memref<400x32xf32, #tpu.memory_space<vmem>>
        %dma_wait3A_393 = arith.constant 9600 : i32
        %dma_wait3A_394 = arith.constant 0 : i32
        %dma_wait3A_395 = tpu.memref_slice %arg11[%dma_wait3A_393, %dma_wait3A_394] : memref<10000x32xf32, #tpu.memory_space<vmem_shared>> -> memref<400x32xf32, #tpu.memory_space<vmem_shared>>
        %dma_wait3A_396 = arith.constant 0 : i32
        %dma_wait3A_397 = arith.constant 0 : i32
        %dma_wait3A_398 = tpu.memref_slice %arg10[%dma_wait3A_396, %dma_wait3A_397] : memref<640x32xf32, #tpu.memory_space<vmem>> -> memref<400x32xf32, #tpu.memory_space<vmem>>
        %dma_wait3A_399 = arith.constant 9600 : i32
        %dma_wait3A_400 = arith.constant 0 : i32
        %dma_wait3A_401 = tpu.memref_slice %arg11[%dma_wait3A_399, %dma_wait3A_400] : memref<10000x32xf32, #tpu.memory_space<vmem_shared>> -> memref<400x32xf32, #tpu.memory_space<vmem_shared>>
        tpu.wait_dma2 semaphore(%run_scoped3A : memref<!tpu.dma_semaphore, #tpu.memory_space<semaphore_mem>>) src(%dma_wait3A_401 : memref<400x32xf32, #tpu.memory_space<vmem_shared>>) dst(%dma_wait3A_398 : memref<400x32xf32, #tpu.memory_space<vmem>>)
        tpu.yield
      }) : () -> ()
      "tpu.region"() ({
        %run_scoped3A = tpu.sem_alloc : memref<!tpu.dma_semaphore, #tpu.memory_space<semaphore_mem>>
        %dma_start3A_378 = arith.constant 0 : i32
        %dma_start3A_379 = arith.constant 0 : i32
        %dma_start3A_380 = tpu.memref_slice %arg10[%dma_start3A_378, %dma_start3A_379] : memref<640x32xf32, #tpu.memory_space<vmem>> -> memref<400x32xf32, #tpu.memory_space<vmem>>
        %dma_start3A_381 = arith.constant 0 : i32
        %dma_start3A_382 = arith.constant 0 : i32
        %dma_start3A_383 = tpu.memref_slice %arg5[%arg0, %dma_start3A_381, %dma_start3A_382] : memref<2x10000x32xf32, #tpu.memory_space<hbm>> -> memref<1x10000x32xf32, #tpu.memory_space<hbm>>
        %dma_start3A_384 = tpu.memref_squeeze %dma_start3A_383 : memref<1x10000x32xf32, #tpu.memory_space<hbm>> -> memref<10000x32xf32, #tpu.memory_space<hbm>>
        %dma_start3A_385 = arith.constant 9600 : i32
        %dma_start3A_386 = arith.constant 0 : i32
        %dma_start3A_387 = tpu.memref_slice %dma_start3A_384[%dma_start3A_385, %dma_start3A_386] : memref<10000x32xf32, #tpu.memory_space<hbm>> -> memref<400x32xf32, #tpu.memory_space<hbm>>
        %dma_start3A_388 = arith.constant 0 : i32
        %dma_start3A_389 = arith.constant 0 : i32
        %dma_start3A_390 = tpu.memref_slice %arg5[%arg0, %dma_start3A_388, %dma_start3A_389] : memref<2x10000x32xf32, #tpu.memory_space<hbm>> -> memref<1x10000x32xf32, #tpu.memory_space<hbm>>
        %dma_start3A_391 = tpu.memref_squeeze %dma_start3A_390 : memref<1x10000x32xf32, #tpu.memory_space<hbm>> -> memref<10000x32xf32, #tpu.memory_space<hbm>>
        %dma_start3A_392 = arith.constant 9600 : i32
        %dma_start3A_393 = arith.constant 0 : i32
        %dma_start3A_394 = tpu.memref_slice %dma_start3A_391[%dma_start3A_392, %dma_start3A_393] : memref<10000x32xf32, #tpu.memory_space<hbm>> -> memref<400x32xf32, #tpu.memory_space<hbm>>
        %dma_start3A_395 = arith.constant 0 : i32
        %dma_start3A_396 = arith.constant 0 : i32
        %dma_start3A_397 = tpu.memref_slice %arg10[%dma_start3A_395, %dma_start3A_396] : memref<640x32xf32, #tpu.memory_space<vmem>> -> memref<400x32xf32, #tpu.memory_space<vmem>>
        tpu.enqueue_dma source(%dma_start3A_397 : memref<400x32xf32, #tpu.memory_space<vmem>>) target(%dma_start3A_394 : memref<400x32xf32, #tpu.memory_space<hbm>>) target_semaphore(%run_scoped3A : memref<!tpu.dma_semaphore, #tpu.memory_space<semaphore_mem>>)
        %dma_wait3A_398 = arith.constant 0 : i32
        %dma_wait3A_399 = arith.constant 0 : i32
        %dma_wait3A_400 = tpu.memref_slice %arg10[%dma_wait3A_398, %dma_wait3A_399] : memref<640x32xf32, #tpu.memory_space<vmem>> -> memref<400x32xf32, #tpu.memory_space<vmem>>
        %dma_wait3A_401 = arith.constant 0 : i32
        %dma_wait3A_402 = arith.constant 0 : i32
        %dma_wait3A_403 = tpu.memref_slice %arg5[%arg0, %dma_wait3A_401, %dma_wait3A_402] : memref<2x10000x32xf32, #tpu.memory_space<hbm>> -> memref<1x10000x32xf32, #tpu.memory_space<hbm>>
        %dma_wait3A_404 = tpu.memref_squeeze %dma_wait3A_403 : memref<1x10000x32xf32, #tpu.memory_space<hbm>> -> memref<10000x32xf32, #tpu.memory_space<hbm>>
        %dma_wait3A_405 = arith.constant 9600 : i32
        %dma_wait3A_406 = arith.constant 0 : i32
        %dma_wait3A_407 = tpu.memref_slice %dma_wait3A_404[%dma_wait3A_405, %dma_wait3A_406] : memref<10000x32xf32, #tpu.memory_space<hbm>> -> memref<400x32xf32, #tpu.memory_space<hbm>>
        %dma_wait3A_408 = arith.constant 0 : i32
        %dma_wait3A_409 = arith.constant 0 : i32
        %dma_wait3A_410 = tpu.memref_slice %arg5[%arg0, %dma_wait3A_408, %dma_wait3A_409] : memref<2x10000x32xf32, #tpu.memory_space<hbm>> -> memref<1x10000x32xf32, #tpu.memory_space<hbm>>
        %dma_wait3A_411 = tpu.memref_squeeze %dma_wait3A_410 : memref<1x10000x32xf32, #tpu.memory_space<hbm>> -> memref<10000x32xf32, #tpu.memory_space<hbm>>
        %dma_wait3A_412 = arith.constant 9600 : i32
        %dma_wait3A_413 = arith.constant 0 : i32
        %dma_wait3A_414 = tpu.memref_slice %dma_wait3A_411[%dma_wait3A_412, %dma_wait3A_413] : memref<10000x32xf32, #tpu.memory_space<hbm>> -> memref<400x32xf32, #tpu.memory_space<hbm>>
        %dma_wait3A_415 = arith.constant 0 : i32
        %dma_wait3A_416 = arith.constant 0 : i32
        %dma_wait3A_417 = tpu.memref_slice %arg10[%dma_wait3A_415, %dma_wait3A_416] : memref<640x32xf32, #tpu.memory_space<vmem>> -> memref<400x32xf32, #tpu.memory_space<vmem>>
        tpu.wait_dma2 semaphore(%run_scoped3A : memref<!tpu.dma_semaphore, #tpu.memory_space<semaphore_mem>>) src(%dma_wait3A_417 : memref<400x32xf32, #tpu.memory_space<vmem>>) dst(%dma_wait3A_414 : memref<400x32xf32, #tpu.memory_space<hbm>>)
        tpu.yield
      }) : () -> ()
    } else {
    }
    return
  }
}

module attributes {stable_mosaic.version = 14 : i64} {
  func.func @_mm_body(%arg0: i32, %arg1: memref<1000x1280xf32, #tpu.memory_space<vmem>>, %arg2: memref<1280x64xf32, #tpu.memory_space<vmem>>, %arg3: memref<2x1000x1xf32, #tpu.memory_space<vmem>>, %arg4: memref<2x1000x32xf32, #tpu.memory_space<vmem>>, %arg5: memref<1000x1xf32, #tpu.memory_space<vmem>>) attributes {dimension_semantics = [#tpu.dimension_semantics<arbitrary>], iteration_bounds = array<i64: 10>, scalar_prefetch = 0 : i64, scratch_operands = 0 : i64, tpu.core_type = #tpu.core_type<tc>, window_params = [{transform_indices = @transform_0, window_bounds = array<i64: 1000, 1280>}, {pipeline_mode = #tpu.pipeline_mode<synchronous>, transform_indices = @transform_1, window_bounds = array<i64: 1280, 64>}, {transform_indices = @transform_2, window_bounds = array<i64: 2, 1000, 1>}, {transform_indices = @transform_3, window_bounds = array<i64: 2, 1000, 32>}, {transform_indices = @transform_4, window_bounds = array<i64: 1000, 1>}]} {
    %get3A = arith.constant 0 : index
    %get3A_0 = arith.constant 0 : index
    %get3A_1 = vector.load %arg1[%get3A, %get3A_0] : memref<1000x1280xf32, #tpu.memory_space<vmem>>, vector<1000x1280xf32>
    %get3A_2 = arith.constant 0 : index
    %get3A_3 = arith.constant 0 : index
    %get3A_4 = vector.load %arg2[%get3A_2, %get3A_3] : memref<1280x64xf32, #tpu.memory_space<vmem>>, vector<1280x64xf32>
    %dot_general3A = arith.constant dense<0.000000e+00> : vector<1000x64xf32>
    %dot_general3A_5 = tpu.matmul %get3A_1, %get3A_4, %dot_general3A {dimension_numbers = #tpu.dot_dimension_numbers<[1], [0], [0], [1], [0, 0, 1, 1], [], []>, transpose_lhs_hint = false} : vector<1000x1280xf32>, vector<1280x64xf32>, vector<1000x64xf32> -> vector<1000x64xf32>
    %get3A_6 = arith.constant 0 : index
    %get3A_7 = arith.constant 0 : index
    %get3A_8 = arith.constant 0 : index
    %get3A_9 = vector.load %arg3[%get3A_6, %get3A_7, %get3A_8] : memref<2x1000x1xf32, #tpu.memory_space<vmem>>, vector<1x1000x1xf32>
    %get3A_10 = vector.shape_cast %get3A_9 : vector<1x1000x1xf32> to vector<1000x1xf32>
    %get3A_11 = arith.constant 1 : index
    %get3A_12 = arith.constant 0 : index
    %get3A_13 = arith.constant 0 : index
    %get3A_14 = vector.load %arg3[%get3A_11, %get3A_12, %get3A_13] : memref<2x1000x1xf32, #tpu.memory_space<vmem>>, vector<1x1000x1xf32>
    %get3A_15 = vector.shape_cast %get3A_14 : vector<1x1000x1xf32> to vector<1000x1xf32>
    %add3A = arith.addf %get3A_10, %get3A_15 : vector<1000x1xf32>
    %add3A_16 = arith.constant 1.000000e+00 : f32
    %add3A_17 = vector.broadcast %add3A_16 : f32 to vector<1000x1xf32>
    %add3A_18 = arith.addf %add3A, %add3A_17 : vector<1000x1xf32>
    %rsqrt3A = math.rsqrt %add3A_18 : vector<1000x1xf32>
    %mul3A = vector.broadcast %rsqrt3A : vector<1000x1xf32> to vector<1000x64xf32>
    %mul3A_19 = arith.mulf %dot_general3A_5, %mul3A : vector<1000x64xf32>
    %swap3A = arith.constant 0 : index
    %swap3A_20 = arith.constant 0 : index
    %swap3A_21 = vector.load %arg5[%swap3A, %swap3A_20] : memref<1000x1xf32, #tpu.memory_space<vmem>>, vector<1000x1xf32>
    tpu.vector_store %arg5[%swap3A, %swap3A_20], %rsqrt3A {strides = array<i32>} : memref<1000x1xf32, #tpu.memory_space<vmem>>, vector<1000x1xf32>,
    %slice3A = vector.extract_strided_slice %mul3A_19 {offsets = [0, 0], sizes = [1000, 32], strides = [1, 1]} : vector<1000x64xf32> to vector<1000x32xf32>
    %swap3A_22 = arith.constant 0 : index
    %swap3A_23 = arith.constant 0 : index
    %swap3A_24 = arith.constant 0 : index
    %swap3A_25 = vector.load %arg4[%swap3A_22, %swap3A_23, %swap3A_24] : memref<2x1000x32xf32, #tpu.memory_space<vmem>>, vector<1x1000x32xf32>
    %swap3A_26 = vector.shape_cast %swap3A_25 : vector<1x1000x32xf32> to vector<1000x32xf32>
    %swap3A_27 = vector.shape_cast %slice3A : vector<1000x32xf32> to vector<1x1000x32xf32>
    tpu.vector_store %arg4[%swap3A_22, %swap3A_23, %swap3A_24], %swap3A_27 {strides = array<i32>} : memref<2x1000x32xf32, #tpu.memory_space<vmem>>, vector<1x1000x32xf32>,
    %slice3A_28 = vector.extract_strided_slice %mul3A_19 {offsets = [0, 32], sizes = [1000, 32], strides = [1, 1]} : vector<1000x64xf32> to vector<1000x32xf32>
    %swap3A_29 = arith.constant 1 : index
    %swap3A_30 = arith.constant 0 : index
    %swap3A_31 = arith.constant 0 : index
    %swap3A_32 = vector.load %arg4[%swap3A_29, %swap3A_30, %swap3A_31] : memref<2x1000x32xf32, #tpu.memory_space<vmem>>, vector<1x1000x32xf32>
    %swap3A_33 = vector.shape_cast %swap3A_32 : vector<1x1000x32xf32> to vector<1000x32xf32>
    %swap3A_34 = vector.shape_cast %slice3A_28 : vector<1000x32xf32> to vector<1x1000x32xf32>
    tpu.vector_store %arg4[%swap3A_29, %swap3A_30, %swap3A_31], %swap3A_34 {strides = array<i32>} : memref<2x1000x32xf32, #tpu.memory_space<vmem>>, vector<1x1000x32xf32>,
    return
  }
  func.func @transform_0(%arg0: i32) -> (i32, i32) {
    %c0_i32 = arith.constant 0 : i32
    %c0_i32_0 = arith.constant 0 : i32
    return %arg0, %c0_i32 : i32, i32
  }
  func.func @transform_1(%arg0: i32) -> (i32, i32) {
    %c0_i32 = arith.constant 0 : i32
    %c0_i32_0 = arith.constant 0 : i32
    %c0_i32_1 = arith.constant 0 : i32
    return %c0_i32, %c0_i32_0 : i32, i32
  }
  func.func @transform_2(%arg0: i32) -> (i32, i32, i32) {
    %c0_i32 = arith.constant 0 : i32
    %c0_i32_0 = arith.constant 0 : i32
    %c0_i32_1 = arith.constant 0 : i32
    return %c0_i32, %arg0, %c0_i32_0 : i32, i32, i32
  }
  func.func @transform_3(%arg0: i32) -> (i32, i32, i32) {
    %c0_i32 = arith.constant 0 : i32
    %c0_i32_0 = arith.constant 0 : i32
    %c0_i32_1 = arith.constant 0 : i32
    return %c0_i32, %arg0, %c0_i32_0 : i32, i32, i32
  }
  func.func @transform_4(%arg0: i32) -> (i32, i32) {
    %c0_i32 = arith.constant 0 : i32
    %c0_i32_0 = arith.constant 0 : i32
    return %arg0, %c0_i32 : i32, i32
  }
}

module attributes {stable_mosaic.version = 14 : i64} {
  func.func @_pool_body(%arg0: memref<2x10000x32xf32, #tpu.memory_space<vmem>>, %arg1: memref<10000x1xf32, #tpu.memory_space<vmem>>, %arg2: memref<1x64xf32, #tpu.memory_space<vmem>>, %arg3: memref<10000x1xi32, #tpu.memory_space<vmem>>, %arg4: memref<64x64xf32, #tpu.memory_space<vmem>>) attributes {dimension_semantics = [], scalar_prefetch = 0 : i64, scratch_operands = 0 : i64, tpu.core_type = #tpu.core_type<tc>} {
    %get3A = arith.constant 0 : index
    %get3A_0 = arith.constant 0 : index
    %get3A_1 = arith.constant 0 : index
    %get3A_2 = vector.load %arg0[%get3A, %get3A_0, %get3A_1] : memref<2x10000x32xf32, #tpu.memory_space<vmem>>, vector<1x10000x32xf32>
    %get3A_3 = vector.shape_cast %get3A_2 : vector<1x10000x32xf32> to vector<10000x32xf32>
    %get3A_4 = arith.constant 1 : index
    %get3A_5 = arith.constant 0 : index
    %get3A_6 = arith.constant 0 : index
    %get3A_7 = vector.load %arg0[%get3A_4, %get3A_5, %get3A_6] : memref<2x10000x32xf32, #tpu.memory_space<vmem>>, vector<1x10000x32xf32>
    %get3A_8 = vector.shape_cast %get3A_7 : vector<1x10000x32xf32> to vector<10000x32xf32>
    %concatenate3A = tpu.concatenate %get3A_3, %get3A_8 in 1 : vector<10000x32xf32>, vector<10000x32xf32> -> vector<10000x64xf32>
    %get3A_9 = arith.constant 0 : index
    %get3A_10 = arith.constant 0 : index
    %get3A_11 = vector.load %arg1[%get3A_9, %get3A_10] : memref<10000x1xf32, #tpu.memory_space<vmem>>, vector<10000x1xf32>
    %mul3A = vector.broadcast %get3A_11 : vector<10000x1xf32> to vector<10000x64xf32>
    %mul3A_12 = arith.mulf %concatenate3A, %mul3A : vector<10000x64xf32>
    %get3A_13 = arith.constant 0 : index
    %get3A_14 = arith.constant 0 : index
    %get3A_15 = vector.load %arg2[%get3A_13, %get3A_14] : memref<1x64xf32, #tpu.memory_space<vmem>>, vector<1x64xf32>
    %add3A = vector.broadcast %get3A_15 : vector<1x64xf32> to vector<10000x64xf32>
    %add3A_16 = arith.addf %mul3A_12, %add3A : vector<10000x64xf32>
    %max3A = arith.constant 0.000000e+00 : f32
    %max3A_17 = vector.broadcast %max3A : f32 to vector<10000x64xf32>
    %max3A_18 = arith.maximumf %add3A_16, %max3A_17 : vector<10000x64xf32>
    %iota3A = tpu.iota {dimensions = array<i32: 1>} : vector<10000x64xi32>
    %get3A_19 = arith.constant 0 : index
    %get3A_20 = arith.constant 0 : index
    %get3A_21 = vector.load %arg3[%get3A_19, %get3A_20] : memref<10000x1xi32, #tpu.memory_space<vmem>>, vector<10000x1xi32>
    %eq3A = vector.broadcast %get3A_21 : vector<10000x1xi32> to vector<10000x64xi32>
    %eq3A_22 = arith.cmpi eq, %eq3A, %iota3A : vector<10000x64xi32>
    %convert_element_type3A = arith.extui %eq3A_22 : vector<10000x64xi1> to vector<10000x64xi32>
    %convert_element_type3A_23 = arith.sitofp %convert_element_type3A : vector<10000x64xi32> to vector<10000x64xf32>
    %dot_general3A = arith.constant dense<0.000000e+00> : vector<64x64xf32>
    %dot_general3A_24 = tpu.matmul %convert_element_type3A_23, %max3A_18, %dot_general3A {dimension_numbers = #tpu.dot_dimension_numbers<[0], [0], [1], [1], [0, 1, 1, 1], [], []>, transpose_lhs_hint = false} : vector<10000x64xf32>, vector<10000x64xf32>, vector<64x64xf32> -> vector<64x64xf32>
    %reduce_sum3A = arith.constant dense<0.000000e+00> : vector<64xf32>
    %reduce_sum3A_25 = vector.multi_reduction <add>, %convert_element_type3A_23, %reduce_sum3A [0] : vector<10000x64xf32> to vector<64xf32>
    %broadcast_in_dim3A = vector.shape_cast %reduce_sum3A_25 : vector<64xf32> to vector<64x1xf32>
    %max3A_26 = arith.constant 1.000000e+00 : f32
    %max3A_27 = vector.broadcast %max3A_26 : f32 to vector<64x1xf32>
    %max3A_28 = arith.maximumf %broadcast_in_dim3A, %max3A_27 : vector<64x1xf32>
    %div3A = vector.broadcast %max3A_28 : vector<64x1xf32> to vector<64x64xf32>
    %div3A_29 = arith.divf %dot_general3A_24, %div3A : vector<64x64xf32>
    %swap3A = arith.constant 0 : index
    %swap3A_30 = arith.constant 0 : index
    %swap3A_31 = vector.load %arg4[%swap3A, %swap3A_30] : memref<64x64xf32, #tpu.memory_space<vmem>>, vector<64x64xf32>
    tpu.vector_store %arg4[%swap3A, %swap3A_30], %div3A_29 {strides = array<i32>} : memref<64x64xf32, #tpu.memory_space<vmem>>, vector<64x64xf32>,
    return
  }
}

</mosaic_0001>

<sc_bundles>
// kernel: kernel.6.cloned.1.call-start
scs
__scs_entry_jumppad:
0x0: {  	(pc) =	sbr.rel $0x88, $3  }
0x1: {  	(tag) =	ssettag $0x0;
	lr =	simm.s32 $0x1  }
0x2: {  	[smem:$0x3F9C] =	sst lr;
	_ =	strace $0xD0000000  }
0x3: {  	_ = 	snop  }
0x4: {  	_ = 	snop  }
0x5: {  	_ = 	snop  }
0x6: {  	_ = 	snop  }
0x7: {  	_ = 	snop  }
__scs_overlays_trampoline_lowered:
0x8: {  	[smem:$0x3FAB] =	sst s0  }
0x9: {  	[smem:$0x3FAC] =	sst s1  }
0xa: {  	[smem:$0x3FAD] =	sst s2  }
0xb: {  	[smem:$0x3FAE] =	sst s3  }
0xc: {  	[smem:$0x3FAF] =	sst s4  }
0xd: {  	[smem:$0x3FB0] =	sst s5  }
0xe: {  	[smem:$0x3FB1] =	sst s6  }
0xf: {  	[smem:$0x3FB2] =	sst s7  }
0x10: {  	[smem:$0x3FB3] =	sst s8  }
0x11: {  	[smem:$0x3FB4] =	sst s9;
	s0 =	simm.s32 @!p0 $0x0  }
0x12: {  	s1 =	sld [smem:$0x3F9A];
	s0 =	simm.s32 @p0 $0x1  }
0x13: {  	[smem:$0x3FB5] =	sst s0;
	s0 =	simm.s32 @!p1 $0x0  }
0x14: {  	s2 =	sld [smem:$0x3F99];
	s0 =	simm.s32 @p1 $0x1  }
0x15: {  	[smem:$0x3FB6] =	sst s0;
	s0 =	simm.s32 @!p2 $0x0  }
0x16: {  	s3 =	sld [smem:$0x3FDB];
	s0 =	simm.s32 @p2 $0x1  }
0x17: {  	s4 =	simm.s32 $0x1BF5;
	[smem:$0x3FB8] =	sst s0  }
0x18: {  	s0 =	sld [smem:$0x3F9B];
	_ =	swait.ge [sflag:s4], $0x0  }
0x19: {  	s7 =	sld [smem:$0x3F9C]  }
0x1a: {  	s8 =	sadd.s32 $0xFFFFE003, lr  }
0x1b: {  	s9 =	sadd.s32 $0xFFFFFEF7, lr;
	s5 =	simm.s32 $0xFFFFFFFF;
	p2 =	slt.u32 s8, $0xFFFFF086  }
0x1c: {  	p1 =	slt.u32 s9, $0xF7A;
	s5 =	simm.s32 @!p2 $0x0  }
0x1d: {  	s5 =	simm.s32 @p1 $0x1;
	p0 =	seq.s32 s7, s2  }
0x1e: {  	s7 =	smul.u32 @!p0 $0xF7A, s2;
	p2 =	seq.s32 @!p0 s5, $0x0  }
0x1f: {  	s9 =	smul.u32 $0xF7A, s1;
	s8 =	simm.s32 @!p0 $0x1BF5;
	p2 =	por !p2, p0  }
0x20: {  	[sflag:s8] =	ssyncset.s32 @!p0 $0xFFFFF086;
	s6 =	sadd.s32 @!p0 s3, s7;
	s7 =	simm.s32 @!p0 $0x108  }
0x21: {  	s3 =	sadd.s32 s3, s9;
	s6 =	sadd.s32 @!p0 $0x88, s6;
	s7 =	simm.s32 @p2 $0x1082  }
0x22: {  	[simem:s7], [sflag:s8] =	dma.local @!p0 [hbm:s6], $0xF7A  }
0x23: {  	s9 =	sor.u32 $0xD0000000, s2;
	s6 =	simm.s32 $0x108;
	_ =	swait.ge @!p0 [sflag:s8], $0x0  }
0x24: {  	s3 =	sadd.s32 $0x88, s3;
	s6 =	simm.s32 @!p1 $0x1082;
	[sflag:s4] =	ssyncset.s32 $0xFFFFF086  }
0x25: {  	[simem:s6], [sflag:s4] =	dma.local [hbm:s3], $0xF7A  }
0x26: {  	[smem:$0x3F9C] =	sst s1;
	(tag) =	ssettag s2;
	_ =	strace s9  }
0x27: {  	s1 =	sld [smem:$0x3FAC]  }
0x28: {  	s2 =	sld [smem:$0x3FAD]  }
0x29: {  	s4 =	sld [smem:$0x3FAF]  }
0x2a: {  	p0 =	seq.s32 s5, $0x0;
	s5 =	sld [smem:$0x3FB0]  }
0x2b: {  	s6 =	sld [smem:$0x3FB1]  }
0x2c: {  	s7 =	sld [smem:$0x3FB2]  }
0x2d: {  	s3 =	simm.s32 $0x108;
	s8 =	sld [smem:$0x3FB3]  }
0x2e: {  	s3 =	simm.s32 @!p0 $0x1082;
	s9 =	sld [smem:$0x3FB4]  }
0x2f: {  	lr =	sadd.s32 s0, s3;
	s0 =	sld [smem:$0x3FAB]  }
0x30: {  	s3 =	sld [smem:$0x3FAE]  }
0x31: {  	[smem:$0x3FB7] =	sst s10  }
0x32: {  	s10 =	sld [smem:$0x3FB5];
	_ =	sdelay $0x3  }
0x33: {  	p0 =	seq.s32 s10, $0x1;
	s10 =	sld [smem:$0x3FB7];
	_ =	sdelay $0x3  }
0x34: {  	[smem:$0x3FB7] =	sst s10  }
0x35: {  	s10 =	sld [smem:$0x3FB6];
	_ =	sdelay $0x3  }
0x36: {  	p1 =	seq.s32 s10, $0x1;
	s10 =	sld [smem:$0x3FB7];
	_ =	sdelay $0x3  }
0x37: {  	[smem:$0x3FB7] =	sst s10  }
0x38: {  	s10 =	sld [smem:$0x3FB8]  }
0x39: {  	_ = 	snop;
	(pc) =	sbr.ind lr, $3  }
0x3a: {  	_ = 	snop  }
0x3b: {  	_ = 	snop  }
0x3c: {  	p2 =	seq.s32 s10, $0x1;
	s10 =	sld [smem:$0x3FB7]  }
0x3d: {  	_ =	shalt  }
0x3e: {  	_ =	shalt  }
0x3f: {  	_ =	shalt  }
0x40: {  	_ =	shalt  }
0x41: {  	_ =	shalt  }
0x42: {  	_ =	shalt  }
0x43: {  	_ =	shalt  }
0x44: {  	_ =	shalt  }
0x45: {  	_ =	shalt  }
0x46: {  	_ =	shalt  }
0x47: {  	_ =	shalt  }
0x48: {  	_ =	shalt  }
0x49: {  	_ =	shalt  }
0x4a: {  	_ =	shalt  }
0x4b: {  	_ =	shalt  }
0x4c: {  	_ =	shalt  }
0x4d: {  	_ =	shalt  }
0x4e: {  	_ =	shalt  }
0x4f: {  	_ =	shalt  }
0x50: {  	_ =	shalt  }
0x51: {  	_ =	shalt  }
0x52: {  	_ =	shalt  }
0x53: {  	_ =	shalt  }
0x54: {  	_ =	shalt  }
0x55: {  	_ =	shalt  }
0x56: {  	_ =	shalt  }
0x57: {  	_ =	shalt  }
0x58: {  	_ =	shalt  }
0x59: {  	_ =	shalt  }
0x5a: {  	_ =	shalt  }
0x5b: {  	_ =	shalt  }
0x5c: {  	_ =	shalt  }
0x5d: {  	_ =	shalt  }
0x5e: {  	_ =	shalt  }
0x5f: {  	_ =	shalt  }
0x60: {  	_ =	shalt  }
0x61: {  	_ =	shalt  }
0x62: {  	_ =	shalt  }
0x63: {  	_ =	shalt  }
0x64: {  	_ =	shalt  }
0x65: {  	_ =	shalt  }
0x66: {  	_ =	shalt  }
0x67: {  	_ =	shalt  }
0x68: {  	_ =	shalt  }
0x69: {  	_ =	shalt  }
0x6a: {  	_ =	shalt  }
0x6b: {  	_ =	shalt  }
0x6c: {  	_ =	shalt  }
0x6d: {  	_ =	shalt  }
0x6e: {  	_ =	shalt  }
0x6f: {  	_ =	shalt  }
0x70: {  	_ =	shalt  }
0x71: {  	_ =	shalt  }
0x72: {  	_ =	shalt  }
0x73: {  	_ =	shalt  }
0x74: {  	_ =	shalt  }
0x75: {  	_ =	shalt  }
0x76: {  	_ =	shalt  }
0x77: {  	_ =	shalt  }
0x78: {  	_ =	shalt  }
0x79: {  	_ =	shalt  }
0x7a: {  	_ =	shalt  }
0x7b: {  	_ =	shalt  }
0x7c: {  	_ =	shalt  }
0x7d: {  	_ =	shalt  }
0x7e: {  	_ =	shalt  }
0x7f: {  	_ =	shalt  }
0x80: {  	_ =	shalt  }
0x81: {  	_ =	shalt  }
0x82: {  	_ =	shalt  }
0x83: {  	_ =	shalt  }
0x84: {  	_ =	shalt  }
0x85: {  	_ =	shalt  }
0x86: {  	_ =	shalt  }
0x87: {  	_ =	shalt  }
.Lfunc_end0:
.L_simem_size_0:
called_computation_lowered:
.L_overlay_start_0:
0x88: {  	s2 =	sld [smem:$0x3FD9]  }
0x89: {  	s3 =	sld [smem:$0x3FFE];
	_ =	sdelay $0x1  }
0x8a: {  	s1 =	srdreg.scid  }
0x8b: {  	s0 =	sand.u32 $0x1, s1  }
0x8c: {  	s16 =	sshll.u32 s0, $0xA;
	s2 =	sadd.s32 s3, s2  }
0x8d: {  	s2 =	sadd.s32 s2, s16  }
0x8e: {  	[smem:$0x3FC3] =	sst s2  }
0x8f: {  	_ = 	snop  }
0x90: {  	(tm) =	ssettm $0x1  }
0x91: {  	s17 =	sld [smem:$0x3FFB];
	_ =	sdelay $0x3  }
0x92: {  	_ =	strace s17  }
0x93: {  	s2 =	sld [smem:$0x3FFC];
	_ =	sdelay $0x3  }
0x94: {  	_ =	strace s2  }
0x95: {  	s2 =	sld [smem:$0x3FFD];
	_ =	sdelay $0x3  }
0x96: {  	_ =	strace s2  }
0x97: {  	_ =	strace $0x8FFFFFFF  }
0x98: {  	s18 =	sld [smem:$0x3FDB];
	_ =	sdelay $0x1  }
0x99: {  	s19 =	simm.s32 $_scs_section_size  }
0x9a: {  	s4 =	simm.s32 $_size__tile_overlayer_lowered;
	s5 =	simm.s32 $_tile_overlayer_lowered  }
0x9b: {  	s22 =	simm.s32 $0x1BFF;
	s21 =	sshll.u32 s5, $0x1;
	s2 =	sadd.s32 s19, s18  }
0x9c: {  	s6 =	simm.s32 $0x0;
	s20 =	sshll.u32 s4, $0x1;
	s4 =	sadd.s32 s21, s2  }
0x9d: {  	[timem:s6], [sflag:s22] =	dma.local [hbm:s4], s20  }
0x9e: {  	_ =	swait.ge [sflag:s22], s20  }
0x9f: {  	s3 =	ssub.s32 $0x0, s20;
	[sflag:s22] =	ssyncset.done $0x0  }
0xa0: {  	[sflag:s22] =	ssyncadd.s32 s3;
	_ =	sdelay $0x1  }
0xa1: {  	s23 =	simm.s32 $0x1B8B  }
0xa2: {  	_ =	swait.ge [sflag:s23], $0x1  }
0xa3: {  	[sflag:s23] =	ssyncset.done $0x0  }
0xa4: {  	s25 =	simm.s32 $0x1B8E;
	s24 =	sld [smem:$0x3FFE];
	[sflag:s23] =	ssyncadd.s32 $0xFFFFFFFF  }
0xa5: {  	s26 =	simm.s32 $execute0_lowered;
	[smem:$0x3FD2] =	sst s25  }
0xa6: {  	s4 =	sshll.u32 s26, $0x1;
	_ =	strace $0x80000046;
	[dreg:$0x1] =	wrdreg $0xFFFFFFFF  }
0xa7: {  	s28 =	simm.s32 $_size_execute0_lowered;
	s2 =	sadd.s32 s2, s4;
	[dreg:$0x0] =	wrdreg $0x0  }
0xa8: {  	s4 =	sshll.u32 s28, $0x1;
	[dreg:$0x2] =	wrdreg s2  }
0xa9: {  	[dreg:$0x3] =	wrdreg s4  }
0xaa: {  	[dreg:$0x4] =	wrdreg $0xC0  }
0xab: {  	_ =	task [dreg:s6], $0x5FFFF  }
0xac: {  	[dreg:$0x1] =	wrdreg $0xFFFFFFFF  }
0xad: {  	[dreg:$0x0] =	wrdreg $0x60  }
0xae: {  	[dreg:$0x2] =	wrdreg s24  }
0xaf: {  	[dreg:$0x3] =	wrdreg $0xD7D00  }
0xb0: {  	[dreg:$0x4] =	wrdreg $0x9  }
0xb1: {  	_ =	task.clear_ibuf [dreg:s6], $0x5FFFF;
	_ =	strace $0x90000046  }
0xb2: {  	s29 =	simm.s32 $0x9;
	_ =	strace $0x80000048  }
0xb3: {  	_ =	swait.ge [sflag:s29], $0x1  }
0xb4: {  	[sflag:s29] =	ssyncadd.s32 $0xFFFFFFFF  }
0xb5: {  	_ =	strace $0x90000048  }
0xb6: {  	_ =	sfence  }
0xb7: {  	s30 =	sld [smem:$0x0];
	_ =	sdelay $0x2  }
0xb8: {  	s31 =	sshll.u32 s1, $0xD;
	s1 =	sshrl.u32 s1, $0x2  }
0xb9: {  	s3 =	sand.u32 $0x4000, s31;
	s1 =	sadd.s32 s1, s30  }
0xba: {  	s0 =	sor.u32 s3, s0;
	s1 =	sshll.u32 s1, $0x11  }
0xbb: {  	s0 =	sor.u32 s1, s0  }
0xbc: {  	s0 =	sadd.s32 $0x8F2B, s0  }
0xbd: {  	[sflag:s0] =	ssyncadd.remote.s32 $0x1  }
0xbe: {  	_ =	sfence.sel $0xFFFF  }
0xbf: {  	[dreg:$0x0] =	wrdreg $0xFFFFFFFF;
	(pc) =	sbr.abs _section_cstart, $3  }
0xc0: {  	[dreg:$0x1] =	wrdreg $0xFFFFFFFF  }
0xc1: {  	_ =	task.clear_ibuf [dreg:s6], $0x2FFFF;
	_ =	strace $0x9FFFFFFF  }
0xc2: {  	(tm) =	ssettm $0x7FFFFFFF  }
0xc3: {  	_ =	shalt  }
tec
execute0_lowered:
.L_overlay_start_1:
0x0: {  	(tag) =	ssettag $0x1  }
0x1: {  	s5 =	rddreg [dreg:$0x0];
	s0 =	srdreg.scid  }
0x2: {  	s2 =	rddreg [dreg:$0x1];
	s1 =	stileid.u32;
	s4 =	simm.s32 $0x0  }
0x3: {  	s15 =	simm.s32 $0x2;
	s14 =	simm.s32 $0x9C8;
	p1 =	por $0x0, $0x0  }
0x4: {  	s3 =	sand.u32 $0x1, s0;
	s0 =	rddreg [dreg:$0x2];
	s7 =	sshll.u32 s1, $0x1  }
0x5: {  	s6 =	sshll.u32 s3, $0x5;
	s10 =	smul.u32 $0x4E20, s3;
	s3 =	ssub.s32 $0x2, s3  }
0x6: {  	s8 =	smul.u32 $0x2800, s1;
	[smem:$0x7FF] =	sst s4;
	s12 =	sshrl.u32 s3, $0x1  }
0x7: {  	s18 =	sadd.s32 $0x14500, s5;
	p0 =	seq.s32 s1, $0xF;
	s12 =	ssub.s32 s3, s12  }
0x8: {  	_ =	strace $0x80000047;
	s13 =	simm.s32 @p0 $0x0;
	s31 =	smax.u32 s12, $0x1  }
0x9: {  	s6 =	sor.u32 s7, s6;
	s9 =	sshrl.u32 s8, $0x3;
	s23 =	sadd.s32 $0xFFFFFFFF, s31  }
0xa: {  	s7 =	sadd.s32 $0x14A00, s5;
	s6 =	smul.u32 $0x139, s6;
	p2 =	sne.s32 s23, $0x0  }
.Ltmp0:
0xb: {  	s11 =	sadd.s32 s9, s5;
	s10 =	sadd.s32 s10, s5;
	(pc) =	sbr.rel @!p2 .LBB2_1-.Ltmp0, $4  }
0xc: {  	s3 =	sadd.s32 s8, s2;
	s17 =	sadd.s32 $0xFA00, s11;
	s11 =	simm.s32 $0x1390  }
0xd: {  	s12 =	simm.s32 $0x9C4;
	s6 =	sadd.s32 s6, s5;
	s5 =	sadd.s32 $0x25800, s2  }
0xe: {  	s16 =	sadd.s32 $0xAA00, s6;
	s6 =	sadd.s32 $0x15E00, s10;
	s10 =	simm.s32 $0x1  }
0xf: {  	s8 =	sadd.s32 @p0 $0x4B00, s6;
	s6 =	sadd.s32 @!p0 s9, s6;
	s9 =	simm.s32 @p0 $0x2  }
0x10: {  	s19 =	simm.s32 @p0 $0xAFD0  }
0x11: {  	[tilespmem:s19], [sflag:$0x2] =	stream.linear.gather @p0 [hbm4b:s18+s13], $0x1900, $0x38;
	[tilespmem:$0xFEE0] =	vst v63  }
0x12: {  	_ =	swait.ge @p0 [sflag:s9], $0x1900  }
0x13: {  	[sflag:s9] =	ssyncset.done @p0 $0x0  }
0x14: {  	[sflag:s9] =	ssyncadd.s32 @p0 $0xFFFFE700  }
0x15: {  	[spmem:s5] =	stream.linear.scatter @p0 [tilespmem:s19], [sflag:$0x2], $0x1900, $0x38;
	[tilespmem:$0xFEE0] =	vst v63  }
0x16: {  	_ =	swait.ge @p0 [sflag:s9], $0x1900  }
0x17: {  	s20 =	simm.s32 @!p0 $0x2;
	[sflag:s9] =	ssyncset.done @p0 $0x0  }
0x18: {  	s21 =	simm.s32 @!p0 $0x0;
	s22 =	simm.s32 @!p0 $0xAFD0;
	[sflag:s9] =	ssyncadd.s32 @p0 $0xFFFFE700  }
0x19: {  	[tilespmem:s22], [sflag:$0x2] =	stream.linear.gather @!p0 [hbm4b:s17+s21], $0x2800, $0x38;
	[tilespmem:$0xFEE0] =	vst v63  }
0x1a: {  	_ =	swait.ge @!p0 [sflag:s20], $0x2800  }
0x1b: {  	[sflag:s20] =	ssyncset.done @!p0 $0x0  }
0x1c: {  	[sflag:s20] =	ssyncadd.s32 @!p0 $0xFFFFD800  }
0x1d: {  	[spmem:s3] =	stream.linear.scatter @!p0 [tilespmem:s22], [sflag:$0x2], $0x2800, $0x38;
	[tilespmem:$0xFEE0] =	vst v63  }
0x1e: {  	_ =	swait.ge @!p0 [sflag:s20], $0x2800  }
0x1f: {  	[sflag:s20] =	ssyncset.done @!p0 $0x0  }
0x20: {  	[sflag:s20] =	ssyncadd.s32 @!p0 $0xFFFFD800  }
0x21: {  	[bflag:$0x0] =	sbarrier.arrive $0xFFFF  }
0x22: {  	[tilespmem:s4], [sflag:$0x2] =	stream.linear.gather [hbm4b:s16+s4], $0x1390, $0x38;
	[tilespmem:$0xFEE0] =	vst v63  }
0x23: {  	_ =	swait.ge [sflag:s15], $0x1390  }
0x24: {  	[sflag:s15] =	ssyncset.done $0x0  }
0x25: {  	[sflag:s15] =	ssyncadd.s32 $0xFFFFEC70  }
0x26: {  	[tilespmem:s11], [sflag:$0x2] =	stream.linear.gather [hbm4b:s7+s4], $0x9C40, $0x38;
	[tilespmem:$0xFEE0] =	vst v63  }
0x27: {  	_ =	swait.ge [sflag:s15], $0x9C40  }
0x28: {  	[sflag:s15] =	ssyncset.done $0x0  }
0x29: {  	[sflag:s15] =	ssyncadd.s32 $0xFFFF63C0  }
0x2a: {  	[spmem:s2] =	stream.indirect.scatter.add.f32 [tilespmem:s11], [sflag:$0x1], $0x10, s4, s12, $0xb8;
	[tilespmem:$0xFEE0] =	vst v63  }
0x2b: {  	_ =	swait.ge [sflag:s10], $0x9C40  }
0x2c: {  	[sflag:s10] =	ssyncset.done $0x0  }
0x2d: {  	[sflag:s10] =	ssyncadd.s32 $0xFFFF63C0  }
0x2e: {  	[spmem:s2] =	stream.indirect.scatter.add.f32 [tilespmem:s11], [sflag:$0x1], $0x10, s14, s12, $0xb8;
	[tilespmem:$0xFEE0] =	vst v63  }
0x2f: {  	_ =	swait.ge [sflag:s10], $0x9C40  }
0x30: {  	[sflag:s10] =	ssyncset.done $0x0  }
0x31: {  	[sflag:s10] =	ssyncadd.s32 $0xFFFF63C0  }
0x32: {  	[bflag:$0x0] =	sbarrier.arrive $0xFFFF  }
0x33: {  	[tilespmem:s19], [sflag:$0x2] =	stream.linear.gather @p0 [spmem:s5], $0x1900, $0x38;
	[tilespmem:$0xFEE0] =	vst v63  }
0x34: {  	_ =	swait.ge @p0 [sflag:s9], $0x1900  }
0x35: {  	[sflag:s9] =	ssyncset.done @p0 $0x0  }
0x36: {  	[sflag:s9] =	ssyncadd.s32 @p0 $0xFFFFE700  }
0x37: {  	[hbm4b:s8+s13] =	stream.linear.scatter @p0 [tilespmem:s19], [sflag:$0x2], $0x1900, $0x38;
	[tilespmem:$0xFEE0] =	vst v63  }
0x38: {  	_ =	swait.ge @p0 [sflag:s9], $0x1900  }
0x39: {  	[sflag:s9] =	ssyncset.done @p0 $0x0  }
0x3a: {  	s23 =	sadd.s32 $0xFFFFFFFF, s23;
	[sflag:s9] =	ssyncadd.s32 @p0 $0xFFFFE700  }
0x3b: {  	[tilespmem:s22], [sflag:$0x2] =	stream.linear.gather @!p0 [spmem:s3], $0x2800, $0x38;
	[tilespmem:$0xFEE0] =	vst v63  }
0x3c: {  	p2 =	sne.s32 s23, $0x0;
	_ =	swait.ge @!p0 [sflag:s20], $0x2800  }
.Ltmp1:
0x3d: {  	[sflag:s20] =	ssyncset.done @!p0 $0x0;
	(pc) =	sbr.rel @!p2 .LBB2_4-.Ltmp1, $4  }
0x3e: {  	[sflag:s20] =	ssyncadd.s32 @!p0 $0xFFFFD800  }
0x3f: {  	[hbm4b:s6+s21] =	stream.linear.scatter @!p0 [tilespmem:s22], [sflag:$0x2], $0x2800, $0x38;
	[tilespmem:$0xFEE0] =	vst v63  }
0x40: {  	_ =	swait.ge @!p0 [sflag:s20], $0x2800  }
0x41: {  	p1 =	por $0x1, $0x1;
	[sflag:s20] =	ssyncset.done @!p0 $0x0  }
.LBB2_3:
0x42: {  	s24 =	simm.s32 @p0 $0x0;
	[sflag:s20] =	ssyncadd.s32 @!p0 $0xFFFFD800  }
0x43: {  	[tilespmem:s19], [sflag:$0x2] =	stream.linear.gather @p0 [hbm4b:s18+s13], $0x1900, $0x38;
	[tilespmem:$0xFEE0] =	vst v63  }
0x44: {  	s23 =	sadd.s32 $0xFFFFFFFF, s23;
	_ =	swait.ge @p0 [sflag:s9], $0x1900  }
0x45: {  	p2 =	sne.s32 s23, $0x0;
	[sflag:s9] =	ssyncset.done @p0 $0x0  }
0x46: {  	[sflag:s9] =	ssyncadd.s32 @p0 $0xFFFFE700  }
0x47: {  	[spmem:s5] =	stream.linear.scatter @p0 [tilespmem:s19], [sflag:$0x2], $0x1900, $0x38;
	[tilespmem:$0xFEE0] =	vst v63  }
0x48: {  	_ =	swait.ge @p0 [sflag:s9], $0x1900  }
0x49: {  	[sflag:s9] =	ssyncset.done @p0 $0x0  }
0x4a: {  	[sflag:s9] =	ssyncadd.s32 @p0 $0xFFFFE700  }
0x4b: {  	[tilespmem:s22], [sflag:$0x2] =	stream.linear.gather @!p0 [hbm4b:s17+s21], $0x2800, $0x38;
	[tilespmem:$0xFEE0] =	vst v63  }
0x4c: {  	_ =	swait.ge @!p0 [sflag:s20], $0x2800  }
0x4d: {  	[sflag:s20] =	ssyncset.done @!p0 $0x0  }
0x4e: {  	[sflag:s20] =	ssyncadd.s32 @!p0 $0xFFFFD800  }
0x4f: {  	[spmem:s3] =	stream.linear.scatter @!p0 [tilespmem:s22], [sflag:$0x2], $0x2800, $0x38;
	[tilespmem:$0xFEE0] =	vst v63  }
0x50: {  	_ =	swait.ge @!p0 [sflag:s20], $0x2800  }
0x51: {  	[sflag:s20] =	ssyncset.done @!p0 $0x0  }
0x52: {  	[sflag:s20] =	ssyncadd.s32 @!p0 $0xFFFFD800  }
0x53: {  	[bflag:$0x0] =	sbarrier.arrive $0xFFFF  }
0x54: {  	[tilespmem:s4], [sflag:$0x2] =	stream.linear.gather [hbm4b:s16+s4], $0x1390, $0x38;
	[tilespmem:$0xFEE0] =	vst v63  }
0x55: {  	_ =	swait.ge [sflag:s15], $0x1390  }
0x56: {  	[sflag:s15] =	ssyncset.done $0x0  }
0x57: {  	[sflag:s15] =	ssyncadd.s32 $0xFFFFEC70  }
0x58: {  	[tilespmem:s11], [sflag:$0x2] =	stream.linear.gather [hbm4b:s7+s4], $0x9C40, $0x38;
	[tilespmem:$0xFEE0] =	vst v63  }
0x59: {  	_ =	swait.ge [sflag:s15], $0x9C40  }
0x5a: {  	[sflag:s15] =	ssyncset.done $0x0  }
0x5b: {  	[sflag:s15] =	ssyncadd.s32 $0xFFFF63C0  }
0x5c: {  	[spmem:s2] =	stream.indirect.scatter.add.f32 [tilespmem:s11], [sflag:$0x1], $0x10, s4, s12, $0xb8;
	[tilespmem:$0xFEE0] =	vst v63  }
0x5d: {  	_ =	swait.ge [sflag:s10], $0x9C40  }
0x5e: {  	[sflag:s10] =	ssyncset.done $0x0  }
0x5f: {  	[sflag:s10] =	ssyncadd.s32 $0xFFFF63C0  }
0x60: {  	[spmem:s2] =	stream.indirect.scatter.add.f32 [tilespmem:s11], [sflag:$0x1], $0x10, s14, s12, $0xb8;
	[tilespmem:$0xFEE0] =	vst v63  }
0x61: {  	_ =	swait.ge [sflag:s10], $0x9C40  }
0x62: {  	[sflag:s10] =	ssyncset.done $0x0  }
0x63: {  	[sflag:s10] =	ssyncadd.s32 $0xFFFF63C0  }
0x64: {  	[bflag:$0x0] =	sbarrier.arrive $0xFFFF  }
0x65: {  	[tilespmem:s19], [sflag:$0x2] =	stream.linear.gather @p0 [spmem:s5], $0x1900, $0x38;
	[tilespmem:$0xFEE0] =	vst v63  }
0x66: {  	_ =	swait.ge @p0 [sflag:s9], $0x1900  }
0x67: {  	[sflag:s9] =	ssyncset.done @p0 $0x0  }
0x68: {  	[sflag:s9] =	ssyncadd.s32 @p0 $0xFFFFE700  }
0x69: {  	[hbm4b:s8+s13] =	stream.linear.scatter @p0 [tilespmem:s19], [sflag:$0x2], $0x1900, $0x38;
	[tilespmem:$0xFEE0] =	vst v63  }
0x6a: {  	s13 =	smov.u32 s24;
	_ =	swait.ge @p0 [sflag:s9], $0x1900  }
0x6b: {  	[sflag:s9] =	ssyncset.done @p0 $0x0  }
0x6c: {  	[sflag:s9] =	ssyncadd.s32 @p0 $0xFFFFE700  }
0x6d: {  	[tilespmem:s22], [sflag:$0x2] =	stream.linear.gather @!p0 [spmem:s3], $0x2800, $0x38;
	[tilespmem:$0xFEE0] =	vst v63  }
0x6e: {  	_ =	swait.ge @!p0 [sflag:s20], $0x2800  }
.Ltmp2:
0x6f: {  	[sflag:s20] =	ssyncset.done @!p0 $0x0;
	(pc) =	sbr.rel @p2 .LBB2_3-.Ltmp2, $4  }
0x70: {  	[sflag:s20] =	ssyncadd.s32 @!p0 $0xFFFFD800  }
0x71: {  	[hbm4b:s6+s21] =	stream.linear.scatter @!p0 [tilespmem:s22], [sflag:$0x2], $0x2800, $0x38;
	[tilespmem:$0xFEE0] =	vst v63  }
0x72: {  	_ =	swait.ge @!p0 [sflag:s20], $0x2800  }
0x73: {  	[sflag:s20] =	ssyncset.done @!p0 $0x0  }
.LBB2_4:
0x74: {  	p1 =	por p0, !p1  }
0x75: {  	s19 =	simm.s32 @p0 $0xAFD0;
	[sflag:s20] =	ssyncadd.s32 @!p1 $0xFFFFD800  }
0x76: {  	[tilespmem:s19], [sflag:$0x2] =	stream.linear.gather @p0 [hbm4b:s18+s13], $0x1900, $0x38;
	[tilespmem:$0xFEE0] =	vst v63  }
0x77: {  	_ =	swait.ge @p0 [sflag:s9], $0x1900  }
0x78: {  	[sflag:s9] =	ssyncset.done @p0 $0x0  }
0x79: {  	[sflag:s9] =	ssyncadd.s32 @p0 $0xFFFFE700  }
0x7a: {  	[spmem:s5] =	stream.linear.scatter @p0 [tilespmem:s19], [sflag:$0x2], $0x1900, $0x38;
	[tilespmem:$0xFEE0] =	vst v63  }
0x7b: {  	_ =	swait.ge @p0 [sflag:s9], $0x1900  }
0x7c: {  	s21 =	simm.s32 @!p0 $0xAFD0;
	[sflag:s9] =	ssyncset.done @p0 $0x0  }
0x7d: {  	s20 =	simm.s32 @!p0 $0x0;
	s18 =	simm.s32 @!p0 $0x2;
	[sflag:s9] =	ssyncadd.s32 @p0 $0xFFFFE700  }
0x7e: {  	[tilespmem:s21], [sflag:$0x2] =	stream.linear.gather @!p0 [hbm4b:s17+s20], $0x2800, $0x38;
	[tilespmem:$0xFEE0] =	vst v63  }
0x7f: {  	_ =	swait.ge @!p0 [sflag:s18], $0x2800  }
0x80: {  	[sflag:s18] =	ssyncset.done @!p0 $0x0  }
0x81: {  	[sflag:s18] =	ssyncadd.s32 @!p0 $0xFFFFD800  }
0x82: {  	[spmem:s3] =	stream.linear.scatter @!p0 [tilespmem:s21], [sflag:$0x2], $0x2800, $0x38;
	[tilespmem:$0xFEE0] =	vst v63  }
0x83: {  	_ =	swait.ge @!p0 [sflag:s18], $0x2800  }
0x84: {  	[sflag:s18] =	ssyncset.done @!p0 $0x0  }
0x85: {  	[sflag:s18] =	ssyncadd.s32 @!p0 $0xFFFFD800  }
0x86: {  	[bflag:$0x0] =	sbarrier.arrive $0xFFFF  }
0x87: {  	[tilespmem:s4], [sflag:$0x2] =	stream.linear.gather [hbm4b:s16+s4], $0x1390, $0x38;
	[tilespmem:$0xFEE0] =	vst v63  }
0x88: {  	_ =	swait.ge [sflag:s15], $0x1390  }
0x89: {  	[sflag:s15] =	ssyncset.done $0x0  }
0x8a: {  	[sflag:s15] =	ssyncadd.s32 $0xFFFFEC70  }
0x8b: {  	[tilespmem:s11], [sflag:$0x2] =	stream.linear.gather [hbm4b:s7+s4], $0x9C40, $0x38;
	[tilespmem:$0xFEE0] =	vst v63  }
0x8c: {  	_ =	swait.ge [sflag:s15], $0x9C40  }
0x8d: {  	[sflag:s15] =	ssyncset.done $0x0  }
0x8e: {  	[sflag:s15] =	ssyncadd.s32 $0xFFFF63C0  }
0x8f: {  	[spmem:s2] =	stream.indirect.scatter.add.f32 [tilespmem:s11], [sflag:$0x1], $0x10, s4, s12, $0xb8;
	[tilespmem:$0xFEE0] =	vst v63  }
0x90: {  	_ =	swait.ge [sflag:s10], $0x9C40  }
0x91: {  	[sflag:s10] =	ssyncset.done $0x0  }
0x92: {  	[sflag:s10] =	ssyncadd.s32 $0xFFFF63C0  }
0x93: {  	[spmem:s2] =	stream.indirect.scatter.add.f32 [tilespmem:s11], [sflag:$0x1], $0x10, s14, s12, $0xb8;
	[tilespmem:$0xFEE0] =	vst v63  }
0x94: {  	_ =	swait.ge [sflag:s10], $0x9C40  }
0x95: {  	[sflag:s10] =	ssyncset.done $0x0  }
0x96: {  	[sflag:s10] =	ssyncadd.s32 $0xFFFF63C0  }
0x97: {  	[bflag:$0x0] =	sbarrier.arrive $0xFFFF  }
0x98: {  	[tilespmem:s19], [sflag:$0x2] =	stream.linear.gather @p0 [spmem:s5], $0x1900, $0x38;
	[tilespmem:$0xFEE0] =	vst v63  }
0x99: {  	_ =	swait.ge @p0 [sflag:s9], $0x1900  }
0x9a: {  	[sflag:s9] =	ssyncset.done @p0 $0x0  }
0x9b: {  	[sflag:s9] =	ssyncadd.s32 @p0 $0xFFFFE700  }
0x9c: {  	[hbm4b:s8+s13] =	stream.linear.scatter @p0 [tilespmem:s19], [sflag:$0x2], $0x1900, $0x38;
	[tilespmem:$0xFEE0] =	vst v63  }
0x9d: {  	_ =	swait.ge @p0 [sflag:s9], $0x1900  }
0x9e: {  	[sflag:s9] =	ssyncset.done @p0 $0x0  }
0x9f: {  	[sflag:s9] =	ssyncadd.s32 @p0 $0xFFFFE700  }
0xa0: {  	[tilespmem:s21], [sflag:$0x2] =	stream.linear.gather @!p0 [spmem:s3], $0x2800, $0x38;
	[tilespmem:$0xFEE0] =	vst v63  }
0xa1: {  	_ =	swait.ge @!p0 [sflag:s18], $0x2800  }
0xa2: {  	[sflag:s18] =	ssyncset.done @!p0 $0x0  }
0xa3: {  	[sflag:s18] =	ssyncadd.s32 @!p0 $0xFFFFD800  }
0xa4: {  	[hbm4b:s6+s20] =	stream.linear.scatter @!p0 [tilespmem:s21], [sflag:$0x2], $0x2800, $0x38;
	[tilespmem:$0xFEE0] =	vst v63  }
0xa5: {  	_ =	swait.ge @!p0 [sflag:s18], $0x2800  }
0xa6: {  	[sflag:s18] =	ssyncset.done @!p0 $0x0  }
0xa7: {  	[sflag:s18] =	ssyncadd.s32 @!p0 $0xFFFFD800  }
0xa8: {  	_ =	sfence.sel $0x180000  }
0xa9: {  	[bflag:$0x0] =	sbarrier.arrive $0xFFFF  }
0xaa: {  	p0 =	sne.s32 s1, $0x0;
	_ =	strace $0x90000047  }
0xab: {  	s0 =	sadd.s32 @!p0 $0x100000, s0;
	[bflag:$0x2] =	sbarrier.arrive $0xFFFF  }
0xac: {  	[sflag:s0] =	ssyncadd.tile.s32 @!p0 $0x1;
	_ =	shalt  }
.LBB2_1:
.Ltmp3:
0xad: {  	(pc) =	sbr.rel .LBB2_4-.Ltmp3, $2  }
0xae: {  	_ =	sdelay $0x2  }
0xaf: {  	_ = 	snop  }
.Lfunc_end2:
_tile_overlayer_lowered:
.L_overlay_start_2:
0xb0: {  	(tag) =	ssettag $0x2  }
0xb1: {  	s0 =	rddreg [dreg:$0x0];
	s2 =	stileid.u32  }
0xb2: {  	s1 =	rddreg [dreg:$0x1];
	p0 =	sne.s32 s2, $0x0  }
0xb3: {  	s3 =	rddreg [dreg:$0x2];
	[bflag:$0x3] =	sbarrier.arrive $0xFFFF;
	s2 =	simm.s32 @!p0 $0x1C02  }
0xb4: {  	[timem:s3], [sflag:s2] =	dma.local @!p0 [hbm:s0], s1  }
0xb5: {  	s0 =	simm.s32 @!p0 $0x2  }
0xb6: {  	_ =	swait.ge @!p0 [sflag:s0], s1  }
0xb7: {  	s1 =	ssub.s32 @!p0 $0x0, s1;
	[sflag:s0] =	ssyncset.done @!p0 $0x0  }
0xb8: {  	[sflag:s0] =	ssyncadd.s32 @!p0 s1  }
0xb9: {  	[bflag:$0x3] =	sbarrier.arrive $0xFFFF  }
0xba: {  	_ =	shalt  }

// kernel: kernel.9.cloned.1.call-start
scs
__scs_entry_jumppad:
0x0: {  	(pc) =	sbr.rel $0x88, $3  }
0x1: {  	(tag) =	ssettag $0x0;
	lr =	simm.s32 $0x1  }
0x2: {  	[smem:$0x3F9C] =	sst lr;
	_ =	strace $0xD0000000  }
0x3: {  	_ = 	snop  }
0x4: {  	_ = 	snop  }
0x5: {  	_ = 	snop  }
0x6: {  	_ = 	snop  }
0x7: {  	_ = 	snop  }
__scs_overlays_trampoline_lowered:
0x8: {  	[smem:$0x3FAB] =	sst s0  }
0x9: {  	[smem:$0x3FAC] =	sst s1  }
0xa: {  	[smem:$0x3FAD] =	sst s2  }
0xb: {  	[smem:$0x3FAE] =	sst s3  }
0xc: {  	[smem:$0x3FAF] =	sst s4  }
0xd: {  	[smem:$0x3FB0] =	sst s5  }
0xe: {  	[smem:$0x3FB1] =	sst s6  }
0xf: {  	[smem:$0x3FB2] =	sst s7  }
0x10: {  	[smem:$0x3FB3] =	sst s8  }
0x11: {  	[smem:$0x3FB4] =	sst s9;
	s0 =	simm.s32 @!p0 $0x0  }
0x12: {  	s1 =	sld [smem:$0x3F9A];
	s0 =	simm.s32 @p0 $0x1  }
0x13: {  	[smem:$0x3FB5] =	sst s0;
	s0 =	simm.s32 @!p1 $0x0  }
0x14: {  	s2 =	sld [smem:$0x3F99];
	s0 =	simm.s32 @p1 $0x1  }
0x15: {  	[smem:$0x3FB6] =	sst s0;
	s0 =	simm.s32 @!p2 $0x0  }
0x16: {  	s3 =	sld [smem:$0x3FDB];
	s0 =	simm.s32 @p2 $0x1  }
0x17: {  	s4 =	simm.s32 $0x1BF5;
	[smem:$0x3FB8] =	sst s0  }
0x18: {  	s0 =	sld [smem:$0x3F9B];
	_ =	swait.ge [sflag:s4], $0x0  }
0x19: {  	s7 =	sld [smem:$0x3F9C]  }
0x1a: {  	s8 =	sadd.s32 $0xFFFFE003, lr  }
0x1b: {  	s9 =	sadd.s32 $0xFFFFFEF7, lr;
	s5 =	simm.s32 $0xFFFFFFFF;
	p2 =	slt.u32 s8, $0xFFFFF086  }
0x1c: {  	p1 =	slt.u32 s9, $0xF7A;
	s5 =	simm.s32 @!p2 $0x0  }
0x1d: {  	s5 =	simm.s32 @p1 $0x1;
	p0 =	seq.s32 s7, s2  }
0x1e: {  	s7 =	smul.u32 @!p0 $0xF7A, s2;
	p2 =	seq.s32 @!p0 s5, $0x0  }
0x1f: {  	s9 =	smul.u32 $0xF7A, s1;
	s8 =	simm.s32 @!p0 $0x1BF5;
	p2 =	por !p2, p0  }
0x20: {  	[sflag:s8] =	ssyncset.s32 @!p0 $0xFFFFF086;
	s6 =	sadd.s32 @!p0 s3, s7;
	s7 =	simm.s32 @!p0 $0x108  }
0x21: {  	s3 =	sadd.s32 s3, s9;
	s6 =	sadd.s32 @!p0 $0x88, s6;
	s7 =	simm.s32 @p2 $0x1082  }
0x22: {  	[simem:s7], [sflag:s8] =	dma.local @!p0 [hbm:s6], $0xF7A  }
0x23: {  	s9 =	sor.u32 $0xD0000000, s2;
	s6 =	simm.s32 $0x108;
	_ =	swait.ge @!p0 [sflag:s8], $0x0  }
0x24: {  	s3 =	sadd.s32 $0x88, s3;
	s6 =	simm.s32 @!p1 $0x1082;
	[sflag:s4] =	ssyncset.s32 $0xFFFFF086  }
0x25: {  	[simem:s6], [sflag:s4] =	dma.local [hbm:s3], $0xF7A  }
0x26: {  	[smem:$0x3F9C] =	sst s1;
	(tag) =	ssettag s2;
	_ =	strace s9  }
0x27: {  	s1 =	sld [smem:$0x3FAC]  }
0x28: {  	s2 =	sld [smem:$0x3FAD]  }
0x29: {  	s4 =	sld [smem:$0x3FAF]  }
0x2a: {  	p0 =	seq.s32 s5, $0x0;
	s5 =	sld [smem:$0x3FB0]  }
0x2b: {  	s6 =	sld [smem:$0x3FB1]  }
0x2c: {  	s7 =	sld [smem:$0x3FB2]  }
0x2d: {  	s3 =	simm.s32 $0x108;
	s8 =	sld [smem:$0x3FB3]  }
0x2e: {  	s3 =	simm.s32 @!p0 $0x1082;
	s9 =	sld [smem:$0x3FB4]  }
0x2f: {  	lr =	sadd.s32 s0, s3;
	s0 =	sld [smem:$0x3FAB]  }
0x30: {  	s3 =	sld [smem:$0x3FAE]  }
0x31: {  	[smem:$0x3FB7] =	sst s10  }
0x32: {  	s10 =	sld [smem:$0x3FB5];
	_ =	sdelay $0x3  }
0x33: {  	p0 =	seq.s32 s10, $0x1;
	s10 =	sld [smem:$0x3FB7];
	_ =	sdelay $0x3  }
0x34: {  	[smem:$0x3FB7] =	sst s10  }
0x35: {  	s10 =	sld [smem:$0x3FB6];
	_ =	sdelay $0x3  }
0x36: {  	p1 =	seq.s32 s10, $0x1;
	s10 =	sld [smem:$0x3FB7];
	_ =	sdelay $0x3  }
0x37: {  	[smem:$0x3FB7] =	sst s10  }
0x38: {  	s10 =	sld [smem:$0x3FB8]  }
0x39: {  	_ = 	snop;
	(pc) =	sbr.ind lr, $3  }
0x3a: {  	_ = 	snop  }
0x3b: {  	_ = 	snop  }
0x3c: {  	p2 =	seq.s32 s10, $0x1;
	s10 =	sld [smem:$0x3FB7]  }
0x3d: {  	_ =	shalt  }
0x3e: {  	_ =	shalt  }
0x3f: {  	_ =	shalt  }
0x40: {  	_ =	shalt  }
0x41: {  	_ =	shalt  }
0x42: {  	_ =	shalt  }
0x43: {  	_ =	shalt  }
0x44: {  	_ =	shalt  }
0x45: {  	_ =	shalt  }
0x46: {  	_ =	shalt  }
0x47: {  	_ =	shalt  }
0x48: {  	_ =	shalt  }
0x49: {  	_ =	shalt  }
0x4a: {  	_ =	shalt  }
0x4b: {  	_ =	shalt  }
0x4c: {  	_ =	shalt  }
0x4d: {  	_ =	shalt  }
0x4e: {  	_ =	shalt  }
0x4f: {  	_ =	shalt  }
0x50: {  	_ =	shalt  }
0x51: {  	_ =	shalt  }
0x52: {  	_ =	shalt  }
0x53: {  	_ =	shalt  }
0x54: {  	_ =	shalt  }
0x55: {  	_ =	shalt  }
0x56: {  	_ =	shalt  }
0x57: {  	_ =	shalt  }
0x58: {  	_ =	shalt  }
0x59: {  	_ =	shalt  }
0x5a: {  	_ =	shalt  }
0x5b: {  	_ =	shalt  }
0x5c: {  	_ =	shalt  }
0x5d: {  	_ =	shalt  }
0x5e: {  	_ =	shalt  }
0x5f: {  	_ =	shalt  }
0x60: {  	_ =	shalt  }
0x61: {  	_ =	shalt  }
0x62: {  	_ =	shalt  }
0x63: {  	_ =	shalt  }
0x64: {  	_ =	shalt  }
0x65: {  	_ =	shalt  }
0x66: {  	_ =	shalt  }
0x67: {  	_ =	shalt  }
0x68: {  	_ =	shalt  }
0x69: {  	_ =	shalt  }
0x6a: {  	_ =	shalt  }
0x6b: {  	_ =	shalt  }
0x6c: {  	_ =	shalt  }
0x6d: {  	_ =	shalt  }
0x6e: {  	_ =	shalt  }
0x6f: {  	_ =	shalt  }
0x70: {  	_ =	shalt  }
0x71: {  	_ =	shalt  }
0x72: {  	_ =	shalt  }
0x73: {  	_ =	shalt  }
0x74: {  	_ =	shalt  }
0x75: {  	_ =	shalt  }
0x76: {  	_ =	shalt  }
0x77: {  	_ =	shalt  }
0x78: {  	_ =	shalt  }
0x79: {  	_ =	shalt  }
0x7a: {  	_ =	shalt  }
0x7b: {  	_ =	shalt  }
0x7c: {  	_ =	shalt  }
0x7d: {  	_ =	shalt  }
0x7e: {  	_ =	shalt  }
0x7f: {  	_ =	shalt  }
0x80: {  	_ =	shalt  }
0x81: {  	_ =	shalt  }
0x82: {  	_ =	shalt  }
0x83: {  	_ =	shalt  }
0x84: {  	_ =	shalt  }
0x85: {  	_ =	shalt  }
0x86: {  	_ =	shalt  }
0x87: {  	_ =	shalt  }
.Lfunc_end0:
.L_simem_size_0:
called_computation.1_lowered:
.L_overlay_start_0:
0x88: {  	s2 =	sld [smem:$0x3FD9]  }
0x89: {  	s3 =	sld [smem:$0x3FFE];
	_ =	sdelay $0x1  }
0x8a: {  	s1 =	srdreg.scid  }
0x8b: {  	s0 =	sand.u32 $0x1, s1  }
0x8c: {  	s16 =	sshll.u32 s0, $0xA;
	s2 =	sadd.s32 s3, s2  }
0x8d: {  	s2 =	sadd.s32 s2, s16  }
0x8e: {  	[smem:$0x3FC3] =	sst s2  }
0x8f: {  	_ = 	snop  }
0x90: {  	(tm) =	ssettm $0x1  }
0x91: {  	s17 =	sld [smem:$0x3FFB];
	_ =	sdelay $0x3  }
0x92: {  	_ =	strace s17  }
0x93: {  	s2 =	sld [smem:$0x3FFC];
	_ =	sdelay $0x3  }
0x94: {  	_ =	strace s2  }
0x95: {  	s2 =	sld [smem:$0x3FFD];
	_ =	sdelay $0x3  }
0x96: {  	_ =	strace s2  }
0x97: {  	_ =	strace $0x8FFFFFFF  }
0x98: {  	s18 =	sld [smem:$0x3FDB];
	_ =	sdelay $0x1  }
0x99: {  	s19 =	simm.s32 $_scs_section_size  }
0x9a: {  	s4 =	simm.s32 $_size__tile_overlayer_lowered;
	s5 =	simm.s32 $_tile_overlayer_lowered  }
0x9b: {  	s22 =	simm.s32 $0x1BFF;
	s21 =	sshll.u32 s5, $0x1;
	s2 =	sadd.s32 s19, s18  }
0x9c: {  	s6 =	simm.s32 $0x0;
	s20 =	sshll.u32 s4, $0x1;
	s4 =	sadd.s32 s21, s2  }
0x9d: {  	[timem:s6], [sflag:s22] =	dma.local [hbm:s4], s20  }
0x9e: {  	_ =	swait.ge [sflag:s22], s20  }
0x9f: {  	s3 =	ssub.s32 $0x0, s20;
	[sflag:s22] =	ssyncset.done $0x0  }
0xa0: {  	[sflag:s22] =	ssyncadd.s32 s3;
	_ =	sdelay $0x1  }
0xa1: {  	s23 =	simm.s32 $0x1B8B  }
0xa2: {  	_ =	swait.ge [sflag:s23], $0x1  }
0xa3: {  	[sflag:s23] =	ssyncset.done $0x0  }
0xa4: {  	s25 =	simm.s32 $0x1B8E;
	s24 =	sld [smem:$0x3FFE];
	[sflag:s23] =	ssyncadd.s32 $0xFFFFFFFF  }
0xa5: {  	s26 =	simm.s32 $execute0_lowered;
	[smem:$0x3FD2] =	sst s25  }
0xa6: {  	s4 =	sshll.u32 s26, $0x1;
	_ =	strace $0x80000049;
	[dreg:$0x1] =	wrdreg $0xFFFFFFFF  }
0xa7: {  	s28 =	simm.s32 $_size_execute0_lowered;
	s2 =	sadd.s32 s2, s4;
	[dreg:$0x0] =	wrdreg $0x0  }
0xa8: {  	s4 =	sshll.u32 s28, $0x1;
	[dreg:$0x2] =	wrdreg s2  }
0xa9: {  	[dreg:$0x3] =	wrdreg s4  }
0xaa: {  	[dreg:$0x4] =	wrdreg $0xC0  }
0xab: {  	_ =	task [dreg:s6], $0x5FFFF  }
0xac: {  	[dreg:$0x1] =	wrdreg $0xFFFFFFFF  }
0xad: {  	[dreg:$0x0] =	wrdreg $0x60  }
0xae: {  	[dreg:$0x2] =	wrdreg s24  }
0xaf: {  	[dreg:$0x3] =	wrdreg $0x198200  }
0xb0: {  	[dreg:$0x4] =	wrdreg $0x9  }
0xb1: {  	_ =	task.clear_ibuf [dreg:s6], $0x5FFFF;
	_ =	strace $0x90000049  }
0xb2: {  	s29 =	simm.s32 $0x9;
	_ =	strace $0x8000004B  }
0xb3: {  	_ =	swait.ge [sflag:s29], $0x1  }
0xb4: {  	[sflag:s29] =	ssyncadd.s32 $0xFFFFFFFF  }
0xb5: {  	_ =	strace $0x9000004B  }
0xb6: {  	_ =	sfence  }
0xb7: {  	s30 =	sld [smem:$0x0];
	_ =	sdelay $0x2  }
0xb8: {  	s31 =	sshll.u32 s1, $0xD;
	s1 =	sshrl.u32 s1, $0x2  }
0xb9: {  	s3 =	sand.u32 $0x4000, s31;
	s1 =	sadd.s32 s1, s30  }
0xba: {  	s0 =	sor.u32 s3, s0;
	s1 =	sshll.u32 s1, $0x11  }
0xbb: {  	s0 =	sor.u32 s1, s0  }
0xbc: {  	s0 =	sadd.s32 $0x8F2B, s0  }
0xbd: {  	[sflag:s0] =	ssyncadd.remote.s32 $0x1  }
0xbe: {  	_ =	sfence.sel $0xFFFF  }
0xbf: {  	[dreg:$0x0] =	wrdreg $0xFFFFFFFF;
	(pc) =	sbr.abs _section_cstart, $3  }
0xc0: {  	[dreg:$0x1] =	wrdreg $0xFFFFFFFF  }
0xc1: {  	_ =	task.clear_ibuf [dreg:s6], $0x2FFFF;
	_ =	strace $0x9FFFFFFF  }
0xc2: {  	(tm) =	ssettm $0x7FFFFFFF  }
0xc3: {  	_ =	shalt  }
tec
execute0_lowered:
.L_overlay_start_1:
0x0: {  	(tag) =	ssettag $0x1  }
0x1: {  	s0 =	rddreg [dreg:$0x0]  }
0x2: {  	s2 =	rddreg [dreg:$0x1]  }
0x3: {  	s30 =	rddreg [dreg:$0x2];
	s1 =	stileid.u32  }
0x4: {  	s3 =	srdreg.scid;
	s21 =	simm.s32 $0x0;
	s15 =	simm.s32 $0x7D0  }
0x5: {  	s16 =	simm.s32 $0x2AF8;
	s17 =	simm.s32 $0xBB8;
	s18 =	simm.s32 $0x2EE0  }
0x6: {  	s23 =	simm.s32 $0x5;
	s19 =	simm.s32 $0xFA0;
	[smem:$0x7FF] =	sst s21  }
0x7: {  	s22 =	simm.s32 $0x2710;
	_ =	strace $0x8000004A;
	[dreg:$0x7] =	wrdreg s15  }
0x8: {  	s20 =	simm.s32 $0x32C8;
	s24 =	simm.s32 $0x1388;
	[dreg:$0x8] =	wrdreg s16  }
0x9: {  	s9 =	simm.s32 $0x4E20;
	s25 =	simm.s32 $0x36B0;
	[dreg:$0x9] =	wrdreg s17  }
0xa: {  	s26 =	simm.s32 $0x1770;
	s12 =	simm.s32 $0x1;
	[dreg:$0xa] =	wrdreg s18  }
0xb: {  	s28 =	simm.s32 $0x3A98;
	s8 =	simm.s32 $0x3;
	[dreg:$0xb] =	wrdreg s19  }
0xc: {  	s29 =	simm.s32 $0x1B58;
	s13 =	simm.s32 $0x2;
	[dreg:$0xc] =	wrdreg s20  }
0xd: {  	s11 =	simm.s32 $0x4;
	p1 =	por $0x0, $0x0;
	[dreg:$0xd] =	wrdreg s24  }
0xe: {  	s4 =	smul.u32 $0x4E2, s1;
	s3 =	sand.u32 $0x1, s3;
	[dreg:$0xe] =	wrdreg s25  }
0xf: {  	s7 =	smul.u32 $0x5000, s1;
	p0 =	seq.s32 s1, $0xF;
	[dreg:$0xf] =	wrdreg s26  }
0x10: {  	s5 =	smul.u32 $0x9C40, s3;
	s3 =	ssub.s32 $0x2, s3;
	[dreg:$0x10] =	wrdreg s28  }
0x11: {  	[dreg:$0x11] =	wrdreg s29;
	s20 =	simm.s32 $0x3E80;
	s19 =	simm.s32 $0x1F40  }
0x12: {  	s18 =	simm.s32 $0x4268;
	s17 =	simm.s32 $0x2328;
	s6 =	sshrl.u32 s3, $0x1  }
0x13: {  	s16 =	simm.s32 $0x4650;
	s4 =	sadd.s32 s4, s0;
	s6 =	ssub.s32 s3, s6  }
0x14: {  	s10 =	sshrl.u32 s7, $0x3;
	s0 =	sadd.s32 s5, s0;
	s15 =	smax.u32 s6, $0x1  }
0x15: {  	s14 =	sadd.s32 $0xA00, s4;
	s4 =	sadd.s32 $0x5A00, s4;
	s31 =	sadd.s32 $0xFFFFFFFF, s15  }
0x16: {  	s3 =	sadd.s32 s7, s2;
	s7 =	simm.s32 $0xCB20;
	p2 =	sne.s32 s31, $0x0  }
.Ltmp0:
0x17: {  	[dreg:$0x3] =	wrdreg s14;
	s5 =	sadd.s32 $0xAA00, s0;
	(pc) =	sbr.rel @!p2 .LBB2_1-.Ltmp0, $4  }
0x18: {  	[dreg:$0x4] =	wrdreg s4;
	s14 =	sadd.s32 $0x1E400, s0;
	s6 =	simm.s32 $0x3E8  }
0x19: {  	s4 =	sadd.s32 @p0 $0x9600, s5;
	s15 =	simm.s32 $0x4A38;
	s0 =	rddreg [dreg:$0x3]  }
0x1a: {  	[dreg:$0x6] =	wrdreg s4;
	s4 =	sadd.s32 @!p0 s10, s5;
	s10 =	sadd.s32 @!p0 s10, s14  }
0x1b: {  	s14 =	sadd.s32 @p0 $0x9600, s14;
	[dreg:$0x5] =	wrdreg s4;
	s4 =	sadd.s32 $0x4B000, s2  }
0x1c: {  	[tilespmem:s21], [sflag:$0x5] =	stream.linear.gather [hbm4b:s0+s21], $0x2710, $0x38;
	[tilespmem:$0x1E640] =	vst v63  }
0x1d: {  	_ =	swait.ge [sflag:s23], $0x2710  }
0x1e: {  	[sflag:s23] =	ssyncset.done $0x0  }
0x1f: {  	s26 =	rddreg [dreg:$0x4];
	[sflag:s23] =	ssyncadd.s32 $0xFFFFD8F0  }
0x20: {  	[tilespmem:s22], [sflag:$0x5] =	stream.linear.gather [hbm4b:s26+s21], $0x2710, $0x38;
	[tilespmem:$0x1E640] =	vst v63  }
0x21: {  	_ =	swait.ge [sflag:s23], $0x2710  }
0x22: {  	s24 =	simm.s32 @p0 $0x5;
	s25 =	simm.s32 @p0 $0x0;
	[sflag:s23] =	ssyncset.done $0x0  }
0x23: {  	s26 =	simm.s32 @p0 $0x14820;
	s0 =	rddreg [dreg:$0x6];
	[sflag:s23] =	ssyncadd.s32 $0xFFFFD8F0  }
0x24: {  	[tilespmem:s26], [sflag:$0x5] =	stream.linear.gather @p0 [hbm4b:s0+s25], $0x3200, $0x38;
	[tilespmem:$0x1E640] =	vst v63  }
0x25: {  	_ =	swait.ge @p0 [sflag:s24], $0x3200  }
0x26: {  	[sflag:s24] =	ssyncset.done @p0 $0x0  }
0x27: {  	[sflag:s24] =	ssyncadd.s32 @p0 $0xFFFFCE00  }
0x28: {  	[spmem:s4] =	stream.linear.scatter @p0 [tilespmem:s26], [sflag:$0x5], $0x3200, $0x38;
	[tilespmem:$0x1E640] =	vst v63  }
0x29: {  	_ =	swait.ge @p0 [sflag:s24], $0x3200  }
0x2a: {  	s28 =	simm.s32 @!p0 $0x5;
	s29 =	simm.s32 @!p0 $0x0;
	[sflag:s24] =	ssyncset.done @p0 $0x0  }
0x2b: {  	s30 =	simm.s32 @!p0 $0x14820;
	s0 =	rddreg [dreg:$0x5];
	[sflag:s24] =	ssyncadd.s32 @p0 $0xFFFFCE00  }
0x2c: {  	[tilespmem:s30], [sflag:$0x5] =	stream.linear.gather @!p0 [hbm4b:s0+s29], $0x5000, $0x38;
	[tilespmem:$0x1E640] =	vst v63  }
0x2d: {  	_ =	swait.ge @!p0 [sflag:s28], $0x5000  }
0x2e: {  	[sflag:s28] =	ssyncset.done @!p0 $0x0  }
0x2f: {  	[sflag:s28] =	ssyncadd.s32 @!p0 $0xFFFFB000  }
0x30: {  	[spmem:s3] =	stream.linear.scatter @!p0 [tilespmem:s30], [sflag:$0x5], $0x5000, $0x38;
	[tilespmem:$0x1E640] =	vst v63  }
0x31: {  	_ =	swait.ge @!p0 [sflag:s28], $0x5000  }
0x32: {  	[sflag:s28] =	ssyncset.done @!p0 $0x0  }
0x33: {  	[sflag:s28] =	ssyncadd.s32 @!p0 $0xFFFFB000  }
0x34: {  	[tilespmem:s9], [sflag:$0x1] =	stream.indirect.gather [hbm4b:s5+s6], $0x20, s21, s6, $0xb8;
	[tilespmem:$0x1E640] =	vst v63  }
0x35: {  	[bflag:$0x0] =	sbarrier.arrive $0xFFFF  }
0x36: {  	[tilespmem:s7], [sflag:$0x2] =	stream.indirect.gather [hbm4b:s5+s6], $0x20, s6, s6, $0xb8;
	[tilespmem:$0x1E640] =	vst v63  }
0x37: {  	_ =	swait.ge [sflag:s12], $0x7D00  }
0x38: {  	[sflag:s12] =	ssyncset.done $0x0  }
0x39: {  	[sflag:s12] =	ssyncadd.s32 $0xFFFF8300  }
0x3a: {  	[spmem:s2] =	stream.indirect.scatter.add.f32 [tilespmem:s9], [sflag:$0x3], $0x20, s22, s6, $0xb8;
	[tilespmem:$0x1E640] =	vst v63  }
0x3b: {  	_ =	swait.ge [sflag:s8], $0x7D00  }
0x3c: {  	[sflag:s8] =	ssyncset.done $0x0  }
0x3d: {  	s0 =	rddreg [dreg:$0x7];
	[sflag:s8] =	ssyncadd.s32 $0xFFFF8300  }
0x3e: {  	[tilespmem:s9], [sflag:$0x1] =	stream.indirect.gather [hbm4b:s5+s6], $0x20, s0, s6, $0xb8;
	[tilespmem:$0x1E640] =	vst v63  }
0x3f: {  	_ =	swait.ge [sflag:s13], $0x7D00  }
0x40: {  	[sflag:s13] =	ssyncset.done $0x0  }
0x41: {  	s0 =	rddreg [dreg:$0x8];
	[sflag:s13] =	ssyncadd.s32 $0xFFFF8300  }
0x42: {  	[spmem:s2] =	stream.indirect.scatter.add.f32 [tilespmem:s7], [sflag:$0x4], $0x20, s0, s6, $0xb8;
	[tilespmem:$0x1E640] =	vst v63  }
0x43: {  	_ =	swait.ge [sflag:s11], $0x7D00  }
0x44: {  	[sflag:s11] =	ssyncset.done $0x0  }
0x45: {  	s0 =	rddreg [dreg:$0x9];
	[sflag:s11] =	ssyncadd.s32 $0xFFFF8300  }
0x46: {  	[tilespmem:s7], [sflag:$0x2] =	stream.indirect.gather [hbm4b:s5+s6], $0x20, s0, s6, $0xb8;
	[tilespmem:$0x1E640] =	vst v63  }
0x47: {  	_ =	swait.ge [sflag:s12], $0x7D00  }
0x48: {  	[sflag:s12] =	ssyncset.done $0x0  }
0x49: {  	s0 =	rddreg [dreg:$0xa];
	[sflag:s12] =	ssyncadd.s32 $0xFFFF8300  }
0x4a: {  	[spmem:s2] =	stream.indirect.scatter.add.f32 [tilespmem:s9], [sflag:$0x3], $0x20, s0, s6, $0xb8;
	[tilespmem:$0x1E640] =	vst v63  }
0x4b: {  	_ =	swait.ge [sflag:s8], $0x7D00  }
0x4c: {  	[sflag:s8] =	ssyncset.done $0x0  }
0x4d: {  	s0 =	rddreg [dreg:$0xb];
	[sflag:s8] =	ssyncadd.s32 $0xFFFF8300  }
0x4e: {  	[tilespmem:s9], [sflag:$0x1] =	stream.indirect.gather [hbm4b:s5+s6], $0x20, s0, s6, $0xb8;
	[tilespmem:$0x1E640] =	vst v63  }
0x4f: {  	_ =	swait.ge [sflag:s13], $0x7D00  }
0x50: {  	[sflag:s13] =	ssyncset.done $0x0  }
0x51: {  	s0 =	rddreg [dreg:$0xc];
	[sflag:s13] =	ssyncadd.s32 $0xFFFF8300  }
0x52: {  	[spmem:s2] =	stream.indirect.scatter.add.f32 [tilespmem:s7], [sflag:$0x4], $0x20, s0, s6, $0xb8;
	[tilespmem:$0x1E640] =	vst v63  }
0x53: {  	_ =	swait.ge [sflag:s11], $0x7D00  }
0x54: {  	[sflag:s11] =	ssyncset.done $0x0  }
0x55: {  	s0 =	rddreg [dreg:$0xd];
	[sflag:s11] =	ssyncadd.s32 $0xFFFF8300  }
0x56: {  	[tilespmem:s7], [sflag:$0x2] =	stream.indirect.gather [hbm4b:s5+s6], $0x20, s0, s6, $0xb8;
	[tilespmem:$0x1E640] =	vst v63  }
0x57: {  	_ =	swait.ge [sflag:s12], $0x7D00  }
0x58: {  	[sflag:s12] =	ssyncset.done $0x0  }
0x59: {  	s0 =	rddreg [dreg:$0xe];
	[sflag:s12] =	ssyncadd.s32 $0xFFFF8300  }
0x5a: {  	[spmem:s2] =	stream.indirect.scatter.add.f32 [tilespmem:s9], [sflag:$0x3], $0x20, s0, s6, $0xb8;
	[tilespmem:$0x1E640] =	vst v63  }
0x5b: {  	_ =	swait.ge [sflag:s8], $0x7D00  }
0x5c: {  	[sflag:s8] =	ssyncset.done $0x0  }
0x5d: {  	s0 =	rddreg [dreg:$0xf];
	[sflag:s8] =	ssyncadd.s32 $0xFFFF8300  }
0x5e: {  	[tilespmem:s9], [sflag:$0x1] =	stream.indirect.gather [hbm4b:s5+s6], $0x20, s0, s6, $0xb8;
	[tilespmem:$0x1E640] =	vst v63  }
0x5f: {  	_ =	swait.ge [sflag:s13], $0x7D00  }
0x60: {  	[sflag:s13] =	ssyncset.done $0x0  }
0x61: {  	s0 =	rddreg [dreg:$0x10];
	[sflag:s13] =	ssyncadd.s32 $0xFFFF8300  }
0x62: {  	[spmem:s2] =	stream.indirect.scatter.add.f32 [tilespmem:s7], [sflag:$0x4], $0x20, s0, s6, $0xb8;
	[tilespmem:$0x1E640] =	vst v63  }
0x63: {  	_ =	swait.ge [sflag:s11], $0x7D00  }
0x64: {  	[sflag:s11] =	ssyncset.done $0x0  }
0x65: {  	s0 =	rddreg [dreg:$0x11];
	[sflag:s11] =	ssyncadd.s32 $0xFFFF8300  }
0x66: {  	[tilespmem:s7], [sflag:$0x2] =	stream.indirect.gather [hbm4b:s5+s6], $0x20, s0, s6, $0xb8;
	[tilespmem:$0x1E640] =	vst v63  }
0x67: {  	_ =	swait.ge [sflag:s12], $0x7D00  }
0x68: {  	[sflag:s12] =	ssyncset.done $0x0  }
0x69: {  	[sflag:s12] =	ssyncadd.s32 $0xFFFF8300  }
0x6a: {  	[spmem:s2] =	stream.indirect.scatter.add.f32 [tilespmem:s9], [sflag:$0x3], $0x20, s20, s6, $0xb8;
	[tilespmem:$0x1E640] =	vst v63  }
0x6b: {  	_ =	swait.ge [sflag:s8], $0x7D00  }
0x6c: {  	[sflag:s8] =	ssyncset.done $0x0  }
0x6d: {  	[sflag:s8] =	ssyncadd.s32 $0xFFFF8300  }
0x6e: {  	[tilespmem:s9], [sflag:$0x1] =	stream.indirect.gather [hbm4b:s5+s6], $0x20, s19, s6, $0xb8;
	[tilespmem:$0x1E640] =	vst v63  }
0x6f: {  	_ =	swait.ge [sflag:s13], $0x7D00  }
0x70: {  	[sflag:s13] =	ssyncset.done $0x0  }
0x71: {  	[sflag:s13] =	ssyncadd.s32 $0xFFFF8300  }
0x72: {  	[spmem:s2] =	stream.indirect.scatter.add.f32 [tilespmem:s7], [sflag:$0x4], $0x20, s18, s6, $0xb8;
	[tilespmem:$0x1E640] =	vst v63  }
0x73: {  	_ =	swait.ge [sflag:s11], $0x7D00  }
0x74: {  	[sflag:s11] =	ssyncset.done $0x0  }
0x75: {  	[sflag:s11] =	ssyncadd.s32 $0xFFFF8300  }
0x76: {  	[tilespmem:s7], [sflag:$0x2] =	stream.indirect.gather [hbm4b:s5+s6], $0x20, s17, s6, $0xb8;
	[tilespmem:$0x1E640] =	vst v63  }
0x77: {  	_ =	swait.ge [sflag:s12], $0x7D00  }
0x78: {  	[sflag:s12] =	ssyncset.done $0x0  }
0x79: {  	[sflag:s12] =	ssyncadd.s32 $0xFFFF8300  }
0x7a: {  	[spmem:s2] =	stream.indirect.scatter.add.f32 [tilespmem:s9], [sflag:$0x3], $0x20, s16, s6, $0xb8;
	[tilespmem:$0x1E640] =	vst v63  }
0x7b: {  	_ =	swait.ge [sflag:s13], $0x7D00  }
0x7c: {  	[sflag:s13] =	ssyncset.done $0x0  }
0x7d: {  	[sflag:s13] =	ssyncadd.s32 $0xFFFF8300  }
0x7e: {  	[spmem:s2] =	stream.indirect.scatter.add.f32 [tilespmem:s7], [sflag:$0x4], $0x20, s15, s6, $0xb8;
	[tilespmem:$0x1E640] =	vst v63  }
0x7f: {  	_ =	swait.ge [sflag:s11], $0x7D00  }
0x80: {  	[sflag:s11] =	ssyncset.done $0x0  }
0x81: {  	[sflag:s11] =	ssyncadd.s32 $0xFFFF8300  }
0x82: {  	_ =	swait.ge [sflag:s8], $0x7D00  }
0x83: {  	[sflag:s8] =	ssyncset.done $0x0  }
0x84: {  	[sflag:s8] =	ssyncadd.s32 $0xFFFF8300  }
0x85: {  	[bflag:$0x0] =	sbarrier.arrive $0xFFFF  }
0x86: {  	[tilespmem:s26], [sflag:$0x5] =	stream.linear.gather @p0 [spmem:s4], $0x3200, $0x38;
	[tilespmem:$0x1E640] =	vst v63  }
0x87: {  	_ =	swait.ge @p0 [sflag:s24], $0x3200  }
0x88: {  	[sflag:s24] =	ssyncset.done @p0 $0x0  }
0x89: {  	[sflag:s24] =	ssyncadd.s32 @p0 $0xFFFFCE00  }
0x8a: {  	[hbm4b:s14+s25] =	stream.linear.scatter @p0 [tilespmem:s26], [sflag:$0x5], $0x3200, $0x38;
	[tilespmem:$0x1E640] =	vst v63  }
0x8b: {  	_ =	swait.ge @p0 [sflag:s24], $0x3200  }
0x8c: {  	[sflag:s24] =	ssyncset.done @p0 $0x0  }
0x8d: {  	s31 =	sadd.s32 $0xFFFFFFFF, s31;
	[sflag:s24] =	ssyncadd.s32 @p0 $0xFFFFCE00  }
0x8e: {  	[tilespmem:s30], [sflag:$0x5] =	stream.linear.gather @!p0 [spmem:s3], $0x5000, $0x38;
	[tilespmem:$0x1E640] =	vst v63  }
0x8f: {  	p2 =	sne.s32 s31, $0x0;
	_ =	swait.ge @!p0 [sflag:s28], $0x5000  }
.Ltmp1:
0x90: {  	[sflag:s28] =	ssyncset.done @!p0 $0x0;
	(pc) =	sbr.rel @!p2 .LBB2_3-.Ltmp1, $4  }
0x91: {  	[sflag:s28] =	ssyncadd.s32 @!p0 $0xFFFFB000  }
0x92: {  	[hbm4b:s10+s29] =	stream.linear.scatter @!p0 [tilespmem:s30], [sflag:$0x5], $0x5000, $0x38;
	[tilespmem:$0x1E640] =	vst v63  }
0x93: {  	_ =	swait.ge @!p0 [sflag:s28], $0x5000  }
0x94: {  	p1 =	por $0x1, $0x1;
	s0 =	rddreg [dreg:$0x3];
	[sflag:s28] =	ssyncset.done @!p0 $0x0  }
.LBB2_4:
0x95: {  	[sflag:s28] =	ssyncadd.s32 @!p0 $0xFFFFB000  }
0x96: {  	[tilespmem:s21], [sflag:$0x5] =	stream.linear.gather [hbm4b:s0+s21], $0x2710, $0x38;
	[tilespmem:$0x1E640] =	vst v63  }
0x97: {  	_ =	swait.ge [sflag:s23], $0x2710  }
0x98: {  	[sflag:s23] =	ssyncset.done $0x0  }
0x99: {  	s0 =	rddreg [dreg:$0x4];
	[sflag:s23] =	ssyncadd.s32 $0xFFFFD8F0  }
0x9a: {  	[tilespmem:s22], [sflag:$0x5] =	stream.linear.gather [hbm4b:s0+s21], $0x2710, $0x38;
	[tilespmem:$0x1E640] =	vst v63  }
0x9b: {  	_ =	swait.ge [sflag:s23], $0x2710  }
0x9c: {  	[sflag:s23] =	ssyncset.done $0x0  }
0x9d: {  	s0 =	rddreg [dreg:$0x6];
	[sflag:s23] =	ssyncadd.s32 $0xFFFFD8F0  }
0x9e: {  	[tilespmem:s26], [sflag:$0x5] =	stream.linear.gather @p0 [hbm4b:s0+s25], $0x3200, $0x38;
	[tilespmem:$0x1E640] =	vst v63  }
0x9f: {  	_ =	swait.ge @p0 [sflag:s24], $0x3200  }
0xa0: {  	[sflag:s24] =	ssyncset.done @p0 $0x0  }
0xa1: {  	[sflag:s24] =	ssyncadd.s32 @p0 $0xFFFFCE00  }
0xa2: {  	[spmem:s4] =	stream.linear.scatter @p0 [tilespmem:s26], [sflag:$0x5], $0x3200, $0x38;
	[tilespmem:$0x1E640] =	vst v63  }
0xa3: {  	_ =	swait.ge @p0 [sflag:s24], $0x3200  }
0xa4: {  	[sflag:s24] =	ssyncset.done @p0 $0x0  }
0xa5: {  	s0 =	rddreg [dreg:$0x5];
	[sflag:s24] =	ssyncadd.s32 @p0 $0xFFFFCE00  }
0xa6: {  	[tilespmem:s30], [sflag:$0x5] =	stream.linear.gather @!p0 [hbm4b:s0+s29], $0x5000, $0x38;
	[tilespmem:$0x1E640] =	vst v63  }
0xa7: {  	_ =	swait.ge @!p0 [sflag:s28], $0x5000  }
0xa8: {  	[sflag:s28] =	ssyncset.done @!p0 $0x0  }
0xa9: {  	[sflag:s28] =	ssyncadd.s32 @!p0 $0xFFFFB000  }
0xaa: {  	[spmem:s3] =	stream.linear.scatter @!p0 [tilespmem:s30], [sflag:$0x5], $0x5000, $0x38;
	[tilespmem:$0x1E640] =	vst v63  }
0xab: {  	_ =	swait.ge @!p0 [sflag:s28], $0x5000  }
0xac: {  	[sflag:s28] =	ssyncset.done @!p0 $0x0  }
0xad: {  	[sflag:s28] =	ssyncadd.s32 @!p0 $0xFFFFB000  }
0xae: {  	[tilespmem:s9], [sflag:$0x1] =	stream.indirect.gather [hbm4b:s5+s6], $0x20, s21, s6, $0xb8;
	[tilespmem:$0x1E640] =	vst v63  }
0xaf: {  	[bflag:$0x0] =	sbarrier.arrive $0xFFFF  }
0xb0: {  	[tilespmem:s7], [sflag:$0x2] =	stream.indirect.gather [hbm4b:s5+s6], $0x20, s6, s6, $0xb8;
	[tilespmem:$0x1E640] =	vst v63  }
0xb1: {  	_ =	swait.ge [sflag:s12], $0x7D00  }
0xb2: {  	[sflag:s12] =	ssyncset.done $0x0  }
0xb3: {  	[sflag:s12] =	ssyncadd.s32 $0xFFFF8300  }
0xb4: {  	[spmem:s2] =	stream.indirect.scatter.add.f32 [tilespmem:s9], [sflag:$0x3], $0x20, s22, s6, $0xb8;
	[tilespmem:$0x1E640] =	vst v63  }
0xb5: {  	_ =	swait.ge [sflag:s8], $0x7D00  }
0xb6: {  	[sflag:s8] =	ssyncset.done $0x0  }
0xb7: {  	s0 =	rddreg [dreg:$0x7];
	[sflag:s8] =	ssyncadd.s32 $0xFFFF8300  }
0xb8: {  	[tilespmem:s9], [sflag:$0x1] =	stream.indirect.gather [hbm4b:s5+s6], $0x20, s0, s6, $0xb8;
	[tilespmem:$0x1E640] =	vst v63  }
0xb9: {  	_ =	swait.ge [sflag:s13], $0x7D00  }
0xba: {  	[sflag:s13] =	ssyncset.done $0x0  }
0xbb: {  	s0 =	rddreg [dreg:$0x8];
	[sflag:s13] =	ssyncadd.s32 $0xFFFF8300  }
0xbc: {  	[spmem:s2] =	stream.indirect.scatter.add.f32 [tilespmem:s7], [sflag:$0x4], $0x20, s0, s6, $0xb8;
	[tilespmem:$0x1E640] =	vst v63  }
0xbd: {  	_ =	swait.ge [sflag:s11], $0x7D00  }
0xbe: {  	[sflag:s11] =	ssyncset.done $0x0  }
0xbf: {  	s0 =	rddreg [dreg:$0x9];
	[sflag:s11] =	ssyncadd.s32 $0xFFFF8300  }
0xc0: {  	[tilespmem:s7], [sflag:$0x2] =	stream.indirect.gather [hbm4b:s5+s6], $0x20, s0, s6, $0xb8;
	[tilespmem:$0x1E640] =	vst v63  }
0xc1: {  	_ =	swait.ge [sflag:s12], $0x7D00  }
0xc2: {  	[sflag:s12] =	ssyncset.done $0x0  }
0xc3: {  	s0 =	rddreg [dreg:$0xa];
	[sflag:s12] =	ssyncadd.s32 $0xFFFF8300  }
0xc4: {  	[spmem:s2] =	stream.indirect.scatter.add.f32 [tilespmem:s9], [sflag:$0x3], $0x20, s0, s6, $0xb8;
	[tilespmem:$0x1E640] =	vst v63  }
0xc5: {  	_ =	swait.ge [sflag:s8], $0x7D00  }
0xc6: {  	[sflag:s8] =	ssyncset.done $0x0  }
0xc7: {  	s0 =	rddreg [dreg:$0xb];
	[sflag:s8] =	ssyncadd.s32 $0xFFFF8300  }
0xc8: {  	[tilespmem:s9], [sflag:$0x1] =	stream.indirect.gather [hbm4b:s5+s6], $0x20, s0, s6, $0xb8;
	[tilespmem:$0x1E640] =	vst v63  }
0xc9: {  	_ =	swait.ge [sflag:s13], $0x7D00  }
0xca: {  	[sflag:s13] =	ssyncset.done $0x0  }
0xcb: {  	s0 =	rddreg [dreg:$0xc];
	[sflag:s13] =	ssyncadd.s32 $0xFFFF8300  }
0xcc: {  	[spmem:s2] =	stream.indirect.scatter.add.f32 [tilespmem:s7], [sflag:$0x4], $0x20, s0, s6, $0xb8;
	[tilespmem:$0x1E640] =	vst v63  }
0xcd: {  	_ =	swait.ge [sflag:s11], $0x7D00  }
0xce: {  	[sflag:s11] =	ssyncset.done $0x0  }
0xcf: {  	s0 =	rddreg [dreg:$0xd];
	[sflag:s11] =	ssyncadd.s32 $0xFFFF8300  }
0xd0: {  	[tilespmem:s7], [sflag:$0x2] =	stream.indirect.gather [hbm4b:s5+s6], $0x20, s0, s6, $0xb8;
	[tilespmem:$0x1E640] =	vst v63  }
0xd1: {  	_ =	swait.ge [sflag:s12], $0x7D00  }
0xd2: {  	[sflag:s12] =	ssyncset.done $0x0  }
0xd3: {  	s0 =	rddreg [dreg:$0xe];
	[sflag:s12] =	ssyncadd.s32 $0xFFFF8300  }
0xd4: {  	[spmem:s2] =	stream.indirect.scatter.add.f32 [tilespmem:s9], [sflag:$0x3], $0x20, s0, s6, $0xb8;
	[tilespmem:$0x1E640] =	vst v63  }
0xd5: {  	_ =	swait.ge [sflag:s8], $0x7D00  }
0xd6: {  	[sflag:s8] =	ssyncset.done $0x0  }
0xd7: {  	s0 =	rddreg [dreg:$0xf];
	[sflag:s8] =	ssyncadd.s32 $0xFFFF8300  }
0xd8: {  	[tilespmem:s9], [sflag:$0x1] =	stream.indirect.gather [hbm4b:s5+s6], $0x20, s0, s6, $0xb8;
	[tilespmem:$0x1E640] =	vst v63  }
0xd9: {  	_ =	swait.ge [sflag:s13], $0x7D00  }
0xda: {  	[sflag:s13] =	ssyncset.done $0x0  }
0xdb: {  	s0 =	rddreg [dreg:$0x10];
	[sflag:s13] =	ssyncadd.s32 $0xFFFF8300  }
0xdc: {  	[spmem:s2] =	stream.indirect.scatter.add.f32 [tilespmem:s7], [sflag:$0x4], $0x20, s0, s6, $0xb8;
	[tilespmem:$0x1E640] =	vst v63  }
0xdd: {  	_ =	swait.ge [sflag:s11], $0x7D00  }
0xde: {  	[sflag:s11] =	ssyncset.done $0x0  }
0xdf: {  	s0 =	rddreg [dreg:$0x11];
	[sflag:s11] =	ssyncadd.s32 $0xFFFF8300  }
0xe0: {  	[tilespmem:s7], [sflag:$0x2] =	stream.indirect.gather [hbm4b:s5+s6], $0x20, s0, s6, $0xb8;
	[tilespmem:$0x1E640] =	vst v63  }
0xe1: {  	_ =	swait.ge [sflag:s12], $0x7D00  }
0xe2: {  	[sflag:s12] =	ssyncset.done $0x0  }
0xe3: {  	[sflag:s12] =	ssyncadd.s32 $0xFFFF8300  }
0xe4: {  	[spmem:s2] =	stream.indirect.scatter.add.f32 [tilespmem:s9], [sflag:$0x3], $0x20, s20, s6, $0xb8;
	[tilespmem:$0x1E640] =	vst v63  }
0xe5: {  	_ =	swait.ge [sflag:s8], $0x7D00  }
0xe6: {  	[sflag:s8] =	ssyncset.done $0x0  }
0xe7: {  	[sflag:s8] =	ssyncadd.s32 $0xFFFF8300  }
0xe8: {  	[tilespmem:s9], [sflag:$0x1] =	stream.indirect.gather [hbm4b:s5+s6], $0x20, s19, s6, $0xb8;
	[tilespmem:$0x1E640] =	vst v63  }
0xe9: {  	_ =	swait.ge [sflag:s13], $0x7D00  }
0xea: {  	[sflag:s13] =	ssyncset.done $0x0  }
0xeb: {  	[sflag:s13] =	ssyncadd.s32 $0xFFFF8300  }
0xec: {  	[spmem:s2] =	stream.indirect.scatter.add.f32 [tilespmem:s7], [sflag:$0x4], $0x20, s18, s6, $0xb8;
	[tilespmem:$0x1E640] =	vst v63  }
0xed: {  	_ =	swait.ge [sflag:s11], $0x7D00  }
0xee: {  	[sflag:s11] =	ssyncset.done $0x0  }
0xef: {  	[sflag:s11] =	ssyncadd.s32 $0xFFFF8300  }
0xf0: {  	[tilespmem:s7], [sflag:$0x2] =	stream.indirect.gather [hbm4b:s5+s6], $0x20, s17, s6, $0xb8;
	[tilespmem:$0x1E640] =	vst v63  }
0xf1: {  	_ =	swait.ge [sflag:s12], $0x7D00  }
0xf2: {  	[sflag:s12] =	ssyncset.done $0x0  }
0xf3: {  	[sflag:s12] =	ssyncadd.s32 $0xFFFF8300  }
0xf4: {  	[spmem:s2] =	stream.indirect.scatter.add.f32 [tilespmem:s9], [sflag:$0x3], $0x20, s16, s6, $0xb8;
	[tilespmem:$0x1E640] =	vst v63  }
0xf5: {  	_ =	swait.ge [sflag:s13], $0x7D00  }
0xf6: {  	[sflag:s13] =	ssyncset.done $0x0  }
0xf7: {  	[sflag:s13] =	ssyncadd.s32 $0xFFFF8300  }
0xf8: {  	[spmem:s2] =	stream.indirect.scatter.add.f32 [tilespmem:s7], [sflag:$0x4], $0x20, s15, s6, $0xb8;
	[tilespmem:$0x1E640] =	vst v63  }
0xf9: {  	_ =	swait.ge [sflag:s11], $0x7D00  }
0xfa: {  	[sflag:s11] =	ssyncset.done $0x0  }
0xfb: {  	[sflag:s11] =	ssyncadd.s32 $0xFFFF8300  }
0xfc: {  	_ =	swait.ge [sflag:s8], $0x7D00  }
0xfd: {  	[sflag:s8] =	ssyncset.done $0x0  }
0xfe: {  	[sflag:s8] =	ssyncadd.s32 $0xFFFF8300  }
0xff: {  	[bflag:$0x0] =	sbarrier.arrive $0xFFFF  }
0x100: {  	[tilespmem:s26], [sflag:$0x5] =	stream.linear.gather @p0 [spmem:s4], $0x3200, $0x38;
	[tilespmem:$0x1E640] =	vst v63  }
0x101: {  	_ =	swait.ge @p0 [sflag:s24], $0x3200  }
0x102: {  	[sflag:s24] =	ssyncset.done @p0 $0x0  }
0x103: {  	[sflag:s24] =	ssyncadd.s32 @p0 $0xFFFFCE00  }
0x104: {  	[hbm4b:s14+s25] =	stream.linear.scatter @p0 [tilespmem:s26], [sflag:$0x5], $0x3200, $0x38;
	[tilespmem:$0x1E640] =	vst v63  }
0x105: {  	_ =	swait.ge @p0 [sflag:s24], $0x3200  }
0x106: {  	[sflag:s24] =	ssyncset.done @p0 $0x0  }
0x107: {  	s31 =	sadd.s32 $0xFFFFFFFF, s31;
	[sflag:s24] =	ssyncadd.s32 @p0 $0xFFFFCE00  }
0x108: {  	[tilespmem:s30], [sflag:$0x5] =	stream.linear.gather @!p0 [spmem:s3], $0x5000, $0x38;
	[tilespmem:$0x1E640] =	vst v63  }
0x109: {  	p2 =	sne.s32 s31, $0x0;
	_ =	swait.ge @!p0 [sflag:s28], $0x5000  }
.Ltmp2:
0x10a: {  	[sflag:s28] =	ssyncset.done @!p0 $0x0;
	(pc) =	sbr.rel @p2 .LBB2_4-.Ltmp2, $4  }
0x10b: {  	[sflag:s28] =	ssyncadd.s32 @!p0 $0xFFFFB000  }
0x10c: {  	[hbm4b:s10+s29] =	stream.linear.scatter @!p0 [tilespmem:s30], [sflag:$0x5], $0x5000, $0x38;
	[tilespmem:$0x1E640] =	vst v63  }
0x10d: {  	_ =	swait.ge @!p0 [sflag:s28], $0x5000  }
0x10e: {  	s0 =	rddreg [dreg:$0x3];
	[sflag:s28] =	ssyncset.done @!p0 $0x0  }
0x10f: {  	s30 =	rddreg [dreg:$0x2]  }
.LBB2_6:
0x110: {  	p1 =	por p0, !p1  }
0x111: {  	[sflag:s28] =	ssyncadd.s32 @!p1 $0xFFFFB000  }
0x112: {  	[tilespmem:s21], [sflag:$0x5] =	stream.linear.gather [hbm4b:s0+s21], $0x2710, $0x38;
	[tilespmem:$0x1E640] =	vst v63  }
0x113: {  	_ =	swait.ge [sflag:s23], $0x2710  }
0x114: {  	[sflag:s23] =	ssyncset.done $0x0  }
0x115: {  	s31 =	rddreg [dreg:$0x4];
	[sflag:s23] =	ssyncadd.s32 $0xFFFFD8F0  }
0x116: {  	[tilespmem:s22], [sflag:$0x5] =	stream.linear.gather [hbm4b:s31+s21], $0x2710, $0x38;
	[tilespmem:$0x1E640] =	vst v63  }
0x117: {  	_ =	swait.ge [sflag:s23], $0x2710  }
0x118: {  	s24 =	simm.s32 @p0 $0x0;
	s25 =	simm.s32 @p0 $0x14820;
	[sflag:s23] =	ssyncset.done $0x0  }
0x119: {  	s0 =	rddreg [dreg:$0x6];
	[sflag:s23] =	ssyncadd.s32 $0xFFFFD8F0;
	s23 =	simm.s32 @p0 $0x5  }
0x11a: {  	[tilespmem:s25], [sflag:$0x5] =	stream.linear.gather @p0 [hbm4b:s0+s24], $0x3200, $0x38;
	[tilespmem:$0x1E640] =	vst v63  }
0x11b: {  	_ =	swait.ge @p0 [sflag:s23], $0x3200  }
0x11c: {  	[sflag:s23] =	ssyncset.done @p0 $0x0  }
0x11d: {  	[sflag:s23] =	ssyncadd.s32 @p0 $0xFFFFCE00  }
0x11e: {  	[spmem:s4] =	stream.linear.scatter @p0 [tilespmem:s25], [sflag:$0x5], $0x3200, $0x38;
	[tilespmem:$0x1E640] =	vst v63  }
0x11f: {  	_ =	swait.ge @p0 [sflag:s23], $0x3200  }
0x120: {  	s29 =	simm.s32 @!p0 $0x14820;
	s26 =	simm.s32 @!p0 $0x5;
	[sflag:s23] =	ssyncset.done @p0 $0x0  }
0x121: {  	s28 =	simm.s32 @!p0 $0x0;
	s0 =	rddreg [dreg:$0x5];
	[sflag:s23] =	ssyncadd.s32 @p0 $0xFFFFCE00  }
0x122: {  	[tilespmem:s29], [sflag:$0x5] =	stream.linear.gather @!p0 [hbm4b:s0+s28], $0x5000, $0x38;
	[tilespmem:$0x1E640] =	vst v63  }
0x123: {  	_ =	swait.ge @!p0 [sflag:s26], $0x5000  }
0x124: {  	[sflag:s26] =	ssyncset.done @!p0 $0x0  }
0x125: {  	[sflag:s26] =	ssyncadd.s32 @!p0 $0xFFFFB000  }
0x126: {  	[spmem:s3] =	stream.linear.scatter @!p0 [tilespmem:s29], [sflag:$0x5], $0x5000, $0x38;
	[tilespmem:$0x1E640] =	vst v63  }
0x127: {  	_ =	swait.ge @!p0 [sflag:s26], $0x5000  }
0x128: {  	[sflag:s26] =	ssyncset.done @!p0 $0x0  }
0x129: {  	[sflag:s26] =	ssyncadd.s32 @!p0 $0xFFFFB000  }
0x12a: {  	[tilespmem:s9], [sflag:$0x1] =	stream.indirect.gather [hbm4b:s5+s6], $0x20, s21, s6, $0xb8;
	[tilespmem:$0x1E640] =	vst v63  }
0x12b: {  	[bflag:$0x0] =	sbarrier.arrive $0xFFFF  }
0x12c: {  	[tilespmem:s7], [sflag:$0x2] =	stream.indirect.gather [hbm4b:s5+s6], $0x20, s6, s6, $0xb8;
	[tilespmem:$0x1E640] =	vst v63  }
0x12d: {  	_ =	swait.ge [sflag:s12], $0x7D00  }
0x12e: {  	[sflag:s12] =	ssyncset.done $0x0  }
0x12f: {  	[sflag:s12] =	ssyncadd.s32 $0xFFFF8300  }
0x130: {  	[spmem:s2] =	stream.indirect.scatter.add.f32 [tilespmem:s9], [sflag:$0x3], $0x20, s22, s6, $0xb8;
	[tilespmem:$0x1E640] =	vst v63  }
0x131: {  	_ =	swait.ge [sflag:s8], $0x7D00  }
0x132: {  	[sflag:s8] =	ssyncset.done $0x0  }
0x133: {  	s22 =	rddreg [dreg:$0x7];
	[sflag:s8] =	ssyncadd.s32 $0xFFFF8300  }
0x134: {  	[tilespmem:s9], [sflag:$0x1] =	stream.indirect.gather [hbm4b:s5+s6], $0x20, s22, s6, $0xb8;
	[tilespmem:$0x1E640] =	vst v63  }
0x135: {  	_ =	swait.ge [sflag:s13], $0x7D00  }
0x136: {  	[sflag:s13] =	ssyncset.done $0x0  }
0x137: {  	s31 =	rddreg [dreg:$0x8];
	[sflag:s13] =	ssyncadd.s32 $0xFFFF8300  }
0x138: {  	[spmem:s2] =	stream.indirect.scatter.add.f32 [tilespmem:s7], [sflag:$0x4], $0x20, s31, s6, $0xb8;
	[tilespmem:$0x1E640] =	vst v63  }
0x139: {  	_ =	swait.ge [sflag:s11], $0x7D00  }
0x13a: {  	[sflag:s11] =	ssyncset.done $0x0  }
0x13b: {  	s21 =	rddreg [dreg:$0x9];
	[sflag:s11] =	ssyncadd.s32 $0xFFFF8300  }
0x13c: {  	[tilespmem:s7], [sflag:$0x2] =	stream.indirect.gather [hbm4b:s5+s6], $0x20, s21, s6, $0xb8;
	[tilespmem:$0x1E640] =	vst v63  }
0x13d: {  	_ =	swait.ge [sflag:s12], $0x7D00  }
0x13e: {  	[sflag:s12] =	ssyncset.done $0x0  }
0x13f: {  	s22 =	rddreg [dreg:$0xa];
	[sflag:s12] =	ssyncadd.s32 $0xFFFF8300  }
0x140: {  	[spmem:s2] =	stream.indirect.scatter.add.f32 [tilespmem:s9], [sflag:$0x3], $0x20, s22, s6, $0xb8;
	[tilespmem:$0x1E640] =	vst v63  }
0x141: {  	_ =	swait.ge [sflag:s8], $0x7D00  }
0x142: {  	[sflag:s8] =	ssyncset.done $0x0  }
0x143: {  	s31 =	rddreg [dreg:$0xb];
	[sflag:s8] =	ssyncadd.s32 $0xFFFF8300  }
0x144: {  	[tilespmem:s9], [sflag:$0x1] =	stream.indirect.gather [hbm4b:s5+s6], $0x20, s31, s6, $0xb8;
	[tilespmem:$0x1E640] =	vst v63  }
0x145: {  	_ =	swait.ge [sflag:s13], $0x7D00  }
0x146: {  	[sflag:s13] =	ssyncset.done $0x0  }
0x147: {  	s21 =	rddreg [dreg:$0xc];
	[sflag:s13] =	ssyncadd.s32 $0xFFFF8300  }
0x148: {  	[spmem:s2] =	stream.indirect.scatter.add.f32 [tilespmem:s7], [sflag:$0x4], $0x20, s21, s6, $0xb8;
	[tilespmem:$0x1E640] =	vst v63  }
0x149: {  	_ =	swait.ge [sflag:s11], $0x7D00  }
0x14a: {  	[sflag:s11] =	ssyncset.done $0x0  }
0x14b: {  	s22 =	rddreg [dreg:$0xd];
	[sflag:s11] =	ssyncadd.s32 $0xFFFF8300  }
0x14c: {  	[tilespmem:s7], [sflag:$0x2] =	stream.indirect.gather [hbm4b:s5+s6], $0x20, s22, s6, $0xb8;
	[tilespmem:$0x1E640] =	vst v63  }
0x14d: {  	_ =	swait.ge [sflag:s12], $0x7D00  }
0x14e: {  	[sflag:s12] =	ssyncset.done $0x0  }
0x14f: {  	s31 =	rddreg [dreg:$0xe];
	[sflag:s12] =	ssyncadd.s32 $0xFFFF8300  }
0x150: {  	[spmem:s2] =	stream.indirect.scatter.add.f32 [tilespmem:s9], [sflag:$0x3], $0x20, s31, s6, $0xb8;
	[tilespmem:$0x1E640] =	vst v63  }
0x151: {  	_ =	swait.ge [sflag:s8], $0x7D00  }
0x152: {  	[sflag:s8] =	ssyncset.done $0x0  }
0x153: {  	s21 =	rddreg [dreg:$0xf];
	[sflag:s8] =	ssyncadd.s32 $0xFFFF8300  }
0x154: {  	[tilespmem:s9], [sflag:$0x1] =	stream.indirect.gather [hbm4b:s5+s6], $0x20, s21, s6, $0xb8;
	[tilespmem:$0x1E640] =	vst v63  }
0x155: {  	_ =	swait.ge [sflag:s13], $0x7D00  }
0x156: {  	[sflag:s13] =	ssyncset.done $0x0  }
0x157: {  	s22 =	rddreg [dreg:$0x10];
	[sflag:s13] =	ssyncadd.s32 $0xFFFF8300  }
0x158: {  	[spmem:s2] =	stream.indirect.scatter.add.f32 [tilespmem:s7], [sflag:$0x4], $0x20, s22, s6, $0xb8;
	[tilespmem:$0x1E640] =	vst v63  }
0x159: {  	_ =	swait.ge [sflag:s11], $0x7D00  }
0x15a: {  	[sflag:s11] =	ssyncset.done $0x0  }
0x15b: {  	s31 =	rddreg [dreg:$0x11];
	[sflag:s11] =	ssyncadd.s32 $0xFFFF8300  }
0x15c: {  	[tilespmem:s7], [sflag:$0x2] =	stream.indirect.gather [hbm4b:s5+s6], $0x20, s31, s6, $0xb8;
	[tilespmem:$0x1E640] =	vst v63  }
0x15d: {  	_ =	swait.ge [sflag:s12], $0x7D00  }
0x15e: {  	[sflag:s12] =	ssyncset.done $0x0  }
0x15f: {  	[sflag:s12] =	ssyncadd.s32 $0xFFFF8300  }
0x160: {  	[spmem:s2] =	stream.indirect.scatter.add.f32 [tilespmem:s9], [sflag:$0x3], $0x20, s20, s6, $0xb8;
	[tilespmem:$0x1E640] =	vst v63  }
0x161: {  	_ =	swait.ge [sflag:s8], $0x7D00  }
0x162: {  	[sflag:s8] =	ssyncset.done $0x0  }
0x163: {  	[sflag:s8] =	ssyncadd.s32 $0xFFFF8300  }
0x164: {  	[tilespmem:s9], [sflag:$0x1] =	stream.indirect.gather [hbm4b:s5+s6], $0x20, s19, s6, $0xb8;
	[tilespmem:$0x1E640] =	vst v63  }
0x165: {  	_ =	swait.ge [sflag:s13], $0x7D00  }
0x166: {  	[sflag:s13] =	ssyncset.done $0x0  }
0x167: {  	[sflag:s13] =	ssyncadd.s32 $0xFFFF8300  }
0x168: {  	[spmem:s2] =	stream.indirect.scatter.add.f32 [tilespmem:s7], [sflag:$0x4], $0x20, s18, s6, $0xb8;
	[tilespmem:$0x1E640] =	vst v63  }
0x169: {  	_ =	swait.ge [sflag:s11], $0x7D00  }
0x16a: {  	[sflag:s11] =	ssyncset.done $0x0  }
0x16b: {  	[sflag:s11] =	ssyncadd.s32 $0xFFFF8300  }
0x16c: {  	[tilespmem:s7], [sflag:$0x2] =	stream.indirect.gather [hbm4b:s5+s6], $0x20, s17, s6, $0xb8;
	[tilespmem:$0x1E640] =	vst v63  }
0x16d: {  	_ =	swait.ge [sflag:s12], $0x7D00  }
0x16e: {  	[sflag:s12] =	ssyncset.done $0x0  }
0x16f: {  	[sflag:s12] =	ssyncadd.s32 $0xFFFF8300  }
0x170: {  	[spmem:s2] =	stream.indirect.scatter.add.f32 [tilespmem:s9], [sflag:$0x3], $0x20, s16, s6, $0xb8;
	[tilespmem:$0x1E640] =	vst v63  }
0x171: {  	_ =	swait.ge [sflag:s13], $0x7D00  }
0x172: {  	[sflag:s13] =	ssyncset.done $0x0  }
0x173: {  	[sflag:s13] =	ssyncadd.s32 $0xFFFF8300  }
0x174: {  	[spmem:s2] =	stream.indirect.scatter.add.f32 [tilespmem:s7], [sflag:$0x4], $0x20, s15, s6, $0xb8;
	[tilespmem:$0x1E640] =	vst v63  }
0x175: {  	_ =	swait.ge [sflag:s11], $0x7D00  }
0x176: {  	[sflag:s11] =	ssyncset.done $0x0  }
0x177: {  	[sflag:s11] =	ssyncadd.s32 $0xFFFF8300  }
0x178: {  	_ =	swait.ge [sflag:s8], $0x7D00  }
0x179: {  	[sflag:s8] =	ssyncset.done $0x0  }
0x17a: {  	[sflag:s8] =	ssyncadd.s32 $0xFFFF8300  }
0x17b: {  	[bflag:$0x0] =	sbarrier.arrive $0xFFFF  }
0x17c: {  	[tilespmem:s25], [sflag:$0x5] =	stream.linear.gather @p0 [spmem:s4], $0x3200, $0x38;
	[tilespmem:$0x1E640] =	vst v63  }
0x17d: {  	_ =	swait.ge @p0 [sflag:s23], $0x3200  }
0x17e: {  	[sflag:s23] =	ssyncset.done @p0 $0x0  }
0x17f: {  	[sflag:s23] =	ssyncadd.s32 @p0 $0xFFFFCE00  }
0x180: {  	[hbm4b:s14+s24] =	stream.linear.scatter @p0 [tilespmem:s25], [sflag:$0x5], $0x3200, $0x38;
	[tilespmem:$0x1E640] =	vst v63  }
0x181: {  	_ =	swait.ge @p0 [sflag:s23], $0x3200  }
0x182: {  	[sflag:s23] =	ssyncset.done @p0 $0x0  }
0x183: {  	[sflag:s23] =	ssyncadd.s32 @p0 $0xFFFFCE00  }
0x184: {  	[tilespmem:s29], [sflag:$0x5] =	stream.linear.gather @!p0 [spmem:s3], $0x5000, $0x38;
	[tilespmem:$0x1E640] =	vst v63  }
0x185: {  	_ =	swait.ge @!p0 [sflag:s26], $0x5000  }
0x186: {  	[sflag:s26] =	ssyncset.done @!p0 $0x0  }
0x187: {  	[sflag:s26] =	ssyncadd.s32 @!p0 $0xFFFFB000  }
0x188: {  	[hbm4b:s10+s28] =	stream.linear.scatter @!p0 [tilespmem:s29], [sflag:$0x5], $0x5000, $0x38;
	[tilespmem:$0x1E640] =	vst v63  }
0x189: {  	_ =	swait.ge @!p0 [sflag:s26], $0x5000  }
0x18a: {  	[sflag:s26] =	ssyncset.done @!p0 $0x0  }
0x18b: {  	[sflag:s26] =	ssyncadd.s32 @!p0 $0xFFFFB000  }
0x18c: {  	_ =	sfence.sel $0x180000  }
0x18d: {  	[bflag:$0x0] =	sbarrier.arrive $0xFFFF  }
0x18e: {  	p0 =	sne.s32 s1, $0x0;
	_ =	strace $0x9000004A  }
0x18f: {  	s0 =	sadd.s32 @!p0 $0x100000, s30;
	[bflag:$0x2] =	sbarrier.arrive $0xFFFF  }
0x190: {  	[sflag:s0] =	ssyncadd.tile.s32 @!p0 $0x1;
	_ =	shalt  }
.LBB2_1:
.Ltmp3:
0x191: {  	(pc) =	sbr.rel .LBB2_6-.Ltmp3, $2  }
0x192: {  	_ =	sdelay $0x2  }
0x193: {  	_ = 	snop  }
.LBB2_3:
.Ltmp4:
0x194: {  	(pc) =	sbr.rel .LBB2_6-.Ltmp4, $2  }
0x195: {  	_ =	sdelay $0x2  }
0x196: {  	s30 =	rddreg [dreg:$0x2]  }
.Lfunc_end2:
_tile_overlayer_lowered:
.L_overlay_start_2:
0x197: {  	(tag) =	ssettag $0x2  }
0x198: {  	s0 =	rddreg [dreg:$0x0];
	s2 =	stileid.u32  }
0x199: {  	s1 =	rddreg [dreg:$0x1];
	p0 =	sne.s32 s2, $0x0  }
0x19a: {  	s3 =	rddreg [dreg:$0x2];
	[bflag:$0x3] =	sbarrier.arrive $0xFFFF;
	s2 =	simm.s32 @!p0 $0x1C05  }
0x19b: {  	[timem:s3], [sflag:s2] =	dma.local @!p0 [hbm:s0], s1  }
0x19c: {  	s0 =	simm.s32 @!p0 $0x5  }
0x19d: {  	_ =	swait.ge @!p0 [sflag:s0], s1  }
0x19e: {  	s1 =	ssub.s32 @!p0 $0x0, s1;
	[sflag:s0] =	ssyncset.done @!p0 $0x0  }
0x19f: {  	[sflag:s0] =	ssyncadd.s32 @!p0 s1  }
0x1a0: {  	[bflag:$0x3] =	sbarrier.arrive $0xFFFF  }
0x1a1: {  	_ =	shalt  }

</sc_bundles>
